<compile_context>
chip_gen: v7x
topology: tpu7x:2x2x1
jax: 0.10.2.dev20260603
libtpu: 0.0.44.dev20260713+nightly
codegen_flags: <defaults>
</compile_context>

<pallas_src>
import functools

import jax
import jax.numpy as jnp
from jax import lax
from jax.experimental import pallas as pl
from jax.experimental.pallas import tpu as pltpu
from jax.experimental.pallas import tpu_sc as plsc

N = 10000
E = 320000
D = 128
M = 512

NP = 10240
TRASH = NP - N
NTILES = 16
CH = 160
EPT = CH * 128
EPAD = EPT * NTILES
ROWS_PT = NP // NTILES
IB = 16

_SC_MESH = dict(core_axis_name="c", subcore_axis_name="s")


def _deg_body(idx_hbm, deg_hbm, idx_v, ones_v, zero_v, deg_sh, sem):
    c = lax.axis_index("c")
    s = lax.axis_index("s")

    def init_zero(i, carry):
        zero_v[pl.ds(i * 16, 16)] = jnp.zeros((16,), jnp.float32)
        return carry

    lax.fori_loop(0, ROWS_PT // 16, init_zero, 0)

    def init_one(i, carry):
        ones_v[pl.ds(i * 16, 16)] = jnp.ones((16,), jnp.float32)
        return carry

    lax.fori_loop(0, 128 // 16, init_one, 0)

    pltpu.sync_copy(zero_v, deg_sh.at[pl.ds(s * ROWS_PT, ROWS_PT)])
    pltpu.sync_copy(idx_hbm.at[c, s], idx_v)
    plsc.subcore_barrier()

    DB = 16

    def batch(b, carry):
        descs = [
            pltpu.async_copy(ones_v, deg_sh.at[idx_v.at[b * DB + k]], sem,
                             add=True)
            for k in range(DB)
        ]
        for d in descs:
            d.wait()
        return carry

    lax.fori_loop(0, CH // DB, batch, 0)
    plsc.subcore_barrier()
    pltpu.sync_copy(deg_sh.at[pl.ds(s * ROWS_PT, ROWS_PT)],
                    deg_hbm.at[pl.ds(c * NP + s * ROWS_PT, ROWS_PT)])


_deg_kernel = functools.partial(
    pl.kernel,
    out_type=jax.ShapeDtypeStruct((2 * NP,), jnp.float32),
    mesh=plsc.VectorSubcoreMesh(**_SC_MESH),
    scratch_types=[
        pltpu.VMEM((CH, 128), jnp.int32),
        pltpu.VMEM((128,), jnp.float32),
        pltpu.VMEM((ROWS_PT,), jnp.float32),
        pltpu.VMEM_SHARED((NP,), jnp.float32),
        pltpu.SemaphoreType.DMA,
    ],
)(_deg_body)


def _agg_body(x_hbm, idx_hbm, out_hbm, src_v, dst_v, buf0, buf1,
              accum_sh, sem0, sem1):
    c = lax.axis_index("c")
    s = lax.axis_index("s")
    xc = x_hbm.at[c]

    pltpu.sync_copy(xc.at[pl.ds(s * ROWS_PT, ROWS_PT)],
                    accum_sh.at[pl.ds(s * ROWS_PT, ROWS_PT)])
    plsc.subcore_barrier()

    bufs = (buf0, buf1)
    sems = (sem0, sem1)

    def block(blk, carry):
        pltpu.sync_copy(idx_hbm.at[0, s, pl.ds(blk * IB, IB)], src_v)
        pltpu.sync_copy(idx_hbm.at[1, s, pl.ds(blk * IB, IB)], dst_v)
        descs = {0: pltpu.async_copy(xc.at[src_v.at[0]], buf0, sem0)}
        for j in range(IB):
            if j + 1 < IB:
                descs[j + 1] = pltpu.async_copy(
                    xc.at[src_v.at[j + 1]], bufs[(j + 1) % 2],
                    sems[(j + 1) % 2])
            descs[j].wait()
            pltpu.sync_copy(bufs[j % 2], accum_sh.at[dst_v.at[j]], add=True)
        return carry

    lax.fori_loop(0, CH // IB, block, 0)
    plsc.subcore_barrier()
    pltpu.sync_copy(accum_sh.at[pl.ds(s * ROWS_PT, ROWS_PT)],
                    out_hbm.at[c, pl.ds(s * ROWS_PT, ROWS_PT)])


_agg_kernel = functools.partial(
    pl.kernel,
    out_type=jax.ShapeDtypeStruct((2, NP, 128), jnp.float32),
    mesh=plsc.VectorSubcoreMesh(**_SC_MESH),
    scratch_types=[
        pltpu.VMEM((IB, 128), jnp.int32),
        pltpu.VMEM((IB, 128), jnp.int32),
        pltpu.VMEM((128, 128), jnp.float32),
        pltpu.VMEM((128, 128), jnp.float32),
        pltpu.VMEM_SHARED((NP, 128), jnp.float32),
        pltpu.SemaphoreType.DMA,
        pltpu.SemaphoreType.DMA,
    ],
)(_agg_body)


def _scale_body(h_ref, inc_ref, nh_ref, deg_ref, x_ref):
    scale = lax.rsqrt(deg_ref[...] + 1.0)
    x_ref[0] = h_ref[...] * scale
    fused = jnp.dot(inc_ref[...], nh_ref[...],
                    preferred_element_type=jnp.float32,
                    precision=lax.Precision.HIGHEST)
    x_ref[1] = fused * scale


def _tc_scale(curr_h, curr_inc, next_h, deg_out_hist):
    R = 1000
    return pl.pallas_call(
        _scale_body,
        grid=(N // R,),
        in_specs=[
            pl.BlockSpec((R, D), lambda i: (i, 0)),
            pl.BlockSpec((R, M), lambda i: (i, 0)),
            pl.BlockSpec((M, D), lambda i: (0, 0)),
            pl.BlockSpec((R, 1), lambda i: (i, 0)),
        ],
        out_specs=pl.BlockSpec((2, R, D), lambda i: (0, i, 0)),
        out_shape=jax.ShapeDtypeStruct((2, NP, D), jnp.float32),
    )(curr_h, curr_inc, next_h, deg_out_hist)


def _final_body(agg_ref, deg_ref, wc_ref, wf_ref, cw_ref, tw_ref,
                bc_ref, bf_ref, g_ref, b_ref, out_ref):
    scale = lax.rsqrt(deg_ref[...] + 1.0)
    a0 = agg_ref[0] * scale
    a1 = agg_ref[1] * scale
    w0 = wc_ref[...] * cw_ref[...]
    w1 = wf_ref[...] * tw_ref[...]
    pre = (jnp.dot(a0, w0, preferred_element_type=jnp.float32,
                   precision=lax.Precision.HIGHEST)
           + jnp.dot(a1, w1, preferred_element_type=jnp.float32,
                     precision=lax.Precision.HIGHEST)
           + bc_ref[...] * cw_ref[...] + bf_ref[...] * tw_ref[...])
    mu = jnp.mean(pre, axis=1, keepdims=True)
    xc = pre - mu
    var = jnp.mean(xc * xc, axis=1, keepdims=True)
    y = xc * lax.rsqrt(var + 1e-5) * g_ref[...] + b_ref[...]
    out_ref[...] = jnp.maximum(y, 0.0)


def _tc_final(agg, deg_in_hist, W_conv, W_fus, conv_w, topdown_w,
              b_conv, b_fus, ln_g, ln_b):
    R = 400
    grid = N // R
    full = pl.BlockSpec((D, D), lambda i: (0, 0))
    vec = pl.BlockSpec((1, D), lambda i: (0, 0))
    return pl.pallas_call(
        _final_body,
        grid=(grid,),
        in_specs=[
            pl.BlockSpec((2, R, D), lambda i: (0, i, 0)),
            pl.BlockSpec((R, 1), lambda i: (i, 0)),
            full, full, vec, vec, vec, vec, vec, vec,
        ],
        out_specs=pl.BlockSpec((R, D), lambda i: (i, 0)),
        out_shape=jax.ShapeDtypeStruct((N, D), jnp.float32),
    )(agg, deg_in_hist, W_conv, W_fus, conv_w.reshape(1, D),
      topdown_w.reshape(1, D), b_conv.reshape(1, D), b_fus.reshape(1, D),
      ln_g.reshape(1, D), ln_b.reshape(1, D))


def kernel(curr_h, next_h, curr_inc, edge_index, W_conv, b_conv, W_fus, b_fus,
           conv_w, topdown_w, ln_g, ln_b):
    ei = edge_index.astype(jnp.int32)
    src, dst = ei[0], ei[1]
    pad = EPAD - E
    trash = N + (jnp.arange(pad, dtype=jnp.int32) % TRASH)
    src_p = jnp.concatenate([src, trash]).reshape(NTILES, CH, 128)
    dst_p = jnp.concatenate([dst, trash]).reshape(NTILES, CH, 128)

    combo = jnp.stack([src_p, dst_p])
    deg2 = _deg_kernel(combo)

    x = _tc_scale(curr_h, curr_inc, next_h, deg2[:N].reshape(N, 1))

    agg = _agg_kernel(x, combo)

    return _tc_final(agg, deg2[NP:].reshape(NP, 1),
                     W_conv, W_fus, conv_w, topdown_w, b_conv, b_fus,
                     ln_g, ln_b)

# --- scband reference (transcript-rebuilt; emitter-appended) ---
"""Pipeline reference for scband-lgcore-25915832664743 (READ-ONLY COPY).

The authoritative reference and input builder live on the scoring server;
editing this copy changes nothing except your own understanding.
"""

import jax, jax.numpy as jnp
import numpy as np

N = 10000
E = 320000
D = 128
M = 512


def setup_inputs(seed: int = 0) -> dict:
    key = jax.random.key(seed)
    ks = jax.random.split(key, 12)
    curr_h = jax.random.normal(ks[0], (N, D), dtype=jnp.float32)
    next_h = jax.random.normal(ks[1], (M, D), dtype=jnp.float32)
    curr_inc = jax.random.uniform(ks[2], (N, M), dtype=jnp.float32)
    edge_index = jax.random.randint(ks[3], (2, E), 0, N, dtype=jnp.int32).astype(jnp.int64)
    W_conv = jax.random.normal(ks[4], (D, D), dtype=jnp.float32) * (1.0 / np.sqrt(D))
    b_conv = jnp.zeros((D,), dtype=jnp.float32)
    W_fus = jax.random.normal(ks[5], (D, D), dtype=jnp.float32) * (1.0 / np.sqrt(D))
    b_fus = jnp.zeros((D,), dtype=jnp.float32)
    conv_w = jax.random.uniform(ks[6], (D,), dtype=jnp.float32)
    topdown_w = jax.random.uniform(ks[7], (D,), dtype=jnp.float32)
    ln_g = jnp.ones((D,), dtype=jnp.float32)
    ln_b = jnp.zeros((D,), dtype=jnp.float32)
    return {"curr_h": curr_h, "next_h": next_h, "curr_inc": curr_inc,
            "edge_index": edge_index, "W_conv": W_conv, "b_conv": b_conv,
            "W_fus": W_fus, "b_fus": b_fus, "conv_w": conv_w,
            "topdown_w": topdown_w, "ln_g": ln_g, "ln_b": ln_b}


def _graph_conv(x, W, b, src, dst, n):
    # DGL GraphConv with norm='both' on a graph with self-loops added
    loop = jnp.arange(n, dtype=src.dtype)
    src2 = jnp.concatenate([src, loop])
    dst2 = jnp.concatenate([dst, loop])
    ones = jnp.ones(src2.shape[0], dtype=x.dtype)
    deg_out = jnp.zeros((n,), dtype=x.dtype).at[src2].add(ones)
    deg_in = jnp.zeros((n,), dtype=x.dtype).at[dst2].add(ones)
    h = x * jax.lax.rsqrt(deg_out)[:, None]
    agg = jnp.zeros_like(x).at[dst2].add(h[src2])
    agg = agg * jax.lax.rsqrt(deg_in)[:, None]
    return agg @ W + b[None, :]


def _layer_norm(x, g, b, eps=1e-5):
    mu = jnp.mean(x, axis=-1, keepdims=True)
    var = jnp.mean((x - mu) ** 2, axis=-1, keepdims=True)
    return (x - mu) / jnp.sqrt(var + eps) * g[None, :] + b[None, :]


def reference(curr_h, next_h, curr_inc, edge_index, W_conv, b_conv, W_fus, b_fus, conv_w, topdown_w, ln_g, ln_b):
    src = edge_index[0]
    dst = edge_index[1]
    n = curr_h.shape[0]
    conv_layer = _graph_conv(curr_h, W_conv, b_conv, src, dst, n) * conv_w[None, :]
    fused_in = curr_inc @ next_h
    top_down_layer = _graph_conv(fused_in, W_fus, b_fus, src, dst, n) * topdown_w[None, :]
    result = conv_layer + top_down_layer
    result = _layer_norm(result, ln_g, ln_b)
    # dropout p=0.0 -> identity (eval)
    result = jax.nn.relu(result)
    return result

if __name__ == "__main__":
    import jax
    _d = setup_inputs()
    print(jax.jit(kernel)(*tuple(_d.values())))

</pallas_src>

<mosaic_0001>
#map = affine_map<(d0, d1) -> (0, 0, 0, 0)>
#map1 = affine_map<(d0, d1) -> (0)>
module attributes {stable_mosaic.version = 14 : i64} {
  func.func @_deg_body(%arg0: i32, %arg1: i32, %arg2: memref<2x16x160x128xi32, #tpu.memory_space<hbm>>, %arg3: memref<20480xf32, #tpu.memory_space<hbm>>, %arg4: memref<160x128xi32, #tpu.memory_space<vmem>>, %arg5: memref<128xf32, #tpu.memory_space<vmem>>, %arg6: memref<640xf32, #tpu.memory_space<vmem>>, %arg7: memref<10240xf32, #tpu.memory_space<vmem_shared>>, %arg8: memref<!tpu.dma_semaphore, #tpu.memory_space<semaphore_mem>>) attributes {dimension_semantics = [#tpu.dimension_semantics<core_parallel>, #tpu.dimension_semantics<subcore_parallel>], iteration_bounds = array<i64: 2, 16>, scalar_prefetch = 0 : i64, scratch_operands = 5 : i64, tpu.core_type = #tpu.core_type<sc_vector_subcore>, window_params = [{transform_indices = #map}, {transform_indices = #map1}]} {
    %scan3A = arith.constant 0 : i32
    %scan3A_0 = arith.constant 0 : i32
    %scan3A_1 = arith.constant 40 : i32
    %scan3A_2 = arith.addi %scan3A_0, %scan3A_1 : i32
    %scan3A_3 = arith.constant 1 : i32
    scf.for %scan3A_25 = %scan3A_0 to %scan3A_2 step %scan3A_3  : i32 {
      %broadcast_in_dim3A = arith.constant 0.000000e+00 : f32
      %broadcast_in_dim3A_26 = vector.broadcast %broadcast_in_dim3A : f32 to vector<16xf32>
      %mul3A_27 = arith.constant 16 : i32
      %mul3A_28 = arith.muli %scan3A_25, %mul3A_27 : i32
      %swap3A = arith.index_cast %mul3A_28 : i32 to index
      %swap3A_29 = tpu.vector_load %arg6[%swap3A] {strides = array<i32>} : memref<640xf32, #tpu.memory_space<vmem>>, vector<16xf32>,
      %swap3A_30 = vector.shape_cast %swap3A_29 : vector<16xf32> to vector<16xf32>
      %swap3A_31 = vector.shape_cast %broadcast_in_dim3A_26 : vector<16xf32> to vector<16xf32>
      tpu.vector_store %arg6[%swap3A], %swap3A_31 {strides = array<i32>} : memref<640xf32, #tpu.memory_space<vmem>>, vector<16xf32>,
    }
    %scan3A_4 = arith.constant 40 : i32
    %scan3A_5 = arith.constant 0 : i32
    %scan3A_6 = arith.constant 0 : i32
    %scan3A_7 = arith.constant 8 : i32
    %scan3A_8 = arith.addi %scan3A_6, %scan3A_7 : i32
    %scan3A_9 = arith.constant 1 : i32
    scf.for %scan3A_25 = %scan3A_6 to %scan3A_8 step %scan3A_9  : i32 {
      %broadcast_in_dim3A = arith.constant 1.000000e+00 : f32
      %broadcast_in_dim3A_26 = vector.broadcast %broadcast_in_dim3A : f32 to vector<16xf32>
      %mul3A_27 = arith.constant 16 : i32
      %mul3A_28 = arith.muli %scan3A_25, %mul3A_27 : i32
      %swap3A = arith.index_cast %mul3A_28 : i32 to index
      %swap3A_29 = tpu.vector_load %arg5[%swap3A] {strides = array<i32>} : memref<128xf32, #tpu.memory_space<vmem>>, vector<16xf32>,
      %swap3A_30 = vector.shape_cast %swap3A_29 : vector<16xf32> to vector<16xf32>
      %swap3A_31 = vector.shape_cast %broadcast_in_dim3A_26 : vector<16xf32> to vector<16xf32>
      tpu.vector_store %arg5[%swap3A], %swap3A_31 {strides = array<i32>} : memref<128xf32, #tpu.memory_space<vmem>>, vector<16xf32>,
    }
    %scan3A_10 = arith.constant 8 : i32
    %mul3A = arith.constant 640 : i32
    %mul3A_11 = arith.muli %arg1, %mul3A : i32
    "tpu.region"() ({
      %run_scoped3A = tpu.sem_alloc : memref<!tpu.dma_semaphore, #tpu.memory_space<semaphore_mem>>
      %dma_start3A = tpu.memref_slice %arg7[%mul3A_11] : memref<10240xf32, #tpu.memory_space<vmem_shared>> -> memref<640xf32, #tpu.memory_space<vmem_shared>>
      %dma_start3A_25 = tpu.memref_slice %arg7[%mul3A_11] : memref<10240xf32, #tpu.memory_space<vmem_shared>> -> memref<640xf32, #tpu.memory_space<vmem_shared>>
      tpu.enqueue_dma source(%arg6 : memref<640xf32, #tpu.memory_space<vmem>>) target(%dma_start3A_25 : memref<640xf32, #tpu.memory_space<vmem_shared>>) target_semaphore(%run_scoped3A : memref<!tpu.dma_semaphore, #tpu.memory_space<semaphore_mem>>)
      %dma_wait3A = tpu.memref_slice %arg7[%mul3A_11] : memref<10240xf32, #tpu.memory_space<vmem_shared>> -> memref<640xf32, #tpu.memory_space<vmem_shared>>
      %dma_wait3A_26 = tpu.memref_slice %arg7[%mul3A_11] : memref<10240xf32, #tpu.memory_space<vmem_shared>> -> memref<640xf32, #tpu.memory_space<vmem_shared>>
      tpu.wait_dma2 semaphore(%run_scoped3A : memref<!tpu.dma_semaphore, #tpu.memory_space<semaphore_mem>>) src(%arg6 : memref<640xf32, #tpu.memory_space<vmem>>) dst(%dma_wait3A_26 : memref<640xf32, #tpu.memory_space<vmem_shared>>)
      tpu.yield
    }) : () -> ()
    "tpu.region"() ({
      %run_scoped3A = tpu.sem_alloc : memref<!tpu.dma_semaphore, #tpu.memory_space<semaphore_mem>>
      %dma_start3A = arith.constant 0 : i32
      %dma_start3A_25 = arith.constant 0 : i32
      %dma_start3A_26 = tpu.memref_slice %arg2[%arg0, %arg1, %dma_start3A, %dma_start3A_25] : memref<2x16x160x128xi32, #tpu.memory_space<hbm>> -> memref<1x1x160x128xi32, #tpu.memory_space<hbm>>
      %dma_start3A_27 = tpu.memref_squeeze %dma_start3A_26 : memref<1x1x160x128xi32, #tpu.memory_space<hbm>> -> memref<160x128xi32, #tpu.memory_space<hbm>>
      %dma_start3A_28 = arith.constant 0 : i32
      %dma_start3A_29 = arith.constant 0 : i32
      %dma_start3A_30 = tpu.memref_slice %arg2[%arg0, %arg1, %dma_start3A_28, %dma_start3A_29] : memref<2x16x160x128xi32, #tpu.memory_space<hbm>> -> memref<1x1x160x128xi32, #tpu.memory_space<hbm>>
      %dma_start3A_31 = tpu.memref_squeeze %dma_start3A_30 : memref<1x1x160x128xi32, #tpu.memory_space<hbm>> -> memref<160x128xi32, #tpu.memory_space<hbm>>
      tpu.enqueue_dma source(%dma_start3A_31 : memref<160x128xi32, #tpu.memory_space<hbm>>) target(%arg4 : memref<160x128xi32, #tpu.memory_space<vmem>>) target_semaphore(%run_scoped3A : memref<!tpu.dma_semaphore, #tpu.memory_space<semaphore_mem>>)
      %dma_wait3A = arith.constant 0 : i32
      %dma_wait3A_32 = arith.constant 0 : i32
      %dma_wait3A_33 = tpu.memref_slice %arg2[%arg0, %arg1, %dma_wait3A, %dma_wait3A_32] : memref<2x16x160x128xi32, #tpu.memory_space<hbm>> -> memref<1x1x160x128xi32, #tpu.memory_space<hbm>>
      %dma_wait3A_34 = tpu.memref_squeeze %dma_wait3A_33 : memref<1x1x160x128xi32, #tpu.memory_space<hbm>> -> memref<160x128xi32, #tpu.memory_space<hbm>>
      %dma_wait3A_35 = arith.constant 0 : i32
      %dma_wait3A_36 = arith.constant 0 : i32
      %dma_wait3A_37 = tpu.memref_slice %arg2[%arg0, %arg1, %dma_wait3A_35, %dma_wait3A_36] : memref<2x16x160x128xi32, #tpu.memory_space<hbm>> -> memref<1x1x160x128xi32, #tpu.memory_space<hbm>>
      %dma_wait3A_38 = tpu.memref_squeeze %dma_wait3A_37 : memref<1x1x160x128xi32, #tpu.memory_space<hbm>> -> memref<160x128xi32, #tpu.memory_space<hbm>>
      tpu.wait_dma2 semaphore(%run_scoped3A : memref<!tpu.dma_semaphore, #tpu.memory_space<semaphore_mem>>) src(%dma_wait3A_38 : memref<160x128xi32, #tpu.memory_space<hbm>>) dst(%arg4 : memref<160x128xi32, #tpu.memory_space<vmem>>)
      tpu.yield
    }) : () -> ()
    %barrier3A = arith.constant 0 : index
    tpu.barrier barrier_id(%barrier3A)
    %scan3A_12 = arith.constant 0 : i32
    %scan3A_13 = arith.constant 0 : i32
    %scan3A_14 = arith.constant 10 : i32
    %scan3A_15 = arith.addi %scan3A_13, %scan3A_14 : i32
    %scan3A_16 = arith.constant 1 : i32
    scf.for %scan3A_25 = %scan3A_13 to %scan3A_15 step %scan3A_16  : i32 {
      %mul3A_26 = arith.constant 16 : i32
      %mul3A_27 = arith.muli %scan3A_25, %mul3A_26 : i32
      %add3A_28 = arith.constant 0 : i32
      %add3A_29 = arith.addi %mul3A_27, %add3A_28 : i32
      %dma_start3A = arith.constant 0 : i32
      %dma_start3A_30 = tpu.memref_slice %arg4[%add3A_29, %dma_start3A] : memref<160x128xi32, #tpu.memory_space<vmem>> -> memref<1x128xi32, #tpu.memory_space<vmem>>
      %dma_start3A_31 = tpu.memref_squeeze %dma_start3A_30 : memref<1x128xi32, #tpu.memory_space<vmem>> -> memref<128xi32, #tpu.memory_space<vmem>>
      %dma_start3A_32 = arith.constant 0 : i32
      %dma_start3A_33 = tpu.memref_slice %arg7[%dma_start3A_32] : memref<10240xf32, #tpu.memory_space<vmem_shared>> -> memref<10240xf32, #tpu.memory_space<vmem_shared>>
      tpu.enqueue_indirect_dma source(%arg5 : memref<128xf32, #tpu.memory_space<vmem>>) target(%dma_start3A_33 : memref<10240xf32, #tpu.memory_space<vmem_shared>>) offsets(%dma_start3A_31 : memref<128xi32, #tpu.memory_space<vmem>>) semaphore(%arg8 : memref<!tpu.dma_semaphore, #tpu.memory_space<semaphore_mem>>) {add = true}
      %mul3A_34 = arith.constant 16 : i32
      %mul3A_35 = arith.muli %scan3A_25, %mul3A_34 : i32
      %add3A_36 = arith.constant 1 : i32
      %add3A_37 = arith.addi %mul3A_35, %add3A_36 : i32
      %dma_start3A_38 = arith.constant 0 : i32
      %dma_start3A_39 = tpu.memref_slice %arg4[%add3A_37, %dma_start3A_38] : memref<160x128xi32, #tpu.memory_space<vmem>> -> memref<1x128xi32, #tpu.memory_space<vmem>>
      %dma_start3A_40 = tpu.memref_squeeze %dma_start3A_39 : memref<1x128xi32, #tpu.memory_space<vmem>> -> memref<128xi32, #tpu.memory_space<vmem>>
      %dma_start3A_41 = arith.constant 0 : i32
      %dma_start3A_42 = tpu.memref_slice %arg7[%dma_start3A_41] : memref<10240xf32, #tpu.memory_space<vmem_shared>> -> memref<10240xf32, #tpu.memory_space<vmem_shared>>
      tpu.enqueue_indirect_dma source(%arg5 : memref<128xf32, #tpu.memory_space<vmem>>) target(%dma_start3A_42 : memref<10240xf32, #tpu.memory_space<vmem_shared>>) offsets(%dma_start3A_40 : memref<128xi32, #tpu.memory_space<vmem>>) semaphore(%arg8 : memref<!tpu.dma_semaphore, #tpu.memory_space<semaphore_mem>>) {add = true}
      %mul3A_43 = arith.constant 16 : i32
      %mul3A_44 = arith.muli %scan3A_25, %mul3A_43 : i32
      %add3A_45 = arith.constant 2 : i32
      %add3A_46 = arith.addi %mul3A_44, %add3A_45 : i32
      %dma_start3A_47 = arith.constant 0 : i32
      %dma_start3A_48 = tpu.memref_slice %arg4[%add3A_46, %dma_start3A_47] : memref<160x128xi32, #tpu.memory_space<vmem>> -> memref<1x128xi32, #tpu.memory_space<vmem>>
      %dma_start3A_49 = tpu.memref_squeeze %dma_start3A_48 : memref<1x128xi32, #tpu.memory_space<vmem>> -> memref<128xi32, #tpu.memory_space<vmem>>
      %dma_start3A_50 = arith.constant 0 : i32
      %dma_start3A_51 = tpu.memref_slice %arg7[%dma_start3A_50] : memref<10240xf32, #tpu.memory_space<vmem_shared>> -> memref<10240xf32, #tpu.memory_space<vmem_shared>>
      tpu.enqueue_indirect_dma source(%arg5 : memref<128xf32, #tpu.memory_space<vmem>>) target(%dma_start3A_51 : memref<10240xf32, #tpu.memory_space<vmem_shared>>) offsets(%dma_start3A_49 : memref<128xi32, #tpu.memory_space<vmem>>) semaphore(%arg8 : memref<!tpu.dma_semaphore, #tpu.memory_space<semaphore_mem>>) {add = true}
      %mul3A_52 = arith.constant 16 : i32
      %mul3A_53 = arith.muli %scan3A_25, %mul3A_52 : i32
      %add3A_54 = arith.constant 3 : i32
      %add3A_55 = arith.addi %mul3A_53, %add3A_54 : i32
      %dma_start3A_56 = arith.constant 0 : i32
      %dma_start3A_57 = tpu.memref_slice %arg4[%add3A_55, %dma_start3A_56] : memref<160x128xi32, #tpu.memory_space<vmem>> -> memref<1x128xi32, #tpu.memory_space<vmem>>
      %dma_start3A_58 = tpu.memref_squeeze %dma_start3A_57 : memref<1x128xi32, #tpu.memory_space<vmem>> -> memref<128xi32, #tpu.memory_space<vmem>>
      %dma_start3A_59 = arith.constant 0 : i32
      %dma_start3A_60 = tpu.memref_slice %arg7[%dma_start3A_59] : memref<10240xf32, #tpu.memory_space<vmem_shared>> -> memref<10240xf32, #tpu.memory_space<vmem_shared>>
      tpu.enqueue_indirect_dma source(%arg5 : memref<128xf32, #tpu.memory_space<vmem>>) target(%dma_start3A_60 : memref<10240xf32, #tpu.memory_space<vmem_shared>>) offsets(%dma_start3A_58 : memref<128xi32, #tpu.memory_space<vmem>>) semaphore(%arg8 : memref<!tpu.dma_semaphore, #tpu.memory_space<semaphore_mem>>) {add = true}
      %mul3A_61 = arith.constant 16 : i32
      %mul3A_62 = arith.muli %scan3A_25, %mul3A_61 : i32
      %add3A_63 = arith.constant 4 : i32
      %add3A_64 = arith.addi %mul3A_62, %add3A_63 : i32
      %dma_start3A_65 = arith.constant 0 : i32
      %dma_start3A_66 = tpu.memref_slice %arg4[%add3A_64, %dma_start3A_65] : memref<160x128xi32, #tpu.memory_space<vmem>> -> memref<1x128xi32, #tpu.memory_space<vmem>>
      %dma_start3A_67 = tpu.memref_squeeze %dma_start3A_66 : memref<1x128xi32, #tpu.memory_space<vmem>> -> memref<128xi32, #tpu.memory_space<vmem>>
      %dma_start3A_68 = arith.constant 0 : i32
      %dma_start3A_69 = tpu.memref_slice %arg7[%dma_start3A_68] : memref<10240xf32, #tpu.memory_space<vmem_shared>> -> memref<10240xf32, #tpu.memory_space<vmem_shared>>
      tpu.enqueue_indirect_dma source(%arg5 : memref<128xf32, #tpu.memory_space<vmem>>) target(%dma_start3A_69 : memref<10240xf32, #tpu.memory_space<vmem_shared>>) offsets(%dma_start3A_67 : memref<128xi32, #tpu.memory_space<vmem>>) semaphore(%arg8 : memref<!tpu.dma_semaphore, #tpu.memory_space<semaphore_mem>>) {add = true}
      %mul3A_70 = arith.constant 16 : i32
      %mul3A_71 = arith.muli %scan3A_25, %mul3A_70 : i32
      %add3A_72 = arith.constant 5 : i32
      %add3A_73 = arith.addi %mul3A_71, %add3A_72 : i32
      %dma_start3A_74 = arith.constant 0 : i32
      %dma_start3A_75 = tpu.memref_slice %arg4[%add3A_73, %dma_start3A_74] : memref<160x128xi32, #tpu.memory_space<vmem>> -> memref<1x128xi32, #tpu.memory_space<vmem>>
      %dma_start3A_76 = tpu.memref_squeeze %dma_start3A_75 : memref<1x128xi32, #tpu.memory_space<vmem>> -> memref<128xi32, #tpu.memory_space<vmem>>
      %dma_start3A_77 = arith.constant 0 : i32
      %dma_start3A_78 = tpu.memref_slice %arg7[%dma_start3A_77] : memref<10240xf32, #tpu.memory_space<vmem_shared>> -> memref<10240xf32, #tpu.memory_space<vmem_shared>>
      tpu.enqueue_indirect_dma source(%arg5 : memref<128xf32, #tpu.memory_space<vmem>>) target(%dma_start3A_78 : memref<10240xf32, #tpu.memory_space<vmem_shared>>) offsets(%dma_start3A_76 : memref<128xi32, #tpu.memory_space<vmem>>) semaphore(%arg8 : memref<!tpu.dma_semaphore, #tpu.memory_space<semaphore_mem>>) {add = true}
      %mul3A_79 = arith.constant 16 : i32
      %mul3A_80 = arith.muli %scan3A_25, %mul3A_79 : i32
      %add3A_81 = arith.constant 6 : i32
      %add3A_82 = arith.addi %mul3A_80, %add3A_81 : i32
      %dma_start3A_83 = arith.constant 0 : i32
      %dma_start3A_84 = tpu.memref_slice %arg4[%add3A_82, %dma_start3A_83] : memref<160x128xi32, #tpu.memory_space<vmem>> -> memref<1x128xi32, #tpu.memory_space<vmem>>
      %dma_start3A_85 = tpu.memref_squeeze %dma_start3A_84 : memref<1x128xi32, #tpu.memory_space<vmem>> -> memref<128xi32, #tpu.memory_space<vmem>>
      %dma_start3A_86 = arith.constant 0 : i32
      %dma_start3A_87 = tpu.memref_slice %arg7[%dma_start3A_86] : memref<10240xf32, #tpu.memory_space<vmem_shared>> -> memref<10240xf32, #tpu.memory_space<vmem_shared>>
      tpu.enqueue_indirect_dma source(%arg5 : memref<128xf32, #tpu.memory_space<vmem>>) target(%dma_start3A_87 : memref<10240xf32, #tpu.memory_space<vmem_shared>>) offsets(%dma_start3A_85 : memref<128xi32, #tpu.memory_space<vmem>>) semaphore(%arg8 : memref<!tpu.dma_semaphore, #tpu.memory_space<semaphore_mem>>) {add = true}
      %mul3A_88 = arith.constant 16 : i32
      %mul3A_89 = arith.muli %scan3A_25, %mul3A_88 : i32
      %add3A_90 = arith.constant 7 : i32
      %add3A_91 = arith.addi %mul3A_89, %add3A_90 : i32
      %dma_start3A_92 = arith.constant 0 : i32
      %dma_start3A_93 = tpu.memref_slice %arg4[%add3A_91, %dma_start3A_92] : memref<160x128xi32, #tpu.memory_space<vmem>> -> memref<1x128xi32, #tpu.memory_space<vmem>>
      %dma_start3A_94 = tpu.memref_squeeze %dma_start3A_93 : memref<1x128xi32, #tpu.memory_space<vmem>> -> memref<128xi32, #tpu.memory_space<vmem>>
      %dma_start3A_95 = arith.constant 0 : i32
      %dma_start3A_96 = tpu.memref_slice %arg7[%dma_start3A_95] : memref<10240xf32, #tpu.memory_space<vmem_shared>> -> memref<10240xf32, #tpu.memory_space<vmem_shared>>
      tpu.enqueue_indirect_dma source(%arg5 : memref<128xf32, #tpu.memory_space<vmem>>) target(%dma_start3A_96 : memref<10240xf32, #tpu.memory_space<vmem_shared>>) offsets(%dma_start3A_94 : memref<128xi32, #tpu.memory_space<vmem>>) semaphore(%arg8 : memref<!tpu.dma_semaphore, #tpu.memory_space<semaphore_mem>>) {add = true}
      %mul3A_97 = arith.constant 16 : i32
      %mul3A_98 = arith.muli %scan3A_25, %mul3A_97 : i32
      %add3A_99 = arith.constant 8 : i32
      %add3A_100 = arith.addi %mul3A_98, %add3A_99 : i32
      %dma_start3A_101 = arith.constant 0 : i32
      %dma_start3A_102 = tpu.memref_slice %arg4[%add3A_100, %dma_start3A_101] : memref<160x128xi32, #tpu.memory_space<vmem>> -> memref<1x128xi32, #tpu.memory_space<vmem>>
      %dma_start3A_103 = tpu.memref_squeeze %dma_start3A_102 : memref<1x128xi32, #tpu.memory_space<vmem>> -> memref<128xi32, #tpu.memory_space<vmem>>
      %dma_start3A_104 = arith.constant 0 : i32
      %dma_start3A_105 = tpu.memref_slice %arg7[%dma_start3A_104] : memref<10240xf32, #tpu.memory_space<vmem_shared>> -> memref<10240xf32, #tpu.memory_space<vmem_shared>>
      tpu.enqueue_indirect_dma source(%arg5 : memref<128xf32, #tpu.memory_space<vmem>>) target(%dma_start3A_105 : memref<10240xf32, #tpu.memory_space<vmem_shared>>) offsets(%dma_start3A_103 : memref<128xi32, #tpu.memory_space<vmem>>) semaphore(%arg8 : memref<!tpu.dma_semaphore, #tpu.memory_space<semaphore_mem>>) {add = true}
      %mul3A_106 = arith.constant 16 : i32
      %mul3A_107 = arith.muli %scan3A_25, %mul3A_106 : i32
      %add3A_108 = arith.constant 9 : i32
      %add3A_109 = arith.addi %mul3A_107, %add3A_108 : i32
      %dma_start3A_110 = arith.constant 0 : i32
      %dma_start3A_111 = tpu.memref_slice %arg4[%add3A_109, %dma_start3A_110] : memref<160x128xi32, #tpu.memory_space<vmem>> -> memref<1x128xi32, #tpu.memory_space<vmem>>
      %dma_start3A_112 = tpu.memref_squeeze %dma_start3A_111 : memref<1x128xi32, #tpu.memory_space<vmem>> -> memref<128xi32, #tpu.memory_space<vmem>>
      %dma_start3A_113 = arith.constant 0 : i32
      %dma_start3A_114 = tpu.memref_slice %arg7[%dma_start3A_113] : memref<10240xf32, #tpu.memory_space<vmem_shared>> -> memref<10240xf32, #tpu.memory_space<vmem_shared>>
      tpu.enqueue_indirect_dma source(%arg5 : memref<128xf32, #tpu.memory_space<vmem>>) target(%dma_start3A_114 : memref<10240xf32, #tpu.memory_space<vmem_shared>>) offsets(%dma_start3A_112 : memref<128xi32, #tpu.memory_space<vmem>>) semaphore(%arg8 : memref<!tpu.dma_semaphore, #tpu.memory_space<semaphore_mem>>) {add = true}
      %mul3A_115 = arith.constant 16 : i32
      %mul3A_116 = arith.muli %scan3A_25, %mul3A_115 : i32
      %add3A_117 = arith.constant 10 : i32
      %add3A_118 = arith.addi %mul3A_116, %add3A_117 : i32
      %dma_start3A_119 = arith.constant 0 : i32
      %dma_start3A_120 = tpu.memref_slice %arg4[%add3A_118, %dma_start3A_119] : memref<160x128xi32, #tpu.memory_space<vmem>> -> memref<1x128xi32, #tpu.memory_space<vmem>>
      %dma_start3A_121 = tpu.memref_squeeze %dma_start3A_120 : memref<1x128xi32, #tpu.memory_space<vmem>> -> memref<128xi32, #tpu.memory_space<vmem>>
      %dma_start3A_122 = arith.constant 0 : i32
      %dma_start3A_123 = tpu.memref_slice %arg7[%dma_start3A_122] : memref<10240xf32, #tpu.memory_space<vmem_shared>> -> memref<10240xf32, #tpu.memory_space<vmem_shared>>
      tpu.enqueue_indirect_dma source(%arg5 : memref<128xf32, #tpu.memory_space<vmem>>) target(%dma_start3A_123 : memref<10240xf32, #tpu.memory_space<vmem_shared>>) offsets(%dma_start3A_121 : memref<128xi32, #tpu.memory_space<vmem>>) semaphore(%arg8 : memref<!tpu.dma_semaphore, #tpu.memory_space<semaphore_mem>>) {add = true}
      %mul3A_124 = arith.constant 16 : i32
      %mul3A_125 = arith.muli %scan3A_25, %mul3A_124 : i32
      %add3A_126 = arith.constant 11 : i32
      %add3A_127 = arith.addi %mul3A_125, %add3A_126 : i32
      %dma_start3A_128 = arith.constant 0 : i32
      %dma_start3A_129 = tpu.memref_slice %arg4[%add3A_127, %dma_start3A_128] : memref<160x128xi32, #tpu.memory_space<vmem>> -> memref<1x128xi32, #tpu.memory_space<vmem>>
      %dma_start3A_130 = tpu.memref_squeeze %dma_start3A_129 : memref<1x128xi32, #tpu.memory_space<vmem>> -> memref<128xi32, #tpu.memory_space<vmem>>
      %dma_start3A_131 = arith.constant 0 : i32
      %dma_start3A_132 = tpu.memref_slice %arg7[%dma_start3A_131] : memref<10240xf32, #tpu.memory_space<vmem_shared>> -> memref<10240xf32, #tpu.memory_space<vmem_shared>>
      tpu.enqueue_indirect_dma source(%arg5 : memref<128xf32, #tpu.memory_space<vmem>>) target(%dma_start3A_132 : memref<10240xf32, #tpu.memory_space<vmem_shared>>) offsets(%dma_start3A_130 : memref<128xi32, #tpu.memory_space<vmem>>) semaphore(%arg8 : memref<!tpu.dma_semaphore, #tpu.memory_space<semaphore_mem>>) {add = true}
      %mul3A_133 = arith.constant 16 : i32
      %mul3A_134 = arith.muli %scan3A_25, %mul3A_133 : i32
      %add3A_135 = arith.constant 12 : i32
      %add3A_136 = arith.addi %mul3A_134, %add3A_135 : i32
      %dma_start3A_137 = arith.constant 0 : i32
      %dma_start3A_138 = tpu.memref_slice %arg4[%add3A_136, %dma_start3A_137] : memref<160x128xi32, #tpu.memory_space<vmem>> -> memref<1x128xi32, #tpu.memory_space<vmem>>
      %dma_start3A_139 = tpu.memref_squeeze %dma_start3A_138 : memref<1x128xi32, #tpu.memory_space<vmem>> -> memref<128xi32, #tpu.memory_space<vmem>>
      %dma_start3A_140 = arith.constant 0 : i32
      %dma_start3A_141 = tpu.memref_slice %arg7[%dma_start3A_140] : memref<10240xf32, #tpu.memory_space<vmem_shared>> -> memref<10240xf32, #tpu.memory_space<vmem_shared>>
      tpu.enqueue_indirect_dma source(%arg5 : memref<128xf32, #tpu.memory_space<vmem>>) target(%dma_start3A_141 : memref<10240xf32, #tpu.memory_space<vmem_shared>>) offsets(%dma_start3A_139 : memref<128xi32, #tpu.memory_space<vmem>>) semaphore(%arg8 : memref<!tpu.dma_semaphore, #tpu.memory_space<semaphore_mem>>) {add = true}
      %mul3A_142 = arith.constant 16 : i32
      %mul3A_143 = arith.muli %scan3A_25, %mul3A_142 : i32
      %add3A_144 = arith.constant 13 : i32
      %add3A_145 = arith.addi %mul3A_143, %add3A_144 : i32
      %dma_start3A_146 = arith.constant 0 : i32
      %dma_start3A_147 = tpu.memref_slice %arg4[%add3A_145, %dma_start3A_146] : memref<160x128xi32, #tpu.memory_space<vmem>> -> memref<1x128xi32, #tpu.memory_space<vmem>>
      %dma_start3A_148 = tpu.memref_squeeze %dma_start3A_147 : memref<1x128xi32, #tpu.memory_space<vmem>> -> memref<128xi32, #tpu.memory_space<vmem>>
      %dma_start3A_149 = arith.constant 0 : i32
      %dma_start3A_150 = tpu.memref_slice %arg7[%dma_start3A_149] : memref<10240xf32, #tpu.memory_space<vmem_shared>> -> memref<10240xf32, #tpu.memory_space<vmem_shared>>
      tpu.enqueue_indirect_dma source(%arg5 : memref<128xf32, #tpu.memory_space<vmem>>) target(%dma_start3A_150 : memref<10240xf32, #tpu.memory_space<vmem_shared>>) offsets(%dma_start3A_148 : memref<128xi32, #tpu.memory_space<vmem>>) semaphore(%arg8 : memref<!tpu.dma_semaphore, #tpu.memory_space<semaphore_mem>>) {add = true}
      %mul3A_151 = arith.constant 16 : i32
      %mul3A_152 = arith.muli %scan3A_25, %mul3A_151 : i32
      %add3A_153 = arith.constant 14 : i32
      %add3A_154 = arith.addi %mul3A_152, %add3A_153 : i32
      %dma_start3A_155 = arith.constant 0 : i32
      %dma_start3A_156 = tpu.memref_slice %arg4[%add3A_154, %dma_start3A_155] : memref<160x128xi32, #tpu.memory_space<vmem>> -> memref<1x128xi32, #tpu.memory_space<vmem>>
      %dma_start3A_157 = tpu.memref_squeeze %dma_start3A_156 : memref<1x128xi32, #tpu.memory_space<vmem>> -> memref<128xi32, #tpu.memory_space<vmem>>
      %dma_start3A_158 = arith.constant 0 : i32
      %dma_start3A_159 = tpu.memref_slice %arg7[%dma_start3A_158] : memref<10240xf32, #tpu.memory_space<vmem_shared>> -> memref<10240xf32, #tpu.memory_space<vmem_shared>>
      tpu.enqueue_indirect_dma source(%arg5 : memref<128xf32, #tpu.memory_space<vmem>>) target(%dma_start3A_159 : memref<10240xf32, #tpu.memory_space<vmem_shared>>) offsets(%dma_start3A_157 : memref<128xi32, #tpu.memory_space<vmem>>) semaphore(%arg8 : memref<!tpu.dma_semaphore, #tpu.memory_space<semaphore_mem>>) {add = true}
      %mul3A_160 = arith.constant 16 : i32
      %mul3A_161 = arith.muli %scan3A_25, %mul3A_160 : i32
      %add3A_162 = arith.constant 15 : i32
      %add3A_163 = arith.addi %mul3A_161, %add3A_162 : i32
      %dma_start3A_164 = arith.constant 0 : i32
      %dma_start3A_165 = tpu.memref_slice %arg4[%add3A_163, %dma_start3A_164] : memref<160x128xi32, #tpu.memory_space<vmem>> -> memref<1x128xi32, #tpu.memory_space<vmem>>
      %dma_start3A_166 = tpu.memref_squeeze %dma_start3A_165 : memref<1x128xi32, #tpu.memory_space<vmem>> -> memref<128xi32, #tpu.memory_space<vmem>>
      %dma_start3A_167 = arith.constant 0 : i32
      %dma_start3A_168 = tpu.memref_slice %arg7[%dma_start3A_167] : memref<10240xf32, #tpu.memory_space<vmem_shared>> -> memref<10240xf32, #tpu.memory_space<vmem_shared>>
      tpu.enqueue_indirect_dma source(%arg5 : memref<128xf32, #tpu.memory_space<vmem>>) target(%dma_start3A_168 : memref<10240xf32, #tpu.memory_space<vmem_shared>>) offsets(%dma_start3A_166 : memref<128xi32, #tpu.memory_space<vmem>>) semaphore(%arg8 : memref<!tpu.dma_semaphore, #tpu.memory_space<semaphore_mem>>) {add = true}
      %dma_wait3A = arith.constant 0 : i32
      %dma_wait3A_169 = tpu.memref_slice %arg4[%add3A_29, %dma_wait3A] : memref<160x128xi32, #tpu.memory_space<vmem>> -> memref<1x128xi32, #tpu.memory_space<vmem>>
      %dma_wait3A_170 = tpu.memref_squeeze %dma_wait3A_169 : memref<1x128xi32, #tpu.memory_space<vmem>> -> memref<128xi32, #tpu.memory_space<vmem>>
      %dma_wait3A_171 = arith.constant 0 : i32
      %dma_wait3A_172 = tpu.memref_slice %arg7[%dma_wait3A_171] : memref<10240xf32, #tpu.memory_space<vmem_shared>> -> memref<10240xf32, #tpu.memory_space<vmem_shared>>
      tpu.wait_indirect_dma semaphore(%arg8 : memref<!tpu.dma_semaphore, #tpu.memory_space<semaphore_mem>>) src(%arg5 : memref<128xf32, #tpu.memory_space<vmem>>) dst(%dma_wait3A_172 : memref<10240xf32, #tpu.memory_space<vmem_shared>>)
      %dma_wait3A_173 = arith.constant 0 : i32
      %dma_wait3A_174 = tpu.memref_slice %arg4[%add3A_37, %dma_wait3A_173] : memref<160x128xi32, #tpu.memory_space<vmem>> -> memref<1x128xi32, #tpu.memory_space<vmem>>
      %dma_wait3A_175 = tpu.memref_squeeze %dma_wait3A_174 : memref<1x128xi32, #tpu.memory_space<vmem>> -> memref<128xi32, #tpu.memory_space<vmem>>
      %dma_wait3A_176 = arith.constant 0 : i32
      %dma_wait3A_177 = tpu.memref_slice %arg7[%dma_wait3A_176] : memref<10240xf32, #tpu.memory_space<vmem_shared>> -> memref<10240xf32, #tpu.memory_space<vmem_shared>>
      tpu.wait_indirect_dma semaphore(%arg8 : memref<!tpu.dma_semaphore, #tpu.memory_space<semaphore_mem>>) src(%arg5 : memref<128xf32, #tpu.memory_space<vmem>>) dst(%dma_wait3A_177 : memref<10240xf32, #tpu.memory_space<vmem_shared>>)
      %dma_wait3A_178 = arith.constant 0 : i32
      %dma_wait3A_179 = tpu.memref_slice %arg4[%add3A_46, %dma_wait3A_178] : memref<160x128xi32, #tpu.memory_space<vmem>> -> memref<1x128xi32, #tpu.memory_space<vmem>>
      %dma_wait3A_180 = tpu.memref_squeeze %dma_wait3A_179 : memref<1x128xi32, #tpu.memory_space<vmem>> -> memref<128xi32, #tpu.memory_space<vmem>>
      %dma_wait3A_181 = arith.constant 0 : i32
      %dma_wait3A_182 = tpu.memref_slice %arg7[%dma_wait3A_181] : memref<10240xf32, #tpu.memory_space<vmem_shared>> -> memref<10240xf32, #tpu.memory_space<vmem_shared>>
      tpu.wait_indirect_dma semaphore(%arg8 : memref<!tpu.dma_semaphore, #tpu.memory_space<semaphore_mem>>) src(%arg5 : memref<128xf32, #tpu.memory_space<vmem>>) dst(%dma_wait3A_182 : memref<10240xf32, #tpu.memory_space<vmem_shared>>)
      %dma_wait3A_183 = arith.constant 0 : i32
      %dma_wait3A_184 = tpu.memref_slice %arg4[%add3A_55, %dma_wait3A_183] : memref<160x128xi32, #tpu.memory_space<vmem>> -> memref<1x128xi32, #tpu.memory_space<vmem>>
      %dma_wait3A_185 = tpu.memref_squeeze %dma_wait3A_184 : memref<1x128xi32, #tpu.memory_space<vmem>> -> memref<128xi32, #tpu.memory_space<vmem>>
      %dma_wait3A_186 = arith.constant 0 : i32
      %dma_wait3A_187 = tpu.memref_slice %arg7[%dma_wait3A_186] : memref<10240xf32, #tpu.memory_space<vmem_shared>> -> memref<10240xf32, #tpu.memory_space<vmem_shared>>
      tpu.wait_indirect_dma semaphore(%arg8 : memref<!tpu.dma_semaphore, #tpu.memory_space<semaphore_mem>>) src(%arg5 : memref<128xf32, #tpu.memory_space<vmem>>) dst(%dma_wait3A_187 : memref<10240xf32, #tpu.memory_space<vmem_shared>>)
      %dma_wait3A_188 = arith.constant 0 : i32
      %dma_wait3A_189 = tpu.memref_slice %arg4[%add3A_64, %dma_wait3A_188] : memref<160x128xi32, #tpu.memory_space<vmem>> -> memref<1x128xi32, #tpu.memory_space<vmem>>
      %dma_wait3A_190 = tpu.memref_squeeze %dma_wait3A_189 : memref<1x128xi32, #tpu.memory_space<vmem>> -> memref<128xi32, #tpu.memory_space<vmem>>
      %dma_wait3A_191 = arith.constant 0 : i32
      %dma_wait3A_192 = tpu.memref_slice %arg7[%dma_wait3A_191] : memref<10240xf32, #tpu.memory_space<vmem_shared>> -> memref<10240xf32, #tpu.memory_space<vmem_shared>>
      tpu.wait_indirect_dma semaphore(%arg8 : memref<!tpu.dma_semaphore, #tpu.memory_space<semaphore_mem>>) src(%arg5 : memref<128xf32, #tpu.memory_space<vmem>>) dst(%dma_wait3A_192 : memref<10240xf32, #tpu.memory_space<vmem_shared>>)
      %dma_wait3A_193 = arith.constant 0 : i32
      %dma_wait3A_194 = tpu.memref_slice %arg4[%add3A_73, %dma_wait3A_193] : memref<160x128xi32, #tpu.memory_space<vmem>> -> memref<1x128xi32, #tpu.memory_space<vmem>>
      %dma_wait3A_195 = tpu.memref_squeeze %dma_wait3A_194 : memref<1x128xi32, #tpu.memory_space<vmem>> -> memref<128xi32, #tpu.memory_space<vmem>>
      %dma_wait3A_196 = arith.constant 0 : i32
      %dma_wait3A_197 = tpu.memref_slice %arg7[%dma_wait3A_196] : memref<10240xf32, #tpu.memory_space<vmem_shared>> -> memref<10240xf32, #tpu.memory_space<vmem_shared>>
      tpu.wait_indirect_dma semaphore(%arg8 : memref<!tpu.dma_semaphore, #tpu.memory_space<semaphore_mem>>) src(%arg5 : memref<128xf32, #tpu.memory_space<vmem>>) dst(%dma_wait3A_197 : memref<10240xf32, #tpu.memory_space<vmem_shared>>)
      %dma_wait3A_198 = arith.constant 0 : i32
      %dma_wait3A_199 = tpu.memref_slice %arg4[%add3A_82, %dma_wait3A_198] : memref<160x128xi32, #tpu.memory_space<vmem>> -> memref<1x128xi32, #tpu.memory_space<vmem>>
      %dma_wait3A_200 = tpu.memref_squeeze %dma_wait3A_199 : memref<1x128xi32, #tpu.memory_space<vmem>> -> memref<128xi32, #tpu.memory_space<vmem>>
      %dma_wait3A_201 = arith.constant 0 : i32
      %dma_wait3A_202 = tpu.memref_slice %arg7[%dma_wait3A_201] : memref<10240xf32, #tpu.memory_space<vmem_shared>> -> memref<10240xf32, #tpu.memory_space<vmem_shared>>
      tpu.wait_indirect_dma semaphore(%arg8 : memref<!tpu.dma_semaphore, #tpu.memory_space<semaphore_mem>>) src(%arg5 : memref<128xf32, #tpu.memory_space<vmem>>) dst(%dma_wait3A_202 : memref<10240xf32, #tpu.memory_space<vmem_shared>>)
      %dma_wait3A_203 = arith.constant 0 : i32
      %dma_wait3A_204 = tpu.memref_slice %arg4[%add3A_91, %dma_wait3A_203] : memref<160x128xi32, #tpu.memory_space<vmem>> -> memref<1x128xi32, #tpu.memory_space<vmem>>
      %dma_wait3A_205 = tpu.memref_squeeze %dma_wait3A_204 : memref<1x128xi32, #tpu.memory_space<vmem>> -> memref<128xi32, #tpu.memory_space<vmem>>
      %dma_wait3A_206 = arith.constant 0 : i32
      %dma_wait3A_207 = tpu.memref_slice %arg7[%dma_wait3A_206] : memref<10240xf32, #tpu.memory_space<vmem_shared>> -> memref<10240xf32, #tpu.memory_space<vmem_shared>>
      tpu.wait_indirect_dma semaphore(%arg8 : memref<!tpu.dma_semaphore, #tpu.memory_space<semaphore_mem>>) src(%arg5 : memref<128xf32, #tpu.memory_space<vmem>>) dst(%dma_wait3A_207 : memref<10240xf32, #tpu.memory_space<vmem_shared>>)
      %dma_wait3A_208 = arith.constant 0 : i32
      %dma_wait3A_209 = tpu.memref_slice %arg4[%add3A_100, %dma_wait3A_208] : memref<160x128xi32, #tpu.memory_space<vmem>> -> memref<1x128xi32, #tpu.memory_space<vmem>>
      %dma_wait3A_210 = tpu.memref_squeeze %dma_wait3A_209 : memref<1x128xi32, #tpu.memory_space<vmem>> -> memref<128xi32, #tpu.memory_space<vmem>>
      %dma_wait3A_211 = arith.constant 0 : i32
      %dma_wait3A_212 = tpu.memref_slice %arg7[%dma_wait3A_211] : memref<10240xf32, #tpu.memory_space<vmem_shared>> -> memref<10240xf32, #tpu.memory_space<vmem_shared>>
      tpu.wait_indirect_dma semaphore(%arg8 : memref<!tpu.dma_semaphore, #tpu.memory_space<semaphore_mem>>) src(%arg5 : memref<128xf32, #tpu.memory_space<vmem>>) dst(%dma_wait3A_212 : memref<10240xf32, #tpu.memory_space<vmem_shared>>)
      %dma_wait3A_213 = arith.constant 0 : i32
      %dma_wait3A_214 = tpu.memref_slice %arg4[%add3A_109, %dma_wait3A_213] : memref<160x128xi32, #tpu.memory_space<vmem>> -> memref<1x128xi32, #tpu.memory_space<vmem>>
      %dma_wait3A_215 = tpu.memref_squeeze %dma_wait3A_214 : memref<1x128xi32, #tpu.memory_space<vmem>> -> memref<128xi32, #tpu.memory_space<vmem>>
      %dma_wait3A_216 = arith.constant 0 : i32
      %dma_wait3A_217 = tpu.memref_slice %arg7[%dma_wait3A_216] : memref<10240xf32, #tpu.memory_space<vmem_shared>> -> memref<10240xf32, #tpu.memory_space<vmem_shared>>
      tpu.wait_indirect_dma semaphore(%arg8 : memref<!tpu.dma_semaphore, #tpu.memory_space<semaphore_mem>>) src(%arg5 : memref<128xf32, #tpu.memory_space<vmem>>) dst(%dma_wait3A_217 : memref<10240xf32, #tpu.memory_space<vmem_shared>>)
      %dma_wait3A_218 = arith.constant 0 : i32
      %dma_wait3A_219 = tpu.memref_slice %arg4[%add3A_118, %dma_wait3A_218] : memref<160x128xi32, #tpu.memory_space<vmem>> -> memref<1x128xi32, #tpu.memory_space<vmem>>
      %dma_wait3A_220 = tpu.memref_squeeze %dma_wait3A_219 : memref<1x128xi32, #tpu.memory_space<vmem>> -> memref<128xi32, #tpu.memory_space<vmem>>
      %dma_wait3A_221 = arith.constant 0 : i32
      %dma_wait3A_222 = tpu.memref_slice %arg7[%dma_wait3A_221] : memref<10240xf32, #tpu.memory_space<vmem_shared>> -> memref<10240xf32, #tpu.memory_space<vmem_shared>>
      tpu.wait_indirect_dma semaphore(%arg8 : memref<!tpu.dma_semaphore, #tpu.memory_space<semaphore_mem>>) src(%arg5 : memref<128xf32, #tpu.memory_space<vmem>>) dst(%dma_wait3A_222 : memref<10240xf32, #tpu.memory_space<vmem_shared>>)
      %dma_wait3A_223 = arith.constant 0 : i32
      %dma_wait3A_224 = tpu.memref_slice %arg4[%add3A_127, %dma_wait3A_223] : memref<160x128xi32, #tpu.memory_space<vmem>> -> memref<1x128xi32, #tpu.memory_space<vmem>>
      %dma_wait3A_225 = tpu.memref_squeeze %dma_wait3A_224 : memref<1x128xi32, #tpu.memory_space<vmem>> -> memref<128xi32, #tpu.memory_space<vmem>>
      %dma_wait3A_226 = arith.constant 0 : i32
      %dma_wait3A_227 = tpu.memref_slice %arg7[%dma_wait3A_226] : memref<10240xf32, #tpu.memory_space<vmem_shared>> -> memref<10240xf32, #tpu.memory_space<vmem_shared>>
      tpu.wait_indirect_dma semaphore(%arg8 : memref<!tpu.dma_semaphore, #tpu.memory_space<semaphore_mem>>) src(%arg5 : memref<128xf32, #tpu.memory_space<vmem>>) dst(%dma_wait3A_227 : memref<10240xf32, #tpu.memory_space<vmem_shared>>)
      %dma_wait3A_228 = arith.constant 0 : i32
      %dma_wait3A_229 = tpu.memref_slice %arg4[%add3A_136, %dma_wait3A_228] : memref<160x128xi32, #tpu.memory_space<vmem>> -> memref<1x128xi32, #tpu.memory_space<vmem>>
      %dma_wait3A_230 = tpu.memref_squeeze %dma_wait3A_229 : memref<1x128xi32, #tpu.memory_space<vmem>> -> memref<128xi32, #tpu.memory_space<vmem>>
      %dma_wait3A_231 = arith.constant 0 : i32
      %dma_wait3A_232 = tpu.memref_slice %arg7[%dma_wait3A_231] : memref<10240xf32, #tpu.memory_space<vmem_shared>> -> memref<10240xf32, #tpu.memory_space<vmem_shared>>
      tpu.wait_indirect_dma semaphore(%arg8 : memref<!tpu.dma_semaphore, #tpu.memory_space<semaphore_mem>>) src(%arg5 : memref<128xf32, #tpu.memory_space<vmem>>) dst(%dma_wait3A_232 : memref<10240xf32, #tpu.memory_space<vmem_shared>>)
      %dma_wait3A_233 = arith.constant 0 : i32
      %dma_wait3A_234 = tpu.memref_slice %arg4[%add3A_145, %dma_wait3A_233] : memref<160x128xi32, #tpu.memory_space<vmem>> -> memref<1x128xi32, #tpu.memory_space<vmem>>
      %dma_wait3A_235 = tpu.memref_squeeze %dma_wait3A_234 : memref<1x128xi32, #tpu.memory_space<vmem>> -> memref<128xi32, #tpu.memory_space<vmem>>
      %dma_wait3A_236 = arith.constant 0 : i32
      %dma_wait3A_237 = tpu.memref_slice %arg7[%dma_wait3A_236] : memref<10240xf32, #tpu.memory_space<vmem_shared>> -> memref<10240xf32, #tpu.memory_space<vmem_shared>>
      tpu.wait_indirect_dma semaphore(%arg8 : memref<!tpu.dma_semaphore, #tpu.memory_space<semaphore_mem>>) src(%arg5 : memref<128xf32, #tpu.memory_space<vmem>>) dst(%dma_wait3A_237 : memref<10240xf32, #tpu.memory_space<vmem_shared>>)
      %dma_wait3A_238 = arith.constant 0 : i32
      %dma_wait3A_239 = tpu.memref_slice %arg4[%add3A_154, %dma_wait3A_238] : memref<160x128xi32, #tpu.memory_space<vmem>> -> memref<1x128xi32, #tpu.memory_space<vmem>>
      %dma_wait3A_240 = tpu.memref_squeeze %dma_wait3A_239 : memref<1x128xi32, #tpu.memory_space<vmem>> -> memref<128xi32, #tpu.memory_space<vmem>>
      %dma_wait3A_241 = arith.constant 0 : i32
      %dma_wait3A_242 = tpu.memref_slice %arg7[%dma_wait3A_241] : memref<10240xf32, #tpu.memory_space<vmem_shared>> -> memref<10240xf32, #tpu.memory_space<vmem_shared>>
      tpu.wait_indirect_dma semaphore(%arg8 : memref<!tpu.dma_semaphore, #tpu.memory_space<semaphore_mem>>) src(%arg5 : memref<128xf32, #tpu.memory_space<vmem>>) dst(%dma_wait3A_242 : memref<10240xf32, #tpu.memory_space<vmem_shared>>)
      %dma_wait3A_243 = arith.constant 0 : i32
      %dma_wait3A_244 = tpu.memref_slice %arg4[%add3A_163, %dma_wait3A_243] : memref<160x128xi32, #tpu.memory_space<vmem>> -> memref<1x128xi32, #tpu.memory_space<vmem>>
      %dma_wait3A_245 = tpu.memref_squeeze %dma_wait3A_244 : memref<1x128xi32, #tpu.memory_space<vmem>> -> memref<128xi32, #tpu.memory_space<vmem>>
      %dma_wait3A_246 = arith.constant 0 : i32
      %dma_wait3A_247 = tpu.memref_slice %arg7[%dma_wait3A_246] : memref<10240xf32, #tpu.memory_space<vmem_shared>> -> memref<10240xf32, #tpu.memory_space<vmem_shared>>
      tpu.wait_indirect_dma semaphore(%arg8 : memref<!tpu.dma_semaphore, #tpu.memory_space<semaphore_mem>>) src(%arg5 : memref<128xf32, #tpu.memory_space<vmem>>) dst(%dma_wait3A_247 : memref<10240xf32, #tpu.memory_space<vmem_shared>>)
    }
    %scan3A_17 = arith.constant 10 : i32
    %barrier3A_18 = arith.constant 0 : index
    tpu.barrier barrier_id(%barrier3A_18)
    %mul3A_19 = arith.constant 640 : i32
    %mul3A_20 = arith.muli %arg1, %mul3A_19 : i32
    %mul3A_21 = arith.constant 10240 : i32
    %mul3A_22 = arith.muli %arg0, %mul3A_21 : i32
    %mul3A_23 = arith.constant 640 : i32
    %mul3A_24 = arith.muli %arg1, %mul3A_23 : i32
    %add3A = arith.addi %mul3A_22, %mul3A_24 : i32
    "tpu.region"() ({
      %run_scoped3A = tpu.sem_alloc : memref<!tpu.dma_semaphore, #tpu.memory_space<semaphore_mem>>
      %dma_start3A = tpu.memref_slice %arg3[%add3A] : memref<20480xf32, #tpu.memory_space<hbm>> -> memref<640xf32, #tpu.memory_space<hbm>>
      %dma_start3A_25 = tpu.memref_slice %arg7[%mul3A_20] : memref<10240xf32, #tpu.memory_space<vmem_shared>> -> memref<640xf32, #tpu.memory_space<vmem_shared>>
      tpu.enqueue_dma source(%dma_start3A_25 : memref<640xf32, #tpu.memory_space<vmem_shared>>) target(%dma_start3A : memref<640xf32, #tpu.memory_space<hbm>>) target_semaphore(%run_scoped3A : memref<!tpu.dma_semaphore, #tpu.memory_space<semaphore_mem>>)
      %dma_wait3A = tpu.memref_slice %arg3[%add3A] : memref<20480xf32, #tpu.memory_space<hbm>> -> memref<640xf32, #tpu.memory_space<hbm>>
      %dma_wait3A_26 = tpu.memref_slice %arg7[%mul3A_20] : memref<10240xf32, #tpu.memory_space<vmem_shared>> -> memref<640xf32, #tpu.memory_space<vmem_shared>>
      tpu.wait_dma2 semaphore(%run_scoped3A : memref<!tpu.dma_semaphore, #tpu.memory_space<semaphore_mem>>) src(%dma_wait3A_26 : memref<640xf32, #tpu.memory_space<vmem_shared>>) dst(%dma_wait3A : memref<640xf32, #tpu.memory_space<hbm>>)
      tpu.yield
    }) : () -> ()
    return
  }
}

#map = affine_map<(d0, d1) -> (0, 0, 0)>
#map1 = affine_map<(d0, d1) -> (0, 0, 0, 0)>
module attributes {stable_mosaic.version = 14 : i64} {
  func.func @_agg_body(%arg0: i32, %arg1: i32, %arg2: memref<2x10240x128xf32, #tpu.memory_space<hbm>>, %arg3: memref<2x16x160x128xi32, #tpu.memory_space<hbm>>, %arg4: memref<2x10240x128xf32, #tpu.memory_space<hbm>>, %arg5: memref<16x128xi32, #tpu.memory_space<vmem>>, %arg6: memref<16x128xi32, #tpu.memory_space<vmem>>, %arg7: memref<128x128xf32, #tpu.memory_space<vmem>>, %arg8: memref<128x128xf32, #tpu.memory_space<vmem>>, %arg9: memref<10240x128xf32, #tpu.memory_space<vmem_shared>>, %arg10: memref<!tpu.dma_semaphore, #tpu.memory_space<semaphore_mem>>, %arg11: memref<!tpu.dma_semaphore, #tpu.memory_space<semaphore_mem>>) attributes {dimension_semantics = [#tpu.dimension_semantics<core_parallel>, #tpu.dimension_semantics<subcore_parallel>], iteration_bounds = array<i64: 2, 16>, scalar_prefetch = 0 : i64, scratch_operands = 7 : i64, tpu.core_type = #tpu.core_type<sc_vector_subcore>, window_params = [{transform_indices = #map}, {transform_indices = #map1}, {transform_indices = #map}]} {
    %mul3A = arith.constant 640 : i32
    %mul3A_0 = arith.muli %arg1, %mul3A : i32
    %mul3A_1 = arith.constant 640 : i32
    %mul3A_2 = arith.muli %arg1, %mul3A_1 : i32
    "tpu.region"() ({
      %run_scoped3A = tpu.sem_alloc : memref<!tpu.dma_semaphore, #tpu.memory_space<semaphore_mem>>
      %dma_start3A = arith.constant 0 : i32
      %dma_start3A_13 = tpu.memref_slice %arg9[%mul3A_2, %dma_start3A] : memref<10240x128xf32, #tpu.memory_space<vmem_shared>> -> memref<640x128xf32, #tpu.memory_space<vmem_shared>>
      %dma_start3A_14 = arith.constant 0 : i32
      %dma_start3A_15 = arith.constant 0 : i32
      %dma_start3A_16 = tpu.memref_slice %arg2[%arg0, %dma_start3A_14, %dma_start3A_15] : memref<2x10240x128xf32, #tpu.memory_space<hbm>> -> memref<1x10240x128xf32, #tpu.memory_space<hbm>>
      %dma_start3A_17 = tpu.memref_squeeze %dma_start3A_16 : memref<1x10240x128xf32, #tpu.memory_space<hbm>> -> memref<10240x128xf32, #tpu.memory_space<hbm>>
      %dma_start3A_18 = arith.constant 0 : i32
      %dma_start3A_19 = tpu.memref_slice %dma_start3A_17[%mul3A_0, %dma_start3A_18] : memref<10240x128xf32, #tpu.memory_space<hbm>> -> memref<640x128xf32, #tpu.memory_space<hbm>>
      tpu.enqueue_dma source(%dma_start3A_19 : memref<640x128xf32, #tpu.memory_space<hbm>>) target(%dma_start3A_13 : memref<640x128xf32, #tpu.memory_space<vmem_shared>>) target_semaphore(%run_scoped3A : memref<!tpu.dma_semaphore, #tpu.memory_space<semaphore_mem>>)
      %dma_wait3A = arith.constant 0 : i32
      %dma_wait3A_20 = tpu.memref_slice %arg9[%mul3A_2, %dma_wait3A] : memref<10240x128xf32, #tpu.memory_space<vmem_shared>> -> memref<640x128xf32, #tpu.memory_space<vmem_shared>>
      %dma_wait3A_21 = arith.constant 0 : i32
      %dma_wait3A_22 = arith.constant 0 : i32
      %dma_wait3A_23 = tpu.memref_slice %arg2[%arg0, %dma_wait3A_21, %dma_wait3A_22] : memref<2x10240x128xf32, #tpu.memory_space<hbm>> -> memref<1x10240x128xf32, #tpu.memory_space<hbm>>
      %dma_wait3A_24 = tpu.memref_squeeze %dma_wait3A_23 : memref<1x10240x128xf32, #tpu.memory_space<hbm>> -> memref<10240x128xf32, #tpu.memory_space<hbm>>
      %dma_wait3A_25 = arith.constant 0 : i32
      %dma_wait3A_26 = tpu.memref_slice %dma_wait3A_24[%mul3A_0, %dma_wait3A_25] : memref<10240x128xf32, #tpu.memory_space<hbm>> -> memref<640x128xf32, #tpu.memory_space<hbm>>
      tpu.wait_dma2 semaphore(%run_scoped3A : memref<!tpu.dma_semaphore, #tpu.memory_space<semaphore_mem>>) src(%dma_wait3A_26 : memref<640x128xf32, #tpu.memory_space<hbm>>) dst(%dma_wait3A_20 : memref<640x128xf32, #tpu.memory_space<vmem_shared>>)
      tpu.yield
    }) : () -> ()
    %barrier3A = arith.constant 0 : index
    tpu.barrier barrier_id(%barrier3A)
    %scan3A = arith.constant 0 : i32
    %scan3A_3 = arith.constant 0 : i32
    %scan3A_4 = arith.constant 10 : i32
    %scan3A_5 = arith.addi %scan3A_3, %scan3A_4 : i32
    %scan3A_6 = arith.constant 1 : i32
    scf.for %scan3A_13 = %scan3A_3 to %scan3A_5 step %scan3A_6  : i32 {
      %mul3A_14 = arith.constant 16 : i32
      %mul3A_15 = arith.muli %scan3A_13, %mul3A_14 : i32
      %run_scoped3A = arith.constant 0 : i32
      "tpu.region"() ({
        %run_scoped3A_385 = tpu.sem_alloc : memref<!tpu.dma_semaphore, #tpu.memory_space<semaphore_mem>>
        %dma_start3A_386 = arith.constant 0 : i32
        %dma_start3A_387 = tpu.memref_slice %arg3[%run_scoped3A, %arg1, %mul3A_15, %dma_start3A_386] : memref<2x16x160x128xi32, #tpu.memory_space<hbm>> -> memref<1x1x16x128xi32, #tpu.memory_space<hbm>>
        %dma_start3A_388 = tpu.memref_squeeze %dma_start3A_387 : memref<1x1x16x128xi32, #tpu.memory_space<hbm>> -> memref<16x128xi32, #tpu.memory_space<hbm>>
        %dma_start3A_389 = arith.constant 0 : i32
        %dma_start3A_390 = tpu.memref_slice %arg3[%run_scoped3A, %arg1, %mul3A_15, %dma_start3A_389] : memref<2x16x160x128xi32, #tpu.memory_space<hbm>> -> memref<1x1x16x128xi32, #tpu.memory_space<hbm>>
        %dma_start3A_391 = tpu.memref_squeeze %dma_start3A_390 : memref<1x1x16x128xi32, #tpu.memory_space<hbm>> -> memref<16x128xi32, #tpu.memory_space<hbm>>
        tpu.enqueue_dma source(%dma_start3A_391 : memref<16x128xi32, #tpu.memory_space<hbm>>) target(%arg5 : memref<16x128xi32, #tpu.memory_space<vmem>>) target_semaphore(%run_scoped3A_385 : memref<!tpu.dma_semaphore, #tpu.memory_space<semaphore_mem>>)
        %dma_wait3A_392 = arith.constant 0 : i32
        %dma_wait3A_393 = tpu.memref_slice %arg3[%run_scoped3A, %arg1, %mul3A_15, %dma_wait3A_392] : memref<2x16x160x128xi32, #tpu.memory_space<hbm>> -> memref<1x1x16x128xi32, #tpu.memory_space<hbm>>
        %dma_wait3A_394 = tpu.memref_squeeze %dma_wait3A_393 : memref<1x1x16x128xi32, #tpu.memory_space<hbm>> -> memref<16x128xi32, #tpu.memory_space<hbm>>
        %dma_wait3A_395 = arith.constant 0 : i32
        %dma_wait3A_396 = tpu.memref_slice %arg3[%run_scoped3A, %arg1, %mul3A_15, %dma_wait3A_395] : memref<2x16x160x128xi32, #tpu.memory_space<hbm>> -> memref<1x1x16x128xi32, #tpu.memory_space<hbm>>
        %dma_wait3A_397 = tpu.memref_squeeze %dma_wait3A_396 : memref<1x1x16x128xi32, #tpu.memory_space<hbm>> -> memref<16x128xi32, #tpu.memory_space<hbm>>
        tpu.wait_dma2 semaphore(%run_scoped3A_385 : memref<!tpu.dma_semaphore, #tpu.memory_space<semaphore_mem>>) src(%dma_wait3A_397 : memref<16x128xi32, #tpu.memory_space<hbm>>) dst(%arg5 : memref<16x128xi32, #tpu.memory_space<vmem>>)
        tpu.yield
      }) : () -> ()
      %mul3A_16 = arith.constant 16 : i32
      %mul3A_17 = arith.muli %scan3A_13, %mul3A_16 : i32
      %run_scoped3A_18 = arith.constant 1 : i32
      "tpu.region"() ({
        %run_scoped3A_385 = tpu.sem_alloc : memref<!tpu.dma_semaphore, #tpu.memory_space<semaphore_mem>>
        %dma_start3A_386 = arith.constant 0 : i32
        %dma_start3A_387 = tpu.memref_slice %arg3[%run_scoped3A_18, %arg1, %mul3A_17, %dma_start3A_386] : memref<2x16x160x128xi32, #tpu.memory_space<hbm>> -> memref<1x1x16x128xi32, #tpu.memory_space<hbm>>
        %dma_start3A_388 = tpu.memref_squeeze %dma_start3A_387 : memref<1x1x16x128xi32, #tpu.memory_space<hbm>> -> memref<16x128xi32, #tpu.memory_space<hbm>>
        %dma_start3A_389 = arith.constant 0 : i32
        %dma_start3A_390 = tpu.memref_slice %arg3[%run_scoped3A_18, %arg1, %mul3A_17, %dma_start3A_389] : memref<2x16x160x128xi32, #tpu.memory_space<hbm>> -> memref<1x1x16x128xi32, #tpu.memory_space<hbm>>
        %dma_start3A_391 = tpu.memref_squeeze %dma_start3A_390 : memref<1x1x16x128xi32, #tpu.memory_space<hbm>> -> memref<16x128xi32, #tpu.memory_space<hbm>>
        tpu.enqueue_dma source(%dma_start3A_391 : memref<16x128xi32, #tpu.memory_space<hbm>>) target(%arg6 : memref<16x128xi32, #tpu.memory_space<vmem>>) target_semaphore(%run_scoped3A_385 : memref<!tpu.dma_semaphore, #tpu.memory_space<semaphore_mem>>)
        %dma_wait3A_392 = arith.constant 0 : i32
        %dma_wait3A_393 = tpu.memref_slice %arg3[%run_scoped3A_18, %arg1, %mul3A_17, %dma_wait3A_392] : memref<2x16x160x128xi32, #tpu.memory_space<hbm>> -> memref<1x1x16x128xi32, #tpu.memory_space<hbm>>
        %dma_wait3A_394 = tpu.memref_squeeze %dma_wait3A_393 : memref<1x1x16x128xi32, #tpu.memory_space<hbm>> -> memref<16x128xi32, #tpu.memory_space<hbm>>
        %dma_wait3A_395 = arith.constant 0 : i32
        %dma_wait3A_396 = tpu.memref_slice %arg3[%run_scoped3A_18, %arg1, %mul3A_17, %dma_wait3A_395] : memref<2x16x160x128xi32, #tpu.memory_space<hbm>> -> memref<1x1x16x128xi32, #tpu.memory_space<hbm>>
        %dma_wait3A_397 = tpu.memref_squeeze %dma_wait3A_396 : memref<1x1x16x128xi32, #tpu.memory_space<hbm>> -> memref<16x128xi32, #tpu.memory_space<hbm>>
        tpu.wait_dma2 semaphore(%run_scoped3A_385 : memref<!tpu.dma_semaphore, #tpu.memory_space<semaphore_mem>>) src(%dma_wait3A_397 : memref<16x128xi32, #tpu.memory_space<hbm>>) dst(%arg6 : memref<16x128xi32, #tpu.memory_space<vmem>>)
        tpu.yield
      }) : () -> ()
      %dma_start3A = arith.constant 0 : i32
      %dma_start3A_19 = arith.constant 0 : i32
      %dma_start3A_20 = tpu.memref_slice %arg5[%dma_start3A, %dma_start3A_19] : memref<16x128xi32, #tpu.memory_space<vmem>> -> memref<1x128xi32, #tpu.memory_space<vmem>>
      %dma_start3A_21 = tpu.memref_squeeze %dma_start3A_20 : memref<1x128xi32, #tpu.memory_space<vmem>> -> memref<128xi32, #tpu.memory_space<vmem>>
      %dma_start3A_22 = arith.constant 0 : i32
      %dma_start3A_23 = arith.constant 0 : i32
      %dma_start3A_24 = tpu.memref_slice %arg2[%arg0, %dma_start3A_22, %dma_start3A_23] : memref<2x10240x128xf32, #tpu.memory_space<hbm>> -> memref<1x10240x128xf32, #tpu.memory_space<hbm>>
      %dma_start3A_25 = tpu.memref_squeeze %dma_start3A_24 : memref<1x10240x128xf32, #tpu.memory_space<hbm>> -> memref<10240x128xf32, #tpu.memory_space<hbm>>
      %dma_start3A_26 = arith.constant 0 : i32
      %dma_start3A_27 = arith.constant 0 : i32
      %dma_start3A_28 = tpu.memref_slice %dma_start3A_25[%dma_start3A_26, %dma_start3A_27] : memref<10240x128xf32, #tpu.memory_space<hbm>> -> memref<10240x128xf32, #tpu.memory_space<hbm>>
      tpu.enqueue_indirect_dma source(%dma_start3A_28 : memref<10240x128xf32, #tpu.memory_space<hbm>>) target(%arg7 : memref<128x128xf32, #tpu.memory_space<vmem>>) offsets(%dma_start3A_21 : memref<128xi32, #tpu.memory_space<vmem>>) semaphore(%arg10 : memref<!tpu.dma_semaphore, #tpu.memory_space<semaphore_mem>>)
      %dma_start3A_29 = arith.constant 1 : i32
      %dma_start3A_30 = arith.constant 0 : i32
      %dma_start3A_31 = tpu.memref_slice %arg5[%dma_start3A_29, %dma_start3A_30] : memref<16x128xi32, #tpu.memory_space<vmem>> -> memref<1x128xi32, #tpu.memory_space<vmem>>
      %dma_start3A_32 = tpu.memref_squeeze %dma_start3A_31 : memref<1x128xi32, #tpu.memory_space<vmem>> -> memref<128xi32, #tpu.memory_space<vmem>>
      %dma_start3A_33 = arith.constant 0 : i32
      %dma_start3A_34 = arith.constant 0 : i32
      %dma_start3A_35 = tpu.memref_slice %arg2[%arg0, %dma_start3A_33, %dma_start3A_34] : memref<2x10240x128xf32, #tpu.memory_space<hbm>> -> memref<1x10240x128xf32, #tpu.memory_space<hbm>>
      %dma_start3A_36 = tpu.memref_squeeze %dma_start3A_35 : memref<1x10240x128xf32, #tpu.memory_space<hbm>> -> memref<10240x128xf32, #tpu.memory_space<hbm>>
      %dma_start3A_37 = arith.constant 0 : i32
      %dma_start3A_38 = arith.constant 0 : i32
      %dma_start3A_39 = tpu.memref_slice %dma_start3A_36[%dma_start3A_37, %dma_start3A_38] : memref<10240x128xf32, #tpu.memory_space<hbm>> -> memref<10240x128xf32, #tpu.memory_space<hbm>>
      tpu.enqueue_indirect_dma source(%dma_start3A_39 : memref<10240x128xf32, #tpu.memory_space<hbm>>) target(%arg8 : memref<128x128xf32, #tpu.memory_space<vmem>>) offsets(%dma_start3A_32 : memref<128xi32, #tpu.memory_space<vmem>>) semaphore(%arg11 : memref<!tpu.dma_semaphore, #tpu.memory_space<semaphore_mem>>)
      %dma_wait3A = arith.constant 0 : i32
      %dma_wait3A_40 = arith.constant 0 : i32
      %dma_wait3A_41 = tpu.memref_slice %arg5[%dma_wait3A, %dma_wait3A_40] : memref<16x128xi32, #tpu.memory_space<vmem>> -> memref<1x128xi32, #tpu.memory_space<vmem>>
      %dma_wait3A_42 = tpu.memref_squeeze %dma_wait3A_41 : memref<1x128xi32, #tpu.memory_space<vmem>> -> memref<128xi32, #tpu.memory_space<vmem>>
      %dma_wait3A_43 = arith.constant 0 : i32
      %dma_wait3A_44 = arith.constant 0 : i32
      %dma_wait3A_45 = tpu.memref_slice %arg2[%arg0, %dma_wait3A_43, %dma_wait3A_44] : memref<2x10240x128xf32, #tpu.memory_space<hbm>> -> memref<1x10240x128xf32, #tpu.memory_space<hbm>>
      %dma_wait3A_46 = tpu.memref_squeeze %dma_wait3A_45 : memref<1x10240x128xf32, #tpu.memory_space<hbm>> -> memref<10240x128xf32, #tpu.memory_space<hbm>>
      %dma_wait3A_47 = arith.constant 0 : i32
      %dma_wait3A_48 = arith.constant 0 : i32
      %dma_wait3A_49 = tpu.memref_slice %dma_wait3A_46[%dma_wait3A_47, %dma_wait3A_48] : memref<10240x128xf32, #tpu.memory_space<hbm>> -> memref<10240x128xf32, #tpu.memory_space<hbm>>
      tpu.wait_indirect_dma semaphore(%arg10 : memref<!tpu.dma_semaphore, #tpu.memory_space<semaphore_mem>>) src(%dma_wait3A_49 : memref<10240x128xf32, #tpu.memory_space<hbm>>) dst(%arg7 : memref<128x128xf32, #tpu.memory_space<vmem>>)
      %run_scoped3A_50 = arith.constant 0 : i32
      "tpu.region"() ({
        %run_scoped3A_385 = tpu.sem_alloc : memref<!tpu.dma_semaphore, #tpu.memory_space<semaphore_mem>>
        %dma_start3A_386 = arith.constant 0 : i32
        %dma_start3A_387 = tpu.memref_slice %arg6[%run_scoped3A_50, %dma_start3A_386] : memref<16x128xi32, #tpu.memory_space<vmem>> -> memref<1x128xi32, #tpu.memory_space<vmem>>
        %dma_start3A_388 = tpu.memref_squeeze %dma_start3A_387 : memref<1x128xi32, #tpu.memory_space<vmem>> -> memref<128xi32, #tpu.memory_space<vmem>>
        %dma_start3A_389 = arith.constant 0 : i32
        %dma_start3A_390 = arith.constant 0 : i32
        %dma_start3A_391 = tpu.memref_slice %arg9[%dma_start3A_389, %dma_start3A_390] : memref<10240x128xf32, #tpu.memory_space<vmem_shared>> -> memref<10240x128xf32, #tpu.memory_space<vmem_shared>>
        tpu.enqueue_indirect_dma source(%arg7 : memref<128x128xf32, #tpu.memory_space<vmem>>) target(%dma_start3A_391 : memref<10240x128xf32, #tpu.memory_space<vmem_shared>>) offsets(%dma_start3A_388 : memref<128xi32, #tpu.memory_space<vmem>>) semaphore(%run_scoped3A_385 : memref<!tpu.dma_semaphore, #tpu.memory_space<semaphore_mem>>) {add = true}
        %dma_wait3A_392 = arith.constant 0 : i32
        %dma_wait3A_393 = tpu.memref_slice %arg6[%run_scoped3A_50, %dma_wait3A_392] : memref<16x128xi32, #tpu.memory_space<vmem>> -> memref<1x128xi32, #tpu.memory_space<vmem>>
        %dma_wait3A_394 = tpu.memref_squeeze %dma_wait3A_393 : memref<1x128xi32, #tpu.memory_space<vmem>> -> memref<128xi32, #tpu.memory_space<vmem>>
        %dma_wait3A_395 = arith.constant 0 : i32
        %dma_wait3A_396 = arith.constant 0 : i32
        %dma_wait3A_397 = tpu.memref_slice %arg9[%dma_wait3A_395, %dma_wait3A_396] : memref<10240x128xf32, #tpu.memory_space<vmem_shared>> -> memref<10240x128xf32, #tpu.memory_space<vmem_shared>>
        tpu.wait_indirect_dma semaphore(%run_scoped3A_385 : memref<!tpu.dma_semaphore, #tpu.memory_space<semaphore_mem>>) src(%arg7 : memref<128x128xf32, #tpu.memory_space<vmem>>) dst(%dma_wait3A_397 : memref<10240x128xf32, #tpu.memory_space<vmem_shared>>)
        tpu.yield
      }) : () -> ()
      %dma_start3A_51 = arith.constant 2 : i32
      %dma_start3A_52 = arith.constant 0 : i32
      %dma_start3A_53 = tpu.memref_slice %arg5[%dma_start3A_51, %dma_start3A_52] : memref<16x128xi32, #tpu.memory_space<vmem>> -> memref<1x128xi32, #tpu.memory_space<vmem>>
      %dma_start3A_54 = tpu.memref_squeeze %dma_start3A_53 : memref<1x128xi32, #tpu.memory_space<vmem>> -> memref<128xi32, #tpu.memory_space<vmem>>
      %dma_start3A_55 = arith.constant 0 : i32
      %dma_start3A_56 = arith.constant 0 : i32
      %dma_start3A_57 = tpu.memref_slice %arg2[%arg0, %dma_start3A_55, %dma_start3A_56] : memref<2x10240x128xf32, #tpu.memory_space<hbm>> -> memref<1x10240x128xf32, #tpu.memory_space<hbm>>
      %dma_start3A_58 = tpu.memref_squeeze %dma_start3A_57 : memref<1x10240x128xf32, #tpu.memory_space<hbm>> -> memref<10240x128xf32, #tpu.memory_space<hbm>>
      %dma_start3A_59 = arith.constant 0 : i32
      %dma_start3A_60 = arith.constant 0 : i32
      %dma_start3A_61 = tpu.memref_slice %dma_start3A_58[%dma_start3A_59, %dma_start3A_60] : memref<10240x128xf32, #tpu.memory_space<hbm>> -> memref<10240x128xf32, #tpu.memory_space<hbm>>
      tpu.enqueue_indirect_dma source(%dma_start3A_61 : memref<10240x128xf32, #tpu.memory_space<hbm>>) target(%arg7 : memref<128x128xf32, #tpu.memory_space<vmem>>) offsets(%dma_start3A_54 : memref<128xi32, #tpu.memory_space<vmem>>) semaphore(%arg10 : memref<!tpu.dma_semaphore, #tpu.memory_space<semaphore_mem>>)
      %dma_wait3A_62 = arith.constant 1 : i32
      %dma_wait3A_63 = arith.constant 0 : i32
      %dma_wait3A_64 = tpu.memref_slice %arg5[%dma_wait3A_62, %dma_wait3A_63] : memref<16x128xi32, #tpu.memory_space<vmem>> -> memref<1x128xi32, #tpu.memory_space<vmem>>
      %dma_wait3A_65 = tpu.memref_squeeze %dma_wait3A_64 : memref<1x128xi32, #tpu.memory_space<vmem>> -> memref<128xi32, #tpu.memory_space<vmem>>
      %dma_wait3A_66 = arith.constant 0 : i32
      %dma_wait3A_67 = arith.constant 0 : i32
      %dma_wait3A_68 = tpu.memref_slice %arg2[%arg0, %dma_wait3A_66, %dma_wait3A_67] : memref<2x10240x128xf32, #tpu.memory_space<hbm>> -> memref<1x10240x128xf32, #tpu.memory_space<hbm>>
      %dma_wait3A_69 = tpu.memref_squeeze %dma_wait3A_68 : memref<1x10240x128xf32, #tpu.memory_space<hbm>> -> memref<10240x128xf32, #tpu.memory_space<hbm>>
      %dma_wait3A_70 = arith.constant 0 : i32
      %dma_wait3A_71 = arith.constant 0 : i32
      %dma_wait3A_72 = tpu.memref_slice %dma_wait3A_69[%dma_wait3A_70, %dma_wait3A_71] : memref<10240x128xf32, #tpu.memory_space<hbm>> -> memref<10240x128xf32, #tpu.memory_space<hbm>>
      tpu.wait_indirect_dma semaphore(%arg11 : memref<!tpu.dma_semaphore, #tpu.memory_space<semaphore_mem>>) src(%dma_wait3A_72 : memref<10240x128xf32, #tpu.memory_space<hbm>>) dst(%arg8 : memref<128x128xf32, #tpu.memory_space<vmem>>)
      %run_scoped3A_73 = arith.constant 1 : i32
      "tpu.region"() ({
        %run_scoped3A_385 = tpu.sem_alloc : memref<!tpu.dma_semaphore, #tpu.memory_space<semaphore_mem>>
        %dma_start3A_386 = arith.constant 0 : i32
        %dma_start3A_387 = tpu.memref_slice %arg6[%run_scoped3A_73, %dma_start3A_386] : memref<16x128xi32, #tpu.memory_space<vmem>> -> memref<1x128xi32, #tpu.memory_space<vmem>>
        %dma_start3A_388 = tpu.memref_squeeze %dma_start3A_387 : memref<1x128xi32, #tpu.memory_space<vmem>> -> memref<128xi32, #tpu.memory_space<vmem>>
        %dma_start3A_389 = arith.constant 0 : i32
        %dma_start3A_390 = arith.constant 0 : i32
        %dma_start3A_391 = tpu.memref_slice %arg9[%dma_start3A_389, %dma_start3A_390] : memref<10240x128xf32, #tpu.memory_space<vmem_shared>> -> memref<10240x128xf32, #tpu.memory_space<vmem_shared>>
        tpu.enqueue_indirect_dma source(%arg8 : memref<128x128xf32, #tpu.memory_space<vmem>>) target(%dma_start3A_391 : memref<10240x128xf32, #tpu.memory_space<vmem_shared>>) offsets(%dma_start3A_388 : memref<128xi32, #tpu.memory_space<vmem>>) semaphore(%run_scoped3A_385 : memref<!tpu.dma_semaphore, #tpu.memory_space<semaphore_mem>>) {add = true}
        %dma_wait3A_392 = arith.constant 0 : i32
        %dma_wait3A_393 = tpu.memref_slice %arg6[%run_scoped3A_73, %dma_wait3A_392] : memref<16x128xi32, #tpu.memory_space<vmem>> -> memref<1x128xi32, #tpu.memory_space<vmem>>
        %dma_wait3A_394 = tpu.memref_squeeze %dma_wait3A_393 : memref<1x128xi32, #tpu.memory_space<vmem>> -> memref<128xi32, #tpu.memory_space<vmem>>
        %dma_wait3A_395 = arith.constant 0 : i32
        %dma_wait3A_396 = arith.constant 0 : i32
        %dma_wait3A_397 = tpu.memref_slice %arg9[%dma_wait3A_395, %dma_wait3A_396] : memref<10240x128xf32, #tpu.memory_space<vmem_shared>> -> memref<10240x128xf32, #tpu.memory_space<vmem_shared>>
        tpu.wait_indirect_dma semaphore(%run_scoped3A_385 : memref<!tpu.dma_semaphore, #tpu.memory_space<semaphore_mem>>) src(%arg8 : memref<128x128xf32, #tpu.memory_space<vmem>>) dst(%dma_wait3A_397 : memref<10240x128xf32, #tpu.memory_space<vmem_shared>>)
        tpu.yield
      }) : () -> ()
      %dma_start3A_74 = arith.constant 3 : i32
      %dma_start3A_75 = arith.constant 0 : i32
      %dma_start3A_76 = tpu.memref_slice %arg5[%dma_start3A_74, %dma_start3A_75] : memref<16x128xi32, #tpu.memory_space<vmem>> -> memref<1x128xi32, #tpu.memory_space<vmem>>
      %dma_start3A_77 = tpu.memref_squeeze %dma_start3A_76 : memref<1x128xi32, #tpu.memory_space<vmem>> -> memref<128xi32, #tpu.memory_space<vmem>>
      %dma_start3A_78 = arith.constant 0 : i32
      %dma_start3A_79 = arith.constant 0 : i32
      %dma_start3A_80 = tpu.memref_slice %arg2[%arg0, %dma_start3A_78, %dma_start3A_79] : memref<2x10240x128xf32, #tpu.memory_space<hbm>> -> memref<1x10240x128xf32, #tpu.memory_space<hbm>>
      %dma_start3A_81 = tpu.memref_squeeze %dma_start3A_80 : memref<1x10240x128xf32, #tpu.memory_space<hbm>> -> memref<10240x128xf32, #tpu.memory_space<hbm>>
      %dma_start3A_82 = arith.constant 0 : i32
      %dma_start3A_83 = arith.constant 0 : i32
      %dma_start3A_84 = tpu.memref_slice %dma_start3A_81[%dma_start3A_82, %dma_start3A_83] : memref<10240x128xf32, #tpu.memory_space<hbm>> -> memref<10240x128xf32, #tpu.memory_space<hbm>>
      tpu.enqueue_indirect_dma source(%dma_start3A_84 : memref<10240x128xf32, #tpu.memory_space<hbm>>) target(%arg8 : memref<128x128xf32, #tpu.memory_space<vmem>>) offsets(%dma_start3A_77 : memref<128xi32, #tpu.memory_space<vmem>>) semaphore(%arg11 : memref<!tpu.dma_semaphore, #tpu.memory_space<semaphore_mem>>)
      %dma_wait3A_85 = arith.constant 2 : i32
      %dma_wait3A_86 = arith.constant 0 : i32
      %dma_wait3A_87 = tpu.memref_slice %arg5[%dma_wait3A_85, %dma_wait3A_86] : memref<16x128xi32, #tpu.memory_space<vmem>> -> memref<1x128xi32, #tpu.memory_space<vmem>>
      %dma_wait3A_88 = tpu.memref_squeeze %dma_wait3A_87 : memref<1x128xi32, #tpu.memory_space<vmem>> -> memref<128xi32, #tpu.memory_space<vmem>>
      %dma_wait3A_89 = arith.constant 0 : i32
      %dma_wait3A_90 = arith.constant 0 : i32
      %dma_wait3A_91 = tpu.memref_slice %arg2[%arg0, %dma_wait3A_89, %dma_wait3A_90] : memref<2x10240x128xf32, #tpu.memory_space<hbm>> -> memref<1x10240x128xf32, #tpu.memory_space<hbm>>
      %dma_wait3A_92 = tpu.memref_squeeze %dma_wait3A_91 : memref<1x10240x128xf32, #tpu.memory_space<hbm>> -> memref<10240x128xf32, #tpu.memory_space<hbm>>
      %dma_wait3A_93 = arith.constant 0 : i32
      %dma_wait3A_94 = arith.constant 0 : i32
      %dma_wait3A_95 = tpu.memref_slice %dma_wait3A_92[%dma_wait3A_93, %dma_wait3A_94] : memref<10240x128xf32, #tpu.memory_space<hbm>> -> memref<10240x128xf32, #tpu.memory_space<hbm>>
      tpu.wait_indirect_dma semaphore(%arg10 : memref<!tpu.dma_semaphore, #tpu.memory_space<semaphore_mem>>) src(%dma_wait3A_95 : memref<10240x128xf32, #tpu.memory_space<hbm>>) dst(%arg7 : memref<128x128xf32, #tpu.memory_space<vmem>>)
      %run_scoped3A_96 = arith.constant 2 : i32
      "tpu.region"() ({
        %run_scoped3A_385 = tpu.sem_alloc : memref<!tpu.dma_semaphore, #tpu.memory_space<semaphore_mem>>
        %dma_start3A_386 = arith.constant 0 : i32
        %dma_start3A_387 = tpu.memref_slice %arg6[%run_scoped3A_96, %dma_start3A_386] : memref<16x128xi32, #tpu.memory_space<vmem>> -> memref<1x128xi32, #tpu.memory_space<vmem>>
        %dma_start3A_388 = tpu.memref_squeeze %dma_start3A_387 : memref<1x128xi32, #tpu.memory_space<vmem>> -> memref<128xi32, #tpu.memory_space<vmem>>
        %dma_start3A_389 = arith.constant 0 : i32
        %dma_start3A_390 = arith.constant 0 : i32
        %dma_start3A_391 = tpu.memref_slice %arg9[%dma_start3A_389, %dma_start3A_390] : memref<10240x128xf32, #tpu.memory_space<vmem_shared>> -> memref<10240x128xf32, #tpu.memory_space<vmem_shared>>
        tpu.enqueue_indirect_dma source(%arg7 : memref<128x128xf32, #tpu.memory_space<vmem>>) target(%dma_start3A_391 : memref<10240x128xf32, #tpu.memory_space<vmem_shared>>) offsets(%dma_start3A_388 : memref<128xi32, #tpu.memory_space<vmem>>) semaphore(%run_scoped3A_385 : memref<!tpu.dma_semaphore, #tpu.memory_space<semaphore_mem>>) {add = true}
        %dma_wait3A_392 = arith.constant 0 : i32
        %dma_wait3A_393 = tpu.memref_slice %arg6[%run_scoped3A_96, %dma_wait3A_392] : memref<16x128xi32, #tpu.memory_space<vmem>> -> memref<1x128xi32, #tpu.memory_space<vmem>>
        %dma_wait3A_394 = tpu.memref_squeeze %dma_wait3A_393 : memref<1x128xi32, #tpu.memory_space<vmem>> -> memref<128xi32, #tpu.memory_space<vmem>>
        %dma_wait3A_395 = arith.constant 0 : i32
        %dma_wait3A_396 = arith.constant 0 : i32
        %dma_wait3A_397 = tpu.memref_slice %arg9[%dma_wait3A_395, %dma_wait3A_396] : memref<10240x128xf32, #tpu.memory_space<vmem_shared>> -> memref<10240x128xf32, #tpu.memory_space<vmem_shared>>
        tpu.wait_indirect_dma semaphore(%run_scoped3A_385 : memref<!tpu.dma_semaphore, #tpu.memory_space<semaphore_mem>>) src(%arg7 : memref<128x128xf32, #tpu.memory_space<vmem>>) dst(%dma_wait3A_397 : memref<10240x128xf32, #tpu.memory_space<vmem_shared>>)
        tpu.yield
      }) : () -> ()
      %dma_start3A_97 = arith.constant 4 : i32
      %dma_start3A_98 = arith.constant 0 : i32
      %dma_start3A_99 = tpu.memref_slice %arg5[%dma_start3A_97, %dma_start3A_98] : memref<16x128xi32, #tpu.memory_space<vmem>> -> memref<1x128xi32, #tpu.memory_space<vmem>>
      %dma_start3A_100 = tpu.memref_squeeze %dma_start3A_99 : memref<1x128xi32, #tpu.memory_space<vmem>> -> memref<128xi32, #tpu.memory_space<vmem>>
      %dma_start3A_101 = arith.constant 0 : i32
      %dma_start3A_102 = arith.constant 0 : i32
      %dma_start3A_103 = tpu.memref_slice %arg2[%arg0, %dma_start3A_101, %dma_start3A_102] : memref<2x10240x128xf32, #tpu.memory_space<hbm>> -> memref<1x10240x128xf32, #tpu.memory_space<hbm>>
      %dma_start3A_104 = tpu.memref_squeeze %dma_start3A_103 : memref<1x10240x128xf32, #tpu.memory_space<hbm>> -> memref<10240x128xf32, #tpu.memory_space<hbm>>
      %dma_start3A_105 = arith.constant 0 : i32
      %dma_start3A_106 = arith.constant 0 : i32
      %dma_start3A_107 = tpu.memref_slice %dma_start3A_104[%dma_start3A_105, %dma_start3A_106] : memref<10240x128xf32, #tpu.memory_space<hbm>> -> memref<10240x128xf32, #tpu.memory_space<hbm>>
      tpu.enqueue_indirect_dma source(%dma_start3A_107 : memref<10240x128xf32, #tpu.memory_space<hbm>>) target(%arg7 : memref<128x128xf32, #tpu.memory_space<vmem>>) offsets(%dma_start3A_100 : memref<128xi32, #tpu.memory_space<vmem>>) semaphore(%arg10 : memref<!tpu.dma_semaphore, #tpu.memory_space<semaphore_mem>>)
      %dma_wait3A_108 = arith.constant 3 : i32
      %dma_wait3A_109 = arith.constant 0 : i32
      %dma_wait3A_110 = tpu.memref_slice %arg5[%dma_wait3A_108, %dma_wait3A_109] : memref<16x128xi32, #tpu.memory_space<vmem>> -> memref<1x128xi32, #tpu.memory_space<vmem>>
      %dma_wait3A_111 = tpu.memref_squeeze %dma_wait3A_110 : memref<1x128xi32, #tpu.memory_space<vmem>> -> memref<128xi32, #tpu.memory_space<vmem>>
      %dma_wait3A_112 = arith.constant 0 : i32
      %dma_wait3A_113 = arith.constant 0 : i32
      %dma_wait3A_114 = tpu.memref_slice %arg2[%arg0, %dma_wait3A_112, %dma_wait3A_113] : memref<2x10240x128xf32, #tpu.memory_space<hbm>> -> memref<1x10240x128xf32, #tpu.memory_space<hbm>>
      %dma_wait3A_115 = tpu.memref_squeeze %dma_wait3A_114 : memref<1x10240x128xf32, #tpu.memory_space<hbm>> -> memref<10240x128xf32, #tpu.memory_space<hbm>>
      %dma_wait3A_116 = arith.constant 0 : i32
      %dma_wait3A_117 = arith.constant 0 : i32
      %dma_wait3A_118 = tpu.memref_slice %dma_wait3A_115[%dma_wait3A_116, %dma_wait3A_117] : memref<10240x128xf32, #tpu.memory_space<hbm>> -> memref<10240x128xf32, #tpu.memory_space<hbm>>
      tpu.wait_indirect_dma semaphore(%arg11 : memref<!tpu.dma_semaphore, #tpu.memory_space<semaphore_mem>>) src(%dma_wait3A_118 : memref<10240x128xf32, #tpu.memory_space<hbm>>) dst(%arg8 : memref<128x128xf32, #tpu.memory_space<vmem>>)
      %run_scoped3A_119 = arith.constant 3 : i32
      "tpu.region"() ({
        %run_scoped3A_385 = tpu.sem_alloc : memref<!tpu.dma_semaphore, #tpu.memory_space<semaphore_mem>>
        %dma_start3A_386 = arith.constant 0 : i32
        %dma_start3A_387 = tpu.memref_slice %arg6[%run_scoped3A_119, %dma_start3A_386] : memref<16x128xi32, #tpu.memory_space<vmem>> -> memref<1x128xi32, #tpu.memory_space<vmem>>
        %dma_start3A_388 = tpu.memref_squeeze %dma_start3A_387 : memref<1x128xi32, #tpu.memory_space<vmem>> -> memref<128xi32, #tpu.memory_space<vmem>>
        %dma_start3A_389 = arith.constant 0 : i32
        %dma_start3A_390 = arith.constant 0 : i32
        %dma_start3A_391 = tpu.memref_slice %arg9[%dma_start3A_389, %dma_start3A_390] : memref<10240x128xf32, #tpu.memory_space<vmem_shared>> -> memref<10240x128xf32, #tpu.memory_space<vmem_shared>>
        tpu.enqueue_indirect_dma source(%arg8 : memref<128x128xf32, #tpu.memory_space<vmem>>) target(%dma_start3A_391 : memref<10240x128xf32, #tpu.memory_space<vmem_shared>>) offsets(%dma_start3A_388 : memref<128xi32, #tpu.memory_space<vmem>>) semaphore(%run_scoped3A_385 : memref<!tpu.dma_semaphore, #tpu.memory_space<semaphore_mem>>) {add = true}
        %dma_wait3A_392 = arith.constant 0 : i32
        %dma_wait3A_393 = tpu.memref_slice %arg6[%run_scoped3A_119, %dma_wait3A_392] : memref<16x128xi32, #tpu.memory_space<vmem>> -> memref<1x128xi32, #tpu.memory_space<vmem>>
        %dma_wait3A_394 = tpu.memref_squeeze %dma_wait3A_393 : memref<1x128xi32, #tpu.memory_space<vmem>> -> memref<128xi32, #tpu.memory_space<vmem>>
        %dma_wait3A_395 = arith.constant 0 : i32
        %dma_wait3A_396 = arith.constant 0 : i32
        %dma_wait3A_397 = tpu.memref_slice %arg9[%dma_wait3A_395, %dma_wait3A_396] : memref<10240x128xf32, #tpu.memory_space<vmem_shared>> -> memref<10240x128xf32, #tpu.memory_space<vmem_shared>>
        tpu.wait_indirect_dma semaphore(%run_scoped3A_385 : memref<!tpu.dma_semaphore, #tpu.memory_space<semaphore_mem>>) src(%arg8 : memref<128x128xf32, #tpu.memory_space<vmem>>) dst(%dma_wait3A_397 : memref<10240x128xf32, #tpu.memory_space<vmem_shared>>)
        tpu.yield
      }) : () -> ()
      %dma_start3A_120 = arith.constant 5 : i32
      %dma_start3A_121 = arith.constant 0 : i32
      %dma_start3A_122 = tpu.memref_slice %arg5[%dma_start3A_120, %dma_start3A_121] : memref<16x128xi32, #tpu.memory_space<vmem>> -> memref<1x128xi32, #tpu.memory_space<vmem>>
      %dma_start3A_123 = tpu.memref_squeeze %dma_start3A_122 : memref<1x128xi32, #tpu.memory_space<vmem>> -> memref<128xi32, #tpu.memory_space<vmem>>
      %dma_start3A_124 = arith.constant 0 : i32
      %dma_start3A_125 = arith.constant 0 : i32
      %dma_start3A_126 = tpu.memref_slice %arg2[%arg0, %dma_start3A_124, %dma_start3A_125] : memref<2x10240x128xf32, #tpu.memory_space<hbm>> -> memref<1x10240x128xf32, #tpu.memory_space<hbm>>
      %dma_start3A_127 = tpu.memref_squeeze %dma_start3A_126 : memref<1x10240x128xf32, #tpu.memory_space<hbm>> -> memref<10240x128xf32, #tpu.memory_space<hbm>>
      %dma_start3A_128 = arith.constant 0 : i32
      %dma_start3A_129 = arith.constant 0 : i32
      %dma_start3A_130 = tpu.memref_slice %dma_start3A_127[%dma_start3A_128, %dma_start3A_129] : memref<10240x128xf32, #tpu.memory_space<hbm>> -> memref<10240x128xf32, #tpu.memory_space<hbm>>
      tpu.enqueue_indirect_dma source(%dma_start3A_130 : memref<10240x128xf32, #tpu.memory_space<hbm>>) target(%arg8 : memref<128x128xf32, #tpu.memory_space<vmem>>) offsets(%dma_start3A_123 : memref<128xi32, #tpu.memory_space<vmem>>) semaphore(%arg11 : memref<!tpu.dma_semaphore, #tpu.memory_space<semaphore_mem>>)
      %dma_wait3A_131 = arith.constant 4 : i32
      %dma_wait3A_132 = arith.constant 0 : i32
      %dma_wait3A_133 = tpu.memref_slice %arg5[%dma_wait3A_131, %dma_wait3A_132] : memref<16x128xi32, #tpu.memory_space<vmem>> -> memref<1x128xi32, #tpu.memory_space<vmem>>
      %dma_wait3A_134 = tpu.memref_squeeze %dma_wait3A_133 : memref<1x128xi32, #tpu.memory_space<vmem>> -> memref<128xi32, #tpu.memory_space<vmem>>
      %dma_wait3A_135 = arith.constant 0 : i32
      %dma_wait3A_136 = arith.constant 0 : i32
      %dma_wait3A_137 = tpu.memref_slice %arg2[%arg0, %dma_wait3A_135, %dma_wait3A_136] : memref<2x10240x128xf32, #tpu.memory_space<hbm>> -> memref<1x10240x128xf32, #tpu.memory_space<hbm>>
      %dma_wait3A_138 = tpu.memref_squeeze %dma_wait3A_137 : memref<1x10240x128xf32, #tpu.memory_space<hbm>> -> memref<10240x128xf32, #tpu.memory_space<hbm>>
      %dma_wait3A_139 = arith.constant 0 : i32
      %dma_wait3A_140 = arith.constant 0 : i32
      %dma_wait3A_141 = tpu.memref_slice %dma_wait3A_138[%dma_wait3A_139, %dma_wait3A_140] : memref<10240x128xf32, #tpu.memory_space<hbm>> -> memref<10240x128xf32, #tpu.memory_space<hbm>>
      tpu.wait_indirect_dma semaphore(%arg10 : memref<!tpu.dma_semaphore, #tpu.memory_space<semaphore_mem>>) src(%dma_wait3A_141 : memref<10240x128xf32, #tpu.memory_space<hbm>>) dst(%arg7 : memref<128x128xf32, #tpu.memory_space<vmem>>)
      %run_scoped3A_142 = arith.constant 4 : i32
      "tpu.region"() ({
        %run_scoped3A_385 = tpu.sem_alloc : memref<!tpu.dma_semaphore, #tpu.memory_space<semaphore_mem>>
        %dma_start3A_386 = arith.constant 0 : i32
        %dma_start3A_387 = tpu.memref_slice %arg6[%run_scoped3A_142, %dma_start3A_386] : memref<16x128xi32, #tpu.memory_space<vmem>> -> memref<1x128xi32, #tpu.memory_space<vmem>>
        %dma_start3A_388 = tpu.memref_squeeze %dma_start3A_387 : memref<1x128xi32, #tpu.memory_space<vmem>> -> memref<128xi32, #tpu.memory_space<vmem>>
        %dma_start3A_389 = arith.constant 0 : i32
        %dma_start3A_390 = arith.constant 0 : i32
        %dma_start3A_391 = tpu.memref_slice %arg9[%dma_start3A_389, %dma_start3A_390] : memref<10240x128xf32, #tpu.memory_space<vmem_shared>> -> memref<10240x128xf32, #tpu.memory_space<vmem_shared>>
        tpu.enqueue_indirect_dma source(%arg7 : memref<128x128xf32, #tpu.memory_space<vmem>>) target(%dma_start3A_391 : memref<10240x128xf32, #tpu.memory_space<vmem_shared>>) offsets(%dma_start3A_388 : memref<128xi32, #tpu.memory_space<vmem>>) semaphore(%run_scoped3A_385 : memref<!tpu.dma_semaphore, #tpu.memory_space<semaphore_mem>>) {add = true}
        %dma_wait3A_392 = arith.constant 0 : i32
        %dma_wait3A_393 = tpu.memref_slice %arg6[%run_scoped3A_142, %dma_wait3A_392] : memref<16x128xi32, #tpu.memory_space<vmem>> -> memref<1x128xi32, #tpu.memory_space<vmem>>
        %dma_wait3A_394 = tpu.memref_squeeze %dma_wait3A_393 : memref<1x128xi32, #tpu.memory_space<vmem>> -> memref<128xi32, #tpu.memory_space<vmem>>
        %dma_wait3A_395 = arith.constant 0 : i32
        %dma_wait3A_396 = arith.constant 0 : i32
        %dma_wait3A_397 = tpu.memref_slice %arg9[%dma_wait3A_395, %dma_wait3A_396] : memref<10240x128xf32, #tpu.memory_space<vmem_shared>> -> memref<10240x128xf32, #tpu.memory_space<vmem_shared>>
        tpu.wait_indirect_dma semaphore(%run_scoped3A_385 : memref<!tpu.dma_semaphore, #tpu.memory_space<semaphore_mem>>) src(%arg7 : memref<128x128xf32, #tpu.memory_space<vmem>>) dst(%dma_wait3A_397 : memref<10240x128xf32, #tpu.memory_space<vmem_shared>>)
        tpu.yield
      }) : () -> ()
      %dma_start3A_143 = arith.constant 6 : i32
      %dma_start3A_144 = arith.constant 0 : i32
      %dma_start3A_145 = tpu.memref_slice %arg5[%dma_start3A_143, %dma_start3A_144] : memref<16x128xi32, #tpu.memory_space<vmem>> -> memref<1x128xi32, #tpu.memory_space<vmem>>
      %dma_start3A_146 = tpu.memref_squeeze %dma_start3A_145 : memref<1x128xi32, #tpu.memory_space<vmem>> -> memref<128xi32, #tpu.memory_space<vmem>>
      %dma_start3A_147 = arith.constant 0 : i32
      %dma_start3A_148 = arith.constant 0 : i32
      %dma_start3A_149 = tpu.memref_slice %arg2[%arg0, %dma_start3A_147, %dma_start3A_148] : memref<2x10240x128xf32, #tpu.memory_space<hbm>> -> memref<1x10240x128xf32, #tpu.memory_space<hbm>>
      %dma_start3A_150 = tpu.memref_squeeze %dma_start3A_149 : memref<1x10240x128xf32, #tpu.memory_space<hbm>> -> memref<10240x128xf32, #tpu.memory_space<hbm>>
      %dma_start3A_151 = arith.constant 0 : i32
      %dma_start3A_152 = arith.constant 0 : i32
      %dma_start3A_153 = tpu.memref_slice %dma_start3A_150[%dma_start3A_151, %dma_start3A_152] : memref<10240x128xf32, #tpu.memory_space<hbm>> -> memref<10240x128xf32, #tpu.memory_space<hbm>>
      tpu.enqueue_indirect_dma source(%dma_start3A_153 : memref<10240x128xf32, #tpu.memory_space<hbm>>) target(%arg7 : memref<128x128xf32, #tpu.memory_space<vmem>>) offsets(%dma_start3A_146 : memref<128xi32, #tpu.memory_space<vmem>>) semaphore(%arg10 : memref<!tpu.dma_semaphore, #tpu.memory_space<semaphore_mem>>)
      %dma_wait3A_154 = arith.constant 5 : i32
      %dma_wait3A_155 = arith.constant 0 : i32
      %dma_wait3A_156 = tpu.memref_slice %arg5[%dma_wait3A_154, %dma_wait3A_155] : memref<16x128xi32, #tpu.memory_space<vmem>> -> memref<1x128xi32, #tpu.memory_space<vmem>>
      %dma_wait3A_157 = tpu.memref_squeeze %dma_wait3A_156 : memref<1x128xi32, #tpu.memory_space<vmem>> -> memref<128xi32, #tpu.memory_space<vmem>>
      %dma_wait3A_158 = arith.constant 0 : i32
      %dma_wait3A_159 = arith.constant 0 : i32
      %dma_wait3A_160 = tpu.memref_slice %arg2[%arg0, %dma_wait3A_158, %dma_wait3A_159] : memref<2x10240x128xf32, #tpu.memory_space<hbm>> -> memref<1x10240x128xf32, #tpu.memory_space<hbm>>
      %dma_wait3A_161 = tpu.memref_squeeze %dma_wait3A_160 : memref<1x10240x128xf32, #tpu.memory_space<hbm>> -> memref<10240x128xf32, #tpu.memory_space<hbm>>
      %dma_wait3A_162 = arith.constant 0 : i32
      %dma_wait3A_163 = arith.constant 0 : i32
      %dma_wait3A_164 = tpu.memref_slice %dma_wait3A_161[%dma_wait3A_162, %dma_wait3A_163] : memref<10240x128xf32, #tpu.memory_space<hbm>> -> memref<10240x128xf32, #tpu.memory_space<hbm>>
      tpu.wait_indirect_dma semaphore(%arg11 : memref<!tpu.dma_semaphore, #tpu.memory_space<semaphore_mem>>) src(%dma_wait3A_164 : memref<10240x128xf32, #tpu.memory_space<hbm>>) dst(%arg8 : memref<128x128xf32, #tpu.memory_space<vmem>>)
      %run_scoped3A_165 = arith.constant 5 : i32
      "tpu.region"() ({
        %run_scoped3A_385 = tpu.sem_alloc : memref<!tpu.dma_semaphore, #tpu.memory_space<semaphore_mem>>
        %dma_start3A_386 = arith.constant 0 : i32
        %dma_start3A_387 = tpu.memref_slice %arg6[%run_scoped3A_165, %dma_start3A_386] : memref<16x128xi32, #tpu.memory_space<vmem>> -> memref<1x128xi32, #tpu.memory_space<vmem>>
        %dma_start3A_388 = tpu.memref_squeeze %dma_start3A_387 : memref<1x128xi32, #tpu.memory_space<vmem>> -> memref<128xi32, #tpu.memory_space<vmem>>
        %dma_start3A_389 = arith.constant 0 : i32
        %dma_start3A_390 = arith.constant 0 : i32
        %dma_start3A_391 = tpu.memref_slice %arg9[%dma_start3A_389, %dma_start3A_390] : memref<10240x128xf32, #tpu.memory_space<vmem_shared>> -> memref<10240x128xf32, #tpu.memory_space<vmem_shared>>
        tpu.enqueue_indirect_dma source(%arg8 : memref<128x128xf32, #tpu.memory_space<vmem>>) target(%dma_start3A_391 : memref<10240x128xf32, #tpu.memory_space<vmem_shared>>) offsets(%dma_start3A_388 : memref<128xi32, #tpu.memory_space<vmem>>) semaphore(%run_scoped3A_385 : memref<!tpu.dma_semaphore, #tpu.memory_space<semaphore_mem>>) {add = true}
        %dma_wait3A_392 = arith.constant 0 : i32
        %dma_wait3A_393 = tpu.memref_slice %arg6[%run_scoped3A_165, %dma_wait3A_392] : memref<16x128xi32, #tpu.memory_space<vmem>> -> memref<1x128xi32, #tpu.memory_space<vmem>>
        %dma_wait3A_394 = tpu.memref_squeeze %dma_wait3A_393 : memref<1x128xi32, #tpu.memory_space<vmem>> -> memref<128xi32, #tpu.memory_space<vmem>>
        %dma_wait3A_395 = arith.constant 0 : i32
        %dma_wait3A_396 = arith.constant 0 : i32
        %dma_wait3A_397 = tpu.memref_slice %arg9[%dma_wait3A_395, %dma_wait3A_396] : memref<10240x128xf32, #tpu.memory_space<vmem_shared>> -> memref<10240x128xf32, #tpu.memory_space<vmem_shared>>
        tpu.wait_indirect_dma semaphore(%run_scoped3A_385 : memref<!tpu.dma_semaphore, #tpu.memory_space<semaphore_mem>>) src(%arg8 : memref<128x128xf32, #tpu.memory_space<vmem>>) dst(%dma_wait3A_397 : memref<10240x128xf32, #tpu.memory_space<vmem_shared>>)
        tpu.yield
      }) : () -> ()
      %dma_start3A_166 = arith.constant 7 : i32
      %dma_start3A_167 = arith.constant 0 : i32
      %dma_start3A_168 = tpu.memref_slice %arg5[%dma_start3A_166, %dma_start3A_167] : memref<16x128xi32, #tpu.memory_space<vmem>> -> memref<1x128xi32, #tpu.memory_space<vmem>>
      %dma_start3A_169 = tpu.memref_squeeze %dma_start3A_168 : memref<1x128xi32, #tpu.memory_space<vmem>> -> memref<128xi32, #tpu.memory_space<vmem>>
      %dma_start3A_170 = arith.constant 0 : i32
      %dma_start3A_171 = arith.constant 0 : i32
      %dma_start3A_172 = tpu.memref_slice %arg2[%arg0, %dma_start3A_170, %dma_start3A_171] : memref<2x10240x128xf32, #tpu.memory_space<hbm>> -> memref<1x10240x128xf32, #tpu.memory_space<hbm>>
      %dma_start3A_173 = tpu.memref_squeeze %dma_start3A_172 : memref<1x10240x128xf32, #tpu.memory_space<hbm>> -> memref<10240x128xf32, #tpu.memory_space<hbm>>
      %dma_start3A_174 = arith.constant 0 : i32
      %dma_start3A_175 = arith.constant 0 : i32
      %dma_start3A_176 = tpu.memref_slice %dma_start3A_173[%dma_start3A_174, %dma_start3A_175] : memref<10240x128xf32, #tpu.memory_space<hbm>> -> memref<10240x128xf32, #tpu.memory_space<hbm>>
      tpu.enqueue_indirect_dma source(%dma_start3A_176 : memref<10240x128xf32, #tpu.memory_space<hbm>>) target(%arg8 : memref<128x128xf32, #tpu.memory_space<vmem>>) offsets(%dma_start3A_169 : memref<128xi32, #tpu.memory_space<vmem>>) semaphore(%arg11 : memref<!tpu.dma_semaphore, #tpu.memory_space<semaphore_mem>>)
      %dma_wait3A_177 = arith.constant 6 : i32
      %dma_wait3A_178 = arith.constant 0 : i32
      %dma_wait3A_179 = tpu.memref_slice %arg5[%dma_wait3A_177, %dma_wait3A_178] : memref<16x128xi32, #tpu.memory_space<vmem>> -> memref<1x128xi32, #tpu.memory_space<vmem>>
      %dma_wait3A_180 = tpu.memref_squeeze %dma_wait3A_179 : memref<1x128xi32, #tpu.memory_space<vmem>> -> memref<128xi32, #tpu.memory_space<vmem>>
      %dma_wait3A_181 = arith.constant 0 : i32
      %dma_wait3A_182 = arith.constant 0 : i32
      %dma_wait3A_183 = tpu.memref_slice %arg2[%arg0, %dma_wait3A_181, %dma_wait3A_182] : memref<2x10240x128xf32, #tpu.memory_space<hbm>> -> memref<1x10240x128xf32, #tpu.memory_space<hbm>>
      %dma_wait3A_184 = tpu.memref_squeeze %dma_wait3A_183 : memref<1x10240x128xf32, #tpu.memory_space<hbm>> -> memref<10240x128xf32, #tpu.memory_space<hbm>>
      %dma_wait3A_185 = arith.constant 0 : i32
      %dma_wait3A_186 = arith.constant 0 : i32
      %dma_wait3A_187 = tpu.memref_slice %dma_wait3A_184[%dma_wait3A_185, %dma_wait3A_186] : memref<10240x128xf32, #tpu.memory_space<hbm>> -> memref<10240x128xf32, #tpu.memory_space<hbm>>
      tpu.wait_indirect_dma semaphore(%arg10 : memref<!tpu.dma_semaphore, #tpu.memory_space<semaphore_mem>>) src(%dma_wait3A_187 : memref<10240x128xf32, #tpu.memory_space<hbm>>) dst(%arg7 : memref<128x128xf32, #tpu.memory_space<vmem>>)
      %run_scoped3A_188 = arith.constant 6 : i32
      "tpu.region"() ({
        %run_scoped3A_385 = tpu.sem_alloc : memref<!tpu.dma_semaphore, #tpu.memory_space<semaphore_mem>>
        %dma_start3A_386 = arith.constant 0 : i32
        %dma_start3A_387 = tpu.memref_slice %arg6[%run_scoped3A_188, %dma_start3A_386] : memref<16x128xi32, #tpu.memory_space<vmem>> -> memref<1x128xi32, #tpu.memory_space<vmem>>
        %dma_start3A_388 = tpu.memref_squeeze %dma_start3A_387 : memref<1x128xi32, #tpu.memory_space<vmem>> -> memref<128xi32, #tpu.memory_space<vmem>>
        %dma_start3A_389 = arith.constant 0 : i32
        %dma_start3A_390 = arith.constant 0 : i32
        %dma_start3A_391 = tpu.memref_slice %arg9[%dma_start3A_389, %dma_start3A_390] : memref<10240x128xf32, #tpu.memory_space<vmem_shared>> -> memref<10240x128xf32, #tpu.memory_space<vmem_shared>>
        tpu.enqueue_indirect_dma source(%arg7 : memref<128x128xf32, #tpu.memory_space<vmem>>) target(%dma_start3A_391 : memref<10240x128xf32, #tpu.memory_space<vmem_shared>>) offsets(%dma_start3A_388 : memref<128xi32, #tpu.memory_space<vmem>>) semaphore(%run_scoped3A_385 : memref<!tpu.dma_semaphore, #tpu.memory_space<semaphore_mem>>) {add = true}
        %dma_wait3A_392 = arith.constant 0 : i32
        %dma_wait3A_393 = tpu.memref_slice %arg6[%run_scoped3A_188, %dma_wait3A_392] : memref<16x128xi32, #tpu.memory_space<vmem>> -> memref<1x128xi32, #tpu.memory_space<vmem>>
        %dma_wait3A_394 = tpu.memref_squeeze %dma_wait3A_393 : memref<1x128xi32, #tpu.memory_space<vmem>> -> memref<128xi32, #tpu.memory_space<vmem>>
        %dma_wait3A_395 = arith.constant 0 : i32
        %dma_wait3A_396 = arith.constant 0 : i32
        %dma_wait3A_397 = tpu.memref_slice %arg9[%dma_wait3A_395, %dma_wait3A_396] : memref<10240x128xf32, #tpu.memory_space<vmem_shared>> -> memref<10240x128xf32, #tpu.memory_space<vmem_shared>>
        tpu.wait_indirect_dma semaphore(%run_scoped3A_385 : memref<!tpu.dma_semaphore, #tpu.memory_space<semaphore_mem>>) src(%arg7 : memref<128x128xf32, #tpu.memory_space<vmem>>) dst(%dma_wait3A_397 : memref<10240x128xf32, #tpu.memory_space<vmem_shared>>)
        tpu.yield
      }) : () -> ()
      %dma_start3A_189 = arith.constant 8 : i32
      %dma_start3A_190 = arith.constant 0 : i32
      %dma_start3A_191 = tpu.memref_slice %arg5[%dma_start3A_189, %dma_start3A_190] : memref<16x128xi32, #tpu.memory_space<vmem>> -> memref<1x128xi32, #tpu.memory_space<vmem>>
      %dma_start3A_192 = tpu.memref_squeeze %dma_start3A_191 : memref<1x128xi32, #tpu.memory_space<vmem>> -> memref<128xi32, #tpu.memory_space<vmem>>
      %dma_start3A_193 = arith.constant 0 : i32
      %dma_start3A_194 = arith.constant 0 : i32
      %dma_start3A_195 = tpu.memref_slice %arg2[%arg0, %dma_start3A_193, %dma_start3A_194] : memref<2x10240x128xf32, #tpu.memory_space<hbm>> -> memref<1x10240x128xf32, #tpu.memory_space<hbm>>
      %dma_start3A_196 = tpu.memref_squeeze %dma_start3A_195 : memref<1x10240x128xf32, #tpu.memory_space<hbm>> -> memref<10240x128xf32, #tpu.memory_space<hbm>>
      %dma_start3A_197 = arith.constant 0 : i32
      %dma_start3A_198 = arith.constant 0 : i32
      %dma_start3A_199 = tpu.memref_slice %dma_start3A_196[%dma_start3A_197, %dma_start3A_198] : memref<10240x128xf32, #tpu.memory_space<hbm>> -> memref<10240x128xf32, #tpu.memory_space<hbm>>
      tpu.enqueue_indirect_dma source(%dma_start3A_199 : memref<10240x128xf32, #tpu.memory_space<hbm>>) target(%arg7 : memref<128x128xf32, #tpu.memory_space<vmem>>) offsets(%dma_start3A_192 : memref<128xi32, #tpu.memory_space<vmem>>) semaphore(%arg10 : memref<!tpu.dma_semaphore, #tpu.memory_space<semaphore_mem>>)
      %dma_wait3A_200 = arith.constant 7 : i32
      %dma_wait3A_201 = arith.constant 0 : i32
      %dma_wait3A_202 = tpu.memref_slice %arg5[%dma_wait3A_200, %dma_wait3A_201] : memref<16x128xi32, #tpu.memory_space<vmem>> -> memref<1x128xi32, #tpu.memory_space<vmem>>
      %dma_wait3A_203 = tpu.memref_squeeze %dma_wait3A_202 : memref<1x128xi32, #tpu.memory_space<vmem>> -> memref<128xi32, #tpu.memory_space<vmem>>
      %dma_wait3A_204 = arith.constant 0 : i32
      %dma_wait3A_205 = arith.constant 0 : i32
      %dma_wait3A_206 = tpu.memref_slice %arg2[%arg0, %dma_wait3A_204, %dma_wait3A_205] : memref<2x10240x128xf32, #tpu.memory_space<hbm>> -> memref<1x10240x128xf32, #tpu.memory_space<hbm>>
      %dma_wait3A_207 = tpu.memref_squeeze %dma_wait3A_206 : memref<1x10240x128xf32, #tpu.memory_space<hbm>> -> memref<10240x128xf32, #tpu.memory_space<hbm>>
      %dma_wait3A_208 = arith.constant 0 : i32
      %dma_wait3A_209 = arith.constant 0 : i32
      %dma_wait3A_210 = tpu.memref_slice %dma_wait3A_207[%dma_wait3A_208, %dma_wait3A_209] : memref<10240x128xf32, #tpu.memory_space<hbm>> -> memref<10240x128xf32, #tpu.memory_space<hbm>>
      tpu.wait_indirect_dma semaphore(%arg11 : memref<!tpu.dma_semaphore, #tpu.memory_space<semaphore_mem>>) src(%dma_wait3A_210 : memref<10240x128xf32, #tpu.memory_space<hbm>>) dst(%arg8 : memref<128x128xf32, #tpu.memory_space<vmem>>)
      %run_scoped3A_211 = arith.constant 7 : i32
      "tpu.region"() ({
        %run_scoped3A_385 = tpu.sem_alloc : memref<!tpu.dma_semaphore, #tpu.memory_space<semaphore_mem>>
        %dma_start3A_386 = arith.constant 0 : i32
        %dma_start3A_387 = tpu.memref_slice %arg6[%run_scoped3A_211, %dma_start3A_386] : memref<16x128xi32, #tpu.memory_space<vmem>> -> memref<1x128xi32, #tpu.memory_space<vmem>>
        %dma_start3A_388 = tpu.memref_squeeze %dma_start3A_387 : memref<1x128xi32, #tpu.memory_space<vmem>> -> memref<128xi32, #tpu.memory_space<vmem>>
        %dma_start3A_389 = arith.constant 0 : i32
        %dma_start3A_390 = arith.constant 0 : i32
        %dma_start3A_391 = tpu.memref_slice %arg9[%dma_start3A_389, %dma_start3A_390] : memref<10240x128xf32, #tpu.memory_space<vmem_shared>> -> memref<10240x128xf32, #tpu.memory_space<vmem_shared>>
        tpu.enqueue_indirect_dma source(%arg8 : memref<128x128xf32, #tpu.memory_space<vmem>>) target(%dma_start3A_391 : memref<10240x128xf32, #tpu.memory_space<vmem_shared>>) offsets(%dma_start3A_388 : memref<128xi32, #tpu.memory_space<vmem>>) semaphore(%run_scoped3A_385 : memref<!tpu.dma_semaphore, #tpu.memory_space<semaphore_mem>>) {add = true}
        %dma_wait3A_392 = arith.constant 0 : i32
        %dma_wait3A_393 = tpu.memref_slice %arg6[%run_scoped3A_211, %dma_wait3A_392] : memref<16x128xi32, #tpu.memory_space<vmem>> -> memref<1x128xi32, #tpu.memory_space<vmem>>
        %dma_wait3A_394 = tpu.memref_squeeze %dma_wait3A_393 : memref<1x128xi32, #tpu.memory_space<vmem>> -> memref<128xi32, #tpu.memory_space<vmem>>
        %dma_wait3A_395 = arith.constant 0 : i32
        %dma_wait3A_396 = arith.constant 0 : i32
        %dma_wait3A_397 = tpu.memref_slice %arg9[%dma_wait3A_395, %dma_wait3A_396] : memref<10240x128xf32, #tpu.memory_space<vmem_shared>> -> memref<10240x128xf32, #tpu.memory_space<vmem_shared>>
        tpu.wait_indirect_dma semaphore(%run_scoped3A_385 : memref<!tpu.dma_semaphore, #tpu.memory_space<semaphore_mem>>) src(%arg8 : memref<128x128xf32, #tpu.memory_space<vmem>>) dst(%dma_wait3A_397 : memref<10240x128xf32, #tpu.memory_space<vmem_shared>>)
        tpu.yield
      }) : () -> ()
      %dma_start3A_212 = arith.constant 9 : i32
      %dma_start3A_213 = arith.constant 0 : i32
      %dma_start3A_214 = tpu.memref_slice %arg5[%dma_start3A_212, %dma_start3A_213] : memref<16x128xi32, #tpu.memory_space<vmem>> -> memref<1x128xi32, #tpu.memory_space<vmem>>
      %dma_start3A_215 = tpu.memref_squeeze %dma_start3A_214 : memref<1x128xi32, #tpu.memory_space<vmem>> -> memref<128xi32, #tpu.memory_space<vmem>>
      %dma_start3A_216 = arith.constant 0 : i32
      %dma_start3A_217 = arith.constant 0 : i32
      %dma_start3A_218 = tpu.memref_slice %arg2[%arg0, %dma_start3A_216, %dma_start3A_217] : memref<2x10240x128xf32, #tpu.memory_space<hbm>> -> memref<1x10240x128xf32, #tpu.memory_space<hbm>>
      %dma_start3A_219 = tpu.memref_squeeze %dma_start3A_218 : memref<1x10240x128xf32, #tpu.memory_space<hbm>> -> memref<10240x128xf32, #tpu.memory_space<hbm>>
      %dma_start3A_220 = arith.constant 0 : i32
      %dma_start3A_221 = arith.constant 0 : i32
      %dma_start3A_222 = tpu.memref_slice %dma_start3A_219[%dma_start3A_220, %dma_start3A_221] : memref<10240x128xf32, #tpu.memory_space<hbm>> -> memref<10240x128xf32, #tpu.memory_space<hbm>>
      tpu.enqueue_indirect_dma source(%dma_start3A_222 : memref<10240x128xf32, #tpu.memory_space<hbm>>) target(%arg8 : memref<128x128xf32, #tpu.memory_space<vmem>>) offsets(%dma_start3A_215 : memref<128xi32, #tpu.memory_space<vmem>>) semaphore(%arg11 : memref<!tpu.dma_semaphore, #tpu.memory_space<semaphore_mem>>)
      %dma_wait3A_223 = arith.constant 8 : i32
      %dma_wait3A_224 = arith.constant 0 : i32
      %dma_wait3A_225 = tpu.memref_slice %arg5[%dma_wait3A_223, %dma_wait3A_224] : memref<16x128xi32, #tpu.memory_space<vmem>> -> memref<1x128xi32, #tpu.memory_space<vmem>>
      %dma_wait3A_226 = tpu.memref_squeeze %dma_wait3A_225 : memref<1x128xi32, #tpu.memory_space<vmem>> -> memref<128xi32, #tpu.memory_space<vmem>>
      %dma_wait3A_227 = arith.constant 0 : i32
      %dma_wait3A_228 = arith.constant 0 : i32
      %dma_wait3A_229 = tpu.memref_slice %arg2[%arg0, %dma_wait3A_227, %dma_wait3A_228] : memref<2x10240x128xf32, #tpu.memory_space<hbm>> -> memref<1x10240x128xf32, #tpu.memory_space<hbm>>
      %dma_wait3A_230 = tpu.memref_squeeze %dma_wait3A_229 : memref<1x10240x128xf32, #tpu.memory_space<hbm>> -> memref<10240x128xf32, #tpu.memory_space<hbm>>
      %dma_wait3A_231 = arith.constant 0 : i32
      %dma_wait3A_232 = arith.constant 0 : i32
      %dma_wait3A_233 = tpu.memref_slice %dma_wait3A_230[%dma_wait3A_231, %dma_wait3A_232] : memref<10240x128xf32, #tpu.memory_space<hbm>> -> memref<10240x128xf32, #tpu.memory_space<hbm>>
      tpu.wait_indirect_dma semaphore(%arg10 : memref<!tpu.dma_semaphore, #tpu.memory_space<semaphore_mem>>) src(%dma_wait3A_233 : memref<10240x128xf32, #tpu.memory_space<hbm>>) dst(%arg7 : memref<128x128xf32, #tpu.memory_space<vmem>>)
      %run_scoped3A_234 = arith.constant 8 : i32
      "tpu.region"() ({
        %run_scoped3A_385 = tpu.sem_alloc : memref<!tpu.dma_semaphore, #tpu.memory_space<semaphore_mem>>
        %dma_start3A_386 = arith.constant 0 : i32
        %dma_start3A_387 = tpu.memref_slice %arg6[%run_scoped3A_234, %dma_start3A_386] : memref<16x128xi32, #tpu.memory_space<vmem>> -> memref<1x128xi32, #tpu.memory_space<vmem>>
        %dma_start3A_388 = tpu.memref_squeeze %dma_start3A_387 : memref<1x128xi32, #tpu.memory_space<vmem>> -> memref<128xi32, #tpu.memory_space<vmem>>
        %dma_start3A_389 = arith.constant 0 : i32
        %dma_start3A_390 = arith.constant 0 : i32
        %dma_start3A_391 = tpu.memref_slice %arg9[%dma_start3A_389, %dma_start3A_390] : memref<10240x128xf32, #tpu.memory_space<vmem_shared>> -> memref<10240x128xf32, #tpu.memory_space<vmem_shared>>
        tpu.enqueue_indirect_dma source(%arg7 : memref<128x128xf32, #tpu.memory_space<vmem>>) target(%dma_start3A_391 : memref<10240x128xf32, #tpu.memory_space<vmem_shared>>) offsets(%dma_start3A_388 : memref<128xi32, #tpu.memory_space<vmem>>) semaphore(%run_scoped3A_385 : memref<!tpu.dma_semaphore, #tpu.memory_space<semaphore_mem>>) {add = true}
        %dma_wait3A_392 = arith.constant 0 : i32
        %dma_wait3A_393 = tpu.memref_slice %arg6[%run_scoped3A_234, %dma_wait3A_392] : memref<16x128xi32, #tpu.memory_space<vmem>> -> memref<1x128xi32, #tpu.memory_space<vmem>>
        %dma_wait3A_394 = tpu.memref_squeeze %dma_wait3A_393 : memref<1x128xi32, #tpu.memory_space<vmem>> -> memref<128xi32, #tpu.memory_space<vmem>>
        %dma_wait3A_395 = arith.constant 0 : i32
        %dma_wait3A_396 = arith.constant 0 : i32
        %dma_wait3A_397 = tpu.memref_slice %arg9[%dma_wait3A_395, %dma_wait3A_396] : memref<10240x128xf32, #tpu.memory_space<vmem_shared>> -> memref<10240x128xf32, #tpu.memory_space<vmem_shared>>
        tpu.wait_indirect_dma semaphore(%run_scoped3A_385 : memref<!tpu.dma_semaphore, #tpu.memory_space<semaphore_mem>>) src(%arg7 : memref<128x128xf32, #tpu.memory_space<vmem>>) dst(%dma_wait3A_397 : memref<10240x128xf32, #tpu.memory_space<vmem_shared>>)
        tpu.yield
      }) : () -> ()
      %dma_start3A_235 = arith.constant 10 : i32
      %dma_start3A_236 = arith.constant 0 : i32
      %dma_start3A_237 = tpu.memref_slice %arg5[%dma_start3A_235, %dma_start3A_236] : memref<16x128xi32, #tpu.memory_space<vmem>> -> memref<1x128xi32, #tpu.memory_space<vmem>>
      %dma_start3A_238 = tpu.memref_squeeze %dma_start3A_237 : memref<1x128xi32, #tpu.memory_space<vmem>> -> memref<128xi32, #tpu.memory_space<vmem>>
      %dma_start3A_239 = arith.constant 0 : i32
      %dma_start3A_240 = arith.constant 0 : i32
      %dma_start3A_241 = tpu.memref_slice %arg2[%arg0, %dma_start3A_239, %dma_start3A_240] : memref<2x10240x128xf32, #tpu.memory_space<hbm>> -> memref<1x10240x128xf32, #tpu.memory_space<hbm>>
      %dma_start3A_242 = tpu.memref_squeeze %dma_start3A_241 : memref<1x10240x128xf32, #tpu.memory_space<hbm>> -> memref<10240x128xf32, #tpu.memory_space<hbm>>
      %dma_start3A_243 = arith.constant 0 : i32
      %dma_start3A_244 = arith.constant 0 : i32
      %dma_start3A_245 = tpu.memref_slice %dma_start3A_242[%dma_start3A_243, %dma_start3A_244] : memref<10240x128xf32, #tpu.memory_space<hbm>> -> memref<10240x128xf32, #tpu.memory_space<hbm>>
      tpu.enqueue_indirect_dma source(%dma_start3A_245 : memref<10240x128xf32, #tpu.memory_space<hbm>>) target(%arg7 : memref<128x128xf32, #tpu.memory_space<vmem>>) offsets(%dma_start3A_238 : memref<128xi32, #tpu.memory_space<vmem>>) semaphore(%arg10 : memref<!tpu.dma_semaphore, #tpu.memory_space<semaphore_mem>>)
      %dma_wait3A_246 = arith.constant 9 : i32
      %dma_wait3A_247 = arith.constant 0 : i32
      %dma_wait3A_248 = tpu.memref_slice %arg5[%dma_wait3A_246, %dma_wait3A_247] : memref<16x128xi32, #tpu.memory_space<vmem>> -> memref<1x128xi32, #tpu.memory_space<vmem>>
      %dma_wait3A_249 = tpu.memref_squeeze %dma_wait3A_248 : memref<1x128xi32, #tpu.memory_space<vmem>> -> memref<128xi32, #tpu.memory_space<vmem>>
      %dma_wait3A_250 = arith.constant 0 : i32
      %dma_wait3A_251 = arith.constant 0 : i32
      %dma_wait3A_252 = tpu.memref_slice %arg2[%arg0, %dma_wait3A_250, %dma_wait3A_251] : memref<2x10240x128xf32, #tpu.memory_space<hbm>> -> memref<1x10240x128xf32, #tpu.memory_space<hbm>>
      %dma_wait3A_253 = tpu.memref_squeeze %dma_wait3A_252 : memref<1x10240x128xf32, #tpu.memory_space<hbm>> -> memref<10240x128xf32, #tpu.memory_space<hbm>>
      %dma_wait3A_254 = arith.constant 0 : i32
      %dma_wait3A_255 = arith.constant 0 : i32
      %dma_wait3A_256 = tpu.memref_slice %dma_wait3A_253[%dma_wait3A_254, %dma_wait3A_255] : memref<10240x128xf32, #tpu.memory_space<hbm>> -> memref<10240x128xf32, #tpu.memory_space<hbm>>
      tpu.wait_indirect_dma semaphore(%arg11 : memref<!tpu.dma_semaphore, #tpu.memory_space<semaphore_mem>>) src(%dma_wait3A_256 : memref<10240x128xf32, #tpu.memory_space<hbm>>) dst(%arg8 : memref<128x128xf32, #tpu.memory_space<vmem>>)
      %run_scoped3A_257 = arith.constant 9 : i32
      "tpu.region"() ({
        %run_scoped3A_385 = tpu.sem_alloc : memref<!tpu.dma_semaphore, #tpu.memory_space<semaphore_mem>>
        %dma_start3A_386 = arith.constant 0 : i32
        %dma_start3A_387 = tpu.memref_slice %arg6[%run_scoped3A_257, %dma_start3A_386] : memref<16x128xi32, #tpu.memory_space<vmem>> -> memref<1x128xi32, #tpu.memory_space<vmem>>
        %dma_start3A_388 = tpu.memref_squeeze %dma_start3A_387 : memref<1x128xi32, #tpu.memory_space<vmem>> -> memref<128xi32, #tpu.memory_space<vmem>>
        %dma_start3A_389 = arith.constant 0 : i32
        %dma_start3A_390 = arith.constant 0 : i32
        %dma_start3A_391 = tpu.memref_slice %arg9[%dma_start3A_389, %dma_start3A_390] : memref<10240x128xf32, #tpu.memory_space<vmem_shared>> -> memref<10240x128xf32, #tpu.memory_space<vmem_shared>>
        tpu.enqueue_indirect_dma source(%arg8 : memref<128x128xf32, #tpu.memory_space<vmem>>) target(%dma_start3A_391 : memref<10240x128xf32, #tpu.memory_space<vmem_shared>>) offsets(%dma_start3A_388 : memref<128xi32, #tpu.memory_space<vmem>>) semaphore(%run_scoped3A_385 : memref<!tpu.dma_semaphore, #tpu.memory_space<semaphore_mem>>) {add = true}
        %dma_wait3A_392 = arith.constant 0 : i32
        %dma_wait3A_393 = tpu.memref_slice %arg6[%run_scoped3A_257, %dma_wait3A_392] : memref<16x128xi32, #tpu.memory_space<vmem>> -> memref<1x128xi32, #tpu.memory_space<vmem>>
        %dma_wait3A_394 = tpu.memref_squeeze %dma_wait3A_393 : memref<1x128xi32, #tpu.memory_space<vmem>> -> memref<128xi32, #tpu.memory_space<vmem>>
        %dma_wait3A_395 = arith.constant 0 : i32
        %dma_wait3A_396 = arith.constant 0 : i32
        %dma_wait3A_397 = tpu.memref_slice %arg9[%dma_wait3A_395, %dma_wait3A_396] : memref<10240x128xf32, #tpu.memory_space<vmem_shared>> -> memref<10240x128xf32, #tpu.memory_space<vmem_shared>>
        tpu.wait_indirect_dma semaphore(%run_scoped3A_385 : memref<!tpu.dma_semaphore, #tpu.memory_space<semaphore_mem>>) src(%arg8 : memref<128x128xf32, #tpu.memory_space<vmem>>) dst(%dma_wait3A_397 : memref<10240x128xf32, #tpu.memory_space<vmem_shared>>)
        tpu.yield
      }) : () -> ()
      %dma_start3A_258 = arith.constant 11 : i32
      %dma_start3A_259 = arith.constant 0 : i32
      %dma_start3A_260 = tpu.memref_slice %arg5[%dma_start3A_258, %dma_start3A_259] : memref<16x128xi32, #tpu.memory_space<vmem>> -> memref<1x128xi32, #tpu.memory_space<vmem>>
      %dma_start3A_261 = tpu.memref_squeeze %dma_start3A_260 : memref<1x128xi32, #tpu.memory_space<vmem>> -> memref<128xi32, #tpu.memory_space<vmem>>
      %dma_start3A_262 = arith.constant 0 : i32
      %dma_start3A_263 = arith.constant 0 : i32
      %dma_start3A_264 = tpu.memref_slice %arg2[%arg0, %dma_start3A_262, %dma_start3A_263] : memref<2x10240x128xf32, #tpu.memory_space<hbm>> -> memref<1x10240x128xf32, #tpu.memory_space<hbm>>
      %dma_start3A_265 = tpu.memref_squeeze %dma_start3A_264 : memref<1x10240x128xf32, #tpu.memory_space<hbm>> -> memref<10240x128xf32, #tpu.memory_space<hbm>>
      %dma_start3A_266 = arith.constant 0 : i32
      %dma_start3A_267 = arith.constant 0 : i32
      %dma_start3A_268 = tpu.memref_slice %dma_start3A_265[%dma_start3A_266, %dma_start3A_267] : memref<10240x128xf32, #tpu.memory_space<hbm>> -> memref<10240x128xf32, #tpu.memory_space<hbm>>
      tpu.enqueue_indirect_dma source(%dma_start3A_268 : memref<10240x128xf32, #tpu.memory_space<hbm>>) target(%arg8 : memref<128x128xf32, #tpu.memory_space<vmem>>) offsets(%dma_start3A_261 : memref<128xi32, #tpu.memory_space<vmem>>) semaphore(%arg11 : memref<!tpu.dma_semaphore, #tpu.memory_space<semaphore_mem>>)
      %dma_wait3A_269 = arith.constant 10 : i32
      %dma_wait3A_270 = arith.constant 0 : i32
      %dma_wait3A_271 = tpu.memref_slice %arg5[%dma_wait3A_269, %dma_wait3A_270] : memref<16x128xi32, #tpu.memory_space<vmem>> -> memref<1x128xi32, #tpu.memory_space<vmem>>
      %dma_wait3A_272 = tpu.memref_squeeze %dma_wait3A_271 : memref<1x128xi32, #tpu.memory_space<vmem>> -> memref<128xi32, #tpu.memory_space<vmem>>
      %dma_wait3A_273 = arith.constant 0 : i32
      %dma_wait3A_274 = arith.constant 0 : i32
      %dma_wait3A_275 = tpu.memref_slice %arg2[%arg0, %dma_wait3A_273, %dma_wait3A_274] : memref<2x10240x128xf32, #tpu.memory_space<hbm>> -> memref<1x10240x128xf32, #tpu.memory_space<hbm>>
      %dma_wait3A_276 = tpu.memref_squeeze %dma_wait3A_275 : memref<1x10240x128xf32, #tpu.memory_space<hbm>> -> memref<10240x128xf32, #tpu.memory_space<hbm>>
      %dma_wait3A_277 = arith.constant 0 : i32
      %dma_wait3A_278 = arith.constant 0 : i32
      %dma_wait3A_279 = tpu.memref_slice %dma_wait3A_276[%dma_wait3A_277, %dma_wait3A_278] : memref<10240x128xf32, #tpu.memory_space<hbm>> -> memref<10240x128xf32, #tpu.memory_space<hbm>>
      tpu.wait_indirect_dma semaphore(%arg10 : memref<!tpu.dma_semaphore, #tpu.memory_space<semaphore_mem>>) src(%dma_wait3A_279 : memref<10240x128xf32, #tpu.memory_space<hbm>>) dst(%arg7 : memref<128x128xf32, #tpu.memory_space<vmem>>)
      %run_scoped3A_280 = arith.constant 10 : i32
      "tpu.region"() ({
        %run_scoped3A_385 = tpu.sem_alloc : memref<!tpu.dma_semaphore, #tpu.memory_space<semaphore_mem>>
        %dma_start3A_386 = arith.constant 0 : i32
        %dma_start3A_387 = tpu.memref_slice %arg6[%run_scoped3A_280, %dma_start3A_386] : memref<16x128xi32, #tpu.memory_space<vmem>> -> memref<1x128xi32, #tpu.memory_space<vmem>>
        %dma_start3A_388 = tpu.memref_squeeze %dma_start3A_387 : memref<1x128xi32, #tpu.memory_space<vmem>> -> memref<128xi32, #tpu.memory_space<vmem>>
        %dma_start3A_389 = arith.constant 0 : i32
        %dma_start3A_390 = arith.constant 0 : i32
        %dma_start3A_391 = tpu.memref_slice %arg9[%dma_start3A_389, %dma_start3A_390] : memref<10240x128xf32, #tpu.memory_space<vmem_shared>> -> memref<10240x128xf32, #tpu.memory_space<vmem_shared>>
        tpu.enqueue_indirect_dma source(%arg7 : memref<128x128xf32, #tpu.memory_space<vmem>>) target(%dma_start3A_391 : memref<10240x128xf32, #tpu.memory_space<vmem_shared>>) offsets(%dma_start3A_388 : memref<128xi32, #tpu.memory_space<vmem>>) semaphore(%run_scoped3A_385 : memref<!tpu.dma_semaphore, #tpu.memory_space<semaphore_mem>>) {add = true}
        %dma_wait3A_392 = arith.constant 0 : i32
        %dma_wait3A_393 = tpu.memref_slice %arg6[%run_scoped3A_280, %dma_wait3A_392] : memref<16x128xi32, #tpu.memory_space<vmem>> -> memref<1x128xi32, #tpu.memory_space<vmem>>
        %dma_wait3A_394 = tpu.memref_squeeze %dma_wait3A_393 : memref<1x128xi32, #tpu.memory_space<vmem>> -> memref<128xi32, #tpu.memory_space<vmem>>
        %dma_wait3A_395 = arith.constant 0 : i32
        %dma_wait3A_396 = arith.constant 0 : i32
        %dma_wait3A_397 = tpu.memref_slice %arg9[%dma_wait3A_395, %dma_wait3A_396] : memref<10240x128xf32, #tpu.memory_space<vmem_shared>> -> memref<10240x128xf32, #tpu.memory_space<vmem_shared>>
        tpu.wait_indirect_dma semaphore(%run_scoped3A_385 : memref<!tpu.dma_semaphore, #tpu.memory_space<semaphore_mem>>) src(%arg7 : memref<128x128xf32, #tpu.memory_space<vmem>>) dst(%dma_wait3A_397 : memref<10240x128xf32, #tpu.memory_space<vmem_shared>>)
        tpu.yield
      }) : () -> ()
      %dma_start3A_281 = arith.constant 12 : i32
      %dma_start3A_282 = arith.constant 0 : i32
      %dma_start3A_283 = tpu.memref_slice %arg5[%dma_start3A_281, %dma_start3A_282] : memref<16x128xi32, #tpu.memory_space<vmem>> -> memref<1x128xi32, #tpu.memory_space<vmem>>
      %dma_start3A_284 = tpu.memref_squeeze %dma_start3A_283 : memref<1x128xi32, #tpu.memory_space<vmem>> -> memref<128xi32, #tpu.memory_space<vmem>>
      %dma_start3A_285 = arith.constant 0 : i32
      %dma_start3A_286 = arith.constant 0 : i32
      %dma_start3A_287 = tpu.memref_slice %arg2[%arg0, %dma_start3A_285, %dma_start3A_286] : memref<2x10240x128xf32, #tpu.memory_space<hbm>> -> memref<1x10240x128xf32, #tpu.memory_space<hbm>>
      %dma_start3A_288 = tpu.memref_squeeze %dma_start3A_287 : memref<1x10240x128xf32, #tpu.memory_space<hbm>> -> memref<10240x128xf32, #tpu.memory_space<hbm>>
      %dma_start3A_289 = arith.constant 0 : i32
      %dma_start3A_290 = arith.constant 0 : i32
      %dma_start3A_291 = tpu.memref_slice %dma_start3A_288[%dma_start3A_289, %dma_start3A_290] : memref<10240x128xf32, #tpu.memory_space<hbm>> -> memref<10240x128xf32, #tpu.memory_space<hbm>>
      tpu.enqueue_indirect_dma source(%dma_start3A_291 : memref<10240x128xf32, #tpu.memory_space<hbm>>) target(%arg7 : memref<128x128xf32, #tpu.memory_space<vmem>>) offsets(%dma_start3A_284 : memref<128xi32, #tpu.memory_space<vmem>>) semaphore(%arg10 : memref<!tpu.dma_semaphore, #tpu.memory_space<semaphore_mem>>)
      %dma_wait3A_292 = arith.constant 11 : i32
      %dma_wait3A_293 = arith.constant 0 : i32
      %dma_wait3A_294 = tpu.memref_slice %arg5[%dma_wait3A_292, %dma_wait3A_293] : memref<16x128xi32, #tpu.memory_space<vmem>> -> memref<1x128xi32, #tpu.memory_space<vmem>>
      %dma_wait3A_295 = tpu.memref_squeeze %dma_wait3A_294 : memref<1x128xi32, #tpu.memory_space<vmem>> -> memref<128xi32, #tpu.memory_space<vmem>>
      %dma_wait3A_296 = arith.constant 0 : i32
      %dma_wait3A_297 = arith.constant 0 : i32
      %dma_wait3A_298 = tpu.memref_slice %arg2[%arg0, %dma_wait3A_296, %dma_wait3A_297] : memref<2x10240x128xf32, #tpu.memory_space<hbm>> -> memref<1x10240x128xf32, #tpu.memory_space<hbm>>
      %dma_wait3A_299 = tpu.memref_squeeze %dma_wait3A_298 : memref<1x10240x128xf32, #tpu.memory_space<hbm>> -> memref<10240x128xf32, #tpu.memory_space<hbm>>
      %dma_wait3A_300 = arith.constant 0 : i32
      %dma_wait3A_301 = arith.constant 0 : i32
      %dma_wait3A_302 = tpu.memref_slice %dma_wait3A_299[%dma_wait3A_300, %dma_wait3A_301] : memref<10240x128xf32, #tpu.memory_space<hbm>> -> memref<10240x128xf32, #tpu.memory_space<hbm>>
      tpu.wait_indirect_dma semaphore(%arg11 : memref<!tpu.dma_semaphore, #tpu.memory_space<semaphore_mem>>) src(%dma_wait3A_302 : memref<10240x128xf32, #tpu.memory_space<hbm>>) dst(%arg8 : memref<128x128xf32, #tpu.memory_space<vmem>>)
      %run_scoped3A_303 = arith.constant 11 : i32
      "tpu.region"() ({
        %run_scoped3A_385 = tpu.sem_alloc : memref<!tpu.dma_semaphore, #tpu.memory_space<semaphore_mem>>
        %dma_start3A_386 = arith.constant 0 : i32
        %dma_start3A_387 = tpu.memref_slice %arg6[%run_scoped3A_303, %dma_start3A_386] : memref<16x128xi32, #tpu.memory_space<vmem>> -> memref<1x128xi32, #tpu.memory_space<vmem>>
        %dma_start3A_388 = tpu.memref_squeeze %dma_start3A_387 : memref<1x128xi32, #tpu.memory_space<vmem>> -> memref<128xi32, #tpu.memory_space<vmem>>
        %dma_start3A_389 = arith.constant 0 : i32
        %dma_start3A_390 = arith.constant 0 : i32
        %dma_start3A_391 = tpu.memref_slice %arg9[%dma_start3A_389, %dma_start3A_390] : memref<10240x128xf32, #tpu.memory_space<vmem_shared>> -> memref<10240x128xf32, #tpu.memory_space<vmem_shared>>
        tpu.enqueue_indirect_dma source(%arg8 : memref<128x128xf32, #tpu.memory_space<vmem>>) target(%dma_start3A_391 : memref<10240x128xf32, #tpu.memory_space<vmem_shared>>) offsets(%dma_start3A_388 : memref<128xi32, #tpu.memory_space<vmem>>) semaphore(%run_scoped3A_385 : memref<!tpu.dma_semaphore, #tpu.memory_space<semaphore_mem>>) {add = true}
        %dma_wait3A_392 = arith.constant 0 : i32
        %dma_wait3A_393 = tpu.memref_slice %arg6[%run_scoped3A_303, %dma_wait3A_392] : memref<16x128xi32, #tpu.memory_space<vmem>> -> memref<1x128xi32, #tpu.memory_space<vmem>>
        %dma_wait3A_394 = tpu.memref_squeeze %dma_wait3A_393 : memref<1x128xi32, #tpu.memory_space<vmem>> -> memref<128xi32, #tpu.memory_space<vmem>>
        %dma_wait3A_395 = arith.constant 0 : i32
        %dma_wait3A_396 = arith.constant 0 : i32
        %dma_wait3A_397 = tpu.memref_slice %arg9[%dma_wait3A_395, %dma_wait3A_396] : memref<10240x128xf32, #tpu.memory_space<vmem_shared>> -> memref<10240x128xf32, #tpu.memory_space<vmem_shared>>
        tpu.wait_indirect_dma semaphore(%run_scoped3A_385 : memref<!tpu.dma_semaphore, #tpu.memory_space<semaphore_mem>>) src(%arg8 : memref<128x128xf32, #tpu.memory_space<vmem>>) dst(%dma_wait3A_397 : memref<10240x128xf32, #tpu.memory_space<vmem_shared>>)
        tpu.yield
      }) : () -> ()
      %dma_start3A_304 = arith.constant 13 : i32
      %dma_start3A_305 = arith.constant 0 : i32
      %dma_start3A_306 = tpu.memref_slice %arg5[%dma_start3A_304, %dma_start3A_305] : memref<16x128xi32, #tpu.memory_space<vmem>> -> memref<1x128xi32, #tpu.memory_space<vmem>>
      %dma_start3A_307 = tpu.memref_squeeze %dma_start3A_306 : memref<1x128xi32, #tpu.memory_space<vmem>> -> memref<128xi32, #tpu.memory_space<vmem>>
      %dma_start3A_308 = arith.constant 0 : i32
      %dma_start3A_309 = arith.constant 0 : i32
      %dma_start3A_310 = tpu.memref_slice %arg2[%arg0, %dma_start3A_308, %dma_start3A_309] : memref<2x10240x128xf32, #tpu.memory_space<hbm>> -> memref<1x10240x128xf32, #tpu.memory_space<hbm>>
      %dma_start3A_311 = tpu.memref_squeeze %dma_start3A_310 : memref<1x10240x128xf32, #tpu.memory_space<hbm>> -> memref<10240x128xf32, #tpu.memory_space<hbm>>
      %dma_start3A_312 = arith.constant 0 : i32
      %dma_start3A_313 = arith.constant 0 : i32
      %dma_start3A_314 = tpu.memref_slice %dma_start3A_311[%dma_start3A_312, %dma_start3A_313] : memref<10240x128xf32, #tpu.memory_space<hbm>> -> memref<10240x128xf32, #tpu.memory_space<hbm>>
      tpu.enqueue_indirect_dma source(%dma_start3A_314 : memref<10240x128xf32, #tpu.memory_space<hbm>>) target(%arg8 : memref<128x128xf32, #tpu.memory_space<vmem>>) offsets(%dma_start3A_307 : memref<128xi32, #tpu.memory_space<vmem>>) semaphore(%arg11 : memref<!tpu.dma_semaphore, #tpu.memory_space<semaphore_mem>>)
      %dma_wait3A_315 = arith.constant 12 : i32
      %dma_wait3A_316 = arith.constant 0 : i32
      %dma_wait3A_317 = tpu.memref_slice %arg5[%dma_wait3A_315, %dma_wait3A_316] : memref<16x128xi32, #tpu.memory_space<vmem>> -> memref<1x128xi32, #tpu.memory_space<vmem>>
      %dma_wait3A_318 = tpu.memref_squeeze %dma_wait3A_317 : memref<1x128xi32, #tpu.memory_space<vmem>> -> memref<128xi32, #tpu.memory_space<vmem>>
      %dma_wait3A_319 = arith.constant 0 : i32
      %dma_wait3A_320 = arith.constant 0 : i32
      %dma_wait3A_321 = tpu.memref_slice %arg2[%arg0, %dma_wait3A_319, %dma_wait3A_320] : memref<2x10240x128xf32, #tpu.memory_space<hbm>> -> memref<1x10240x128xf32, #tpu.memory_space<hbm>>
      %dma_wait3A_322 = tpu.memref_squeeze %dma_wait3A_321 : memref<1x10240x128xf32, #tpu.memory_space<hbm>> -> memref<10240x128xf32, #tpu.memory_space<hbm>>
      %dma_wait3A_323 = arith.constant 0 : i32
      %dma_wait3A_324 = arith.constant 0 : i32
      %dma_wait3A_325 = tpu.memref_slice %dma_wait3A_322[%dma_wait3A_323, %dma_wait3A_324] : memref<10240x128xf32, #tpu.memory_space<hbm>> -> memref<10240x128xf32, #tpu.memory_space<hbm>>
      tpu.wait_indirect_dma semaphore(%arg10 : memref<!tpu.dma_semaphore, #tpu.memory_space<semaphore_mem>>) src(%dma_wait3A_325 : memref<10240x128xf32, #tpu.memory_space<hbm>>) dst(%arg7 : memref<128x128xf32, #tpu.memory_space<vmem>>)
      %run_scoped3A_326 = arith.constant 12 : i32
      "tpu.region"() ({
        %run_scoped3A_385 = tpu.sem_alloc : memref<!tpu.dma_semaphore, #tpu.memory_space<semaphore_mem>>
        %dma_start3A_386 = arith.constant 0 : i32
        %dma_start3A_387 = tpu.memref_slice %arg6[%run_scoped3A_326, %dma_start3A_386] : memref<16x128xi32, #tpu.memory_space<vmem>> -> memref<1x128xi32, #tpu.memory_space<vmem>>
        %dma_start3A_388 = tpu.memref_squeeze %dma_start3A_387 : memref<1x128xi32, #tpu.memory_space<vmem>> -> memref<128xi32, #tpu.memory_space<vmem>>
        %dma_start3A_389 = arith.constant 0 : i32
        %dma_start3A_390 = arith.constant 0 : i32
        %dma_start3A_391 = tpu.memref_slice %arg9[%dma_start3A_389, %dma_start3A_390] : memref<10240x128xf32, #tpu.memory_space<vmem_shared>> -> memref<10240x128xf32, #tpu.memory_space<vmem_shared>>
        tpu.enqueue_indirect_dma source(%arg7 : memref<128x128xf32, #tpu.memory_space<vmem>>) target(%dma_start3A_391 : memref<10240x128xf32, #tpu.memory_space<vmem_shared>>) offsets(%dma_start3A_388 : memref<128xi32, #tpu.memory_space<vmem>>) semaphore(%run_scoped3A_385 : memref<!tpu.dma_semaphore, #tpu.memory_space<semaphore_mem>>) {add = true}
        %dma_wait3A_392 = arith.constant 0 : i32
        %dma_wait3A_393 = tpu.memref_slice %arg6[%run_scoped3A_326, %dma_wait3A_392] : memref<16x128xi32, #tpu.memory_space<vmem>> -> memref<1x128xi32, #tpu.memory_space<vmem>>
        %dma_wait3A_394 = tpu.memref_squeeze %dma_wait3A_393 : memref<1x128xi32, #tpu.memory_space<vmem>> -> memref<128xi32, #tpu.memory_space<vmem>>
        %dma_wait3A_395 = arith.constant 0 : i32
        %dma_wait3A_396 = arith.constant 0 : i32
        %dma_wait3A_397 = tpu.memref_slice %arg9[%dma_wait3A_395, %dma_wait3A_396] : memref<10240x128xf32, #tpu.memory_space<vmem_shared>> -> memref<10240x128xf32, #tpu.memory_space<vmem_shared>>
        tpu.wait_indirect_dma semaphore(%run_scoped3A_385 : memref<!tpu.dma_semaphore, #tpu.memory_space<semaphore_mem>>) src(%arg7 : memref<128x128xf32, #tpu.memory_space<vmem>>) dst(%dma_wait3A_397 : memref<10240x128xf32, #tpu.memory_space<vmem_shared>>)
        tpu.yield
      }) : () -> ()
      %dma_start3A_327 = arith.constant 14 : i32
      %dma_start3A_328 = arith.constant 0 : i32
      %dma_start3A_329 = tpu.memref_slice %arg5[%dma_start3A_327, %dma_start3A_328] : memref<16x128xi32, #tpu.memory_space<vmem>> -> memref<1x128xi32, #tpu.memory_space<vmem>>
      %dma_start3A_330 = tpu.memref_squeeze %dma_start3A_329 : memref<1x128xi32, #tpu.memory_space<vmem>> -> memref<128xi32, #tpu.memory_space<vmem>>
      %dma_start3A_331 = arith.constant 0 : i32
      %dma_start3A_332 = arith.constant 0 : i32
      %dma_start3A_333 = tpu.memref_slice %arg2[%arg0, %dma_start3A_331, %dma_start3A_332] : memref<2x10240x128xf32, #tpu.memory_space<hbm>> -> memref<1x10240x128xf32, #tpu.memory_space<hbm>>
      %dma_start3A_334 = tpu.memref_squeeze %dma_start3A_333 : memref<1x10240x128xf32, #tpu.memory_space<hbm>> -> memref<10240x128xf32, #tpu.memory_space<hbm>>
      %dma_start3A_335 = arith.constant 0 : i32
      %dma_start3A_336 = arith.constant 0 : i32
      %dma_start3A_337 = tpu.memref_slice %dma_start3A_334[%dma_start3A_335, %dma_start3A_336] : memref<10240x128xf32, #tpu.memory_space<hbm>> -> memref<10240x128xf32, #tpu.memory_space<hbm>>
      tpu.enqueue_indirect_dma source(%dma_start3A_337 : memref<10240x128xf32, #tpu.memory_space<hbm>>) target(%arg7 : memref<128x128xf32, #tpu.memory_space<vmem>>) offsets(%dma_start3A_330 : memref<128xi32, #tpu.memory_space<vmem>>) semaphore(%arg10 : memref<!tpu.dma_semaphore, #tpu.memory_space<semaphore_mem>>)
      %dma_wait3A_338 = arith.constant 13 : i32
      %dma_wait3A_339 = arith.constant 0 : i32
      %dma_wait3A_340 = tpu.memref_slice %arg5[%dma_wait3A_338, %dma_wait3A_339] : memref<16x128xi32, #tpu.memory_space<vmem>> -> memref<1x128xi32, #tpu.memory_space<vmem>>
      %dma_wait3A_341 = tpu.memref_squeeze %dma_wait3A_340 : memref<1x128xi32, #tpu.memory_space<vmem>> -> memref<128xi32, #tpu.memory_space<vmem>>
      %dma_wait3A_342 = arith.constant 0 : i32
      %dma_wait3A_343 = arith.constant 0 : i32
      %dma_wait3A_344 = tpu.memref_slice %arg2[%arg0, %dma_wait3A_342, %dma_wait3A_343] : memref<2x10240x128xf32, #tpu.memory_space<hbm>> -> memref<1x10240x128xf32, #tpu.memory_space<hbm>>
      %dma_wait3A_345 = tpu.memref_squeeze %dma_wait3A_344 : memref<1x10240x128xf32, #tpu.memory_space<hbm>> -> memref<10240x128xf32, #tpu.memory_space<hbm>>
      %dma_wait3A_346 = arith.constant 0 : i32
      %dma_wait3A_347 = arith.constant 0 : i32
      %dma_wait3A_348 = tpu.memref_slice %dma_wait3A_345[%dma_wait3A_346, %dma_wait3A_347] : memref<10240x128xf32, #tpu.memory_space<hbm>> -> memref<10240x128xf32, #tpu.memory_space<hbm>>
      tpu.wait_indirect_dma semaphore(%arg11 : memref<!tpu.dma_semaphore, #tpu.memory_space<semaphore_mem>>) src(%dma_wait3A_348 : memref<10240x128xf32, #tpu.memory_space<hbm>>) dst(%arg8 : memref<128x128xf32, #tpu.memory_space<vmem>>)
      %run_scoped3A_349 = arith.constant 13 : i32
      "tpu.region"() ({
        %run_scoped3A_385 = tpu.sem_alloc : memref<!tpu.dma_semaphore, #tpu.memory_space<semaphore_mem>>
        %dma_start3A_386 = arith.constant 0 : i32
        %dma_start3A_387 = tpu.memref_slice %arg6[%run_scoped3A_349, %dma_start3A_386] : memref<16x128xi32, #tpu.memory_space<vmem>> -> memref<1x128xi32, #tpu.memory_space<vmem>>
        %dma_start3A_388 = tpu.memref_squeeze %dma_start3A_387 : memref<1x128xi32, #tpu.memory_space<vmem>> -> memref<128xi32, #tpu.memory_space<vmem>>
        %dma_start3A_389 = arith.constant 0 : i32
        %dma_start3A_390 = arith.constant 0 : i32
        %dma_start3A_391 = tpu.memref_slice %arg9[%dma_start3A_389, %dma_start3A_390] : memref<10240x128xf32, #tpu.memory_space<vmem_shared>> -> memref<10240x128xf32, #tpu.memory_space<vmem_shared>>
        tpu.enqueue_indirect_dma source(%arg8 : memref<128x128xf32, #tpu.memory_space<vmem>>) target(%dma_start3A_391 : memref<10240x128xf32, #tpu.memory_space<vmem_shared>>) offsets(%dma_start3A_388 : memref<128xi32, #tpu.memory_space<vmem>>) semaphore(%run_scoped3A_385 : memref<!tpu.dma_semaphore, #tpu.memory_space<semaphore_mem>>) {add = true}
        %dma_wait3A_392 = arith.constant 0 : i32
        %dma_wait3A_393 = tpu.memref_slice %arg6[%run_scoped3A_349, %dma_wait3A_392] : memref<16x128xi32, #tpu.memory_space<vmem>> -> memref<1x128xi32, #tpu.memory_space<vmem>>
        %dma_wait3A_394 = tpu.memref_squeeze %dma_wait3A_393 : memref<1x128xi32, #tpu.memory_space<vmem>> -> memref<128xi32, #tpu.memory_space<vmem>>
        %dma_wait3A_395 = arith.constant 0 : i32
        %dma_wait3A_396 = arith.constant 0 : i32
        %dma_wait3A_397 = tpu.memref_slice %arg9[%dma_wait3A_395, %dma_wait3A_396] : memref<10240x128xf32, #tpu.memory_space<vmem_shared>> -> memref<10240x128xf32, #tpu.memory_space<vmem_shared>>
        tpu.wait_indirect_dma semaphore(%run_scoped3A_385 : memref<!tpu.dma_semaphore, #tpu.memory_space<semaphore_mem>>) src(%arg8 : memref<128x128xf32, #tpu.memory_space<vmem>>) dst(%dma_wait3A_397 : memref<10240x128xf32, #tpu.memory_space<vmem_shared>>)
        tpu.yield
      }) : () -> ()
      %dma_start3A_350 = arith.constant 15 : i32
      %dma_start3A_351 = arith.constant 0 : i32
      %dma_start3A_352 = tpu.memref_slice %arg5[%dma_start3A_350, %dma_start3A_351] : memref<16x128xi32, #tpu.memory_space<vmem>> -> memref<1x128xi32, #tpu.memory_space<vmem>>
      %dma_start3A_353 = tpu.memref_squeeze %dma_start3A_352 : memref<1x128xi32, #tpu.memory_space<vmem>> -> memref<128xi32, #tpu.memory_space<vmem>>
      %dma_start3A_354 = arith.constant 0 : i32
      %dma_start3A_355 = arith.constant 0 : i32
      %dma_start3A_356 = tpu.memref_slice %arg2[%arg0, %dma_start3A_354, %dma_start3A_355] : memref<2x10240x128xf32, #tpu.memory_space<hbm>> -> memref<1x10240x128xf32, #tpu.memory_space<hbm>>
      %dma_start3A_357 = tpu.memref_squeeze %dma_start3A_356 : memref<1x10240x128xf32, #tpu.memory_space<hbm>> -> memref<10240x128xf32, #tpu.memory_space<hbm>>
      %dma_start3A_358 = arith.constant 0 : i32
      %dma_start3A_359 = arith.constant 0 : i32
      %dma_start3A_360 = tpu.memref_slice %dma_start3A_357[%dma_start3A_358, %dma_start3A_359] : memref<10240x128xf32, #tpu.memory_space<hbm>> -> memref<10240x128xf32, #tpu.memory_space<hbm>>
      tpu.enqueue_indirect_dma source(%dma_start3A_360 : memref<10240x128xf32, #tpu.memory_space<hbm>>) target(%arg8 : memref<128x128xf32, #tpu.memory_space<vmem>>) offsets(%dma_start3A_353 : memref<128xi32, #tpu.memory_space<vmem>>) semaphore(%arg11 : memref<!tpu.dma_semaphore, #tpu.memory_space<semaphore_mem>>)
      %dma_wait3A_361 = arith.constant 14 : i32
      %dma_wait3A_362 = arith.constant 0 : i32
      %dma_wait3A_363 = tpu.memref_slice %arg5[%dma_wait3A_361, %dma_wait3A_362] : memref<16x128xi32, #tpu.memory_space<vmem>> -> memref<1x128xi32, #tpu.memory_space<vmem>>
      %dma_wait3A_364 = tpu.memref_squeeze %dma_wait3A_363 : memref<1x128xi32, #tpu.memory_space<vmem>> -> memref<128xi32, #tpu.memory_space<vmem>>
      %dma_wait3A_365 = arith.constant 0 : i32
      %dma_wait3A_366 = arith.constant 0 : i32
      %dma_wait3A_367 = tpu.memref_slice %arg2[%arg0, %dma_wait3A_365, %dma_wait3A_366] : memref<2x10240x128xf32, #tpu.memory_space<hbm>> -> memref<1x10240x128xf32, #tpu.memory_space<hbm>>
      %dma_wait3A_368 = tpu.memref_squeeze %dma_wait3A_367 : memref<1x10240x128xf32, #tpu.memory_space<hbm>> -> memref<10240x128xf32, #tpu.memory_space<hbm>>
      %dma_wait3A_369 = arith.constant 0 : i32
      %dma_wait3A_370 = arith.constant 0 : i32
      %dma_wait3A_371 = tpu.memref_slice %dma_wait3A_368[%dma_wait3A_369, %dma_wait3A_370] : memref<10240x128xf32, #tpu.memory_space<hbm>> -> memref<10240x128xf32, #tpu.memory_space<hbm>>
      tpu.wait_indirect_dma semaphore(%arg10 : memref<!tpu.dma_semaphore, #tpu.memory_space<semaphore_mem>>) src(%dma_wait3A_371 : memref<10240x128xf32, #tpu.memory_space<hbm>>) dst(%arg7 : memref<128x128xf32, #tpu.memory_space<vmem>>)
      %run_scoped3A_372 = arith.constant 14 : i32
      "tpu.region"() ({
        %run_scoped3A_385 = tpu.sem_alloc : memref<!tpu.dma_semaphore, #tpu.memory_space<semaphore_mem>>
        %dma_start3A_386 = arith.constant 0 : i32
        %dma_start3A_387 = tpu.memref_slice %arg6[%run_scoped3A_372, %dma_start3A_386] : memref<16x128xi32, #tpu.memory_space<vmem>> -> memref<1x128xi32, #tpu.memory_space<vmem>>
        %dma_start3A_388 = tpu.memref_squeeze %dma_start3A_387 : memref<1x128xi32, #tpu.memory_space<vmem>> -> memref<128xi32, #tpu.memory_space<vmem>>
        %dma_start3A_389 = arith.constant 0 : i32
        %dma_start3A_390 = arith.constant 0 : i32
        %dma_start3A_391 = tpu.memref_slice %arg9[%dma_start3A_389, %dma_start3A_390] : memref<10240x128xf32, #tpu.memory_space<vmem_shared>> -> memref<10240x128xf32, #tpu.memory_space<vmem_shared>>
        tpu.enqueue_indirect_dma source(%arg7 : memref<128x128xf32, #tpu.memory_space<vmem>>) target(%dma_start3A_391 : memref<10240x128xf32, #tpu.memory_space<vmem_shared>>) offsets(%dma_start3A_388 : memref<128xi32, #tpu.memory_space<vmem>>) semaphore(%run_scoped3A_385 : memref<!tpu.dma_semaphore, #tpu.memory_space<semaphore_mem>>) {add = true}
        %dma_wait3A_392 = arith.constant 0 : i32
        %dma_wait3A_393 = tpu.memref_slice %arg6[%run_scoped3A_372, %dma_wait3A_392] : memref<16x128xi32, #tpu.memory_space<vmem>> -> memref<1x128xi32, #tpu.memory_space<vmem>>
        %dma_wait3A_394 = tpu.memref_squeeze %dma_wait3A_393 : memref<1x128xi32, #tpu.memory_space<vmem>> -> memref<128xi32, #tpu.memory_space<vmem>>
        %dma_wait3A_395 = arith.constant 0 : i32
        %dma_wait3A_396 = arith.constant 0 : i32
        %dma_wait3A_397 = tpu.memref_slice %arg9[%dma_wait3A_395, %dma_wait3A_396] : memref<10240x128xf32, #tpu.memory_space<vmem_shared>> -> memref<10240x128xf32, #tpu.memory_space<vmem_shared>>
        tpu.wait_indirect_dma semaphore(%run_scoped3A_385 : memref<!tpu.dma_semaphore, #tpu.memory_space<semaphore_mem>>) src(%arg7 : memref<128x128xf32, #tpu.memory_space<vmem>>) dst(%dma_wait3A_397 : memref<10240x128xf32, #tpu.memory_space<vmem_shared>>)
        tpu.yield
      }) : () -> ()
      %dma_wait3A_373 = arith.constant 15 : i32
      %dma_wait3A_374 = arith.constant 0 : i32
      %dma_wait3A_375 = tpu.memref_slice %arg5[%dma_wait3A_373, %dma_wait3A_374] : memref<16x128xi32, #tpu.memory_space<vmem>> -> memref<1x128xi32, #tpu.memory_space<vmem>>
      %dma_wait3A_376 = tpu.memref_squeeze %dma_wait3A_375 : memref<1x128xi32, #tpu.memory_space<vmem>> -> memref<128xi32, #tpu.memory_space<vmem>>
      %dma_wait3A_377 = arith.constant 0 : i32
      %dma_wait3A_378 = arith.constant 0 : i32
      %dma_wait3A_379 = tpu.memref_slice %arg2[%arg0, %dma_wait3A_377, %dma_wait3A_378] : memref<2x10240x128xf32, #tpu.memory_space<hbm>> -> memref<1x10240x128xf32, #tpu.memory_space<hbm>>
      %dma_wait3A_380 = tpu.memref_squeeze %dma_wait3A_379 : memref<1x10240x128xf32, #tpu.memory_space<hbm>> -> memref<10240x128xf32, #tpu.memory_space<hbm>>
      %dma_wait3A_381 = arith.constant 0 : i32
      %dma_wait3A_382 = arith.constant 0 : i32
      %dma_wait3A_383 = tpu.memref_slice %dma_wait3A_380[%dma_wait3A_381, %dma_wait3A_382] : memref<10240x128xf32, #tpu.memory_space<hbm>> -> memref<10240x128xf32, #tpu.memory_space<hbm>>
      tpu.wait_indirect_dma semaphore(%arg11 : memref<!tpu.dma_semaphore, #tpu.memory_space<semaphore_mem>>) src(%dma_wait3A_383 : memref<10240x128xf32, #tpu.memory_space<hbm>>) dst(%arg8 : memref<128x128xf32, #tpu.memory_space<vmem>>)
      %run_scoped3A_384 = arith.constant 15 : i32
      "tpu.region"() ({
        %run_scoped3A_385 = tpu.sem_alloc : memref<!tpu.dma_semaphore, #tpu.memory_space<semaphore_mem>>
        %dma_start3A_386 = arith.constant 0 : i32
        %dma_start3A_387 = tpu.memref_slice %arg6[%run_scoped3A_384, %dma_start3A_386] : memref<16x128xi32, #tpu.memory_space<vmem>> -> memref<1x128xi32, #tpu.memory_space<vmem>>
        %dma_start3A_388 = tpu.memref_squeeze %dma_start3A_387 : memref<1x128xi32, #tpu.memory_space<vmem>> -> memref<128xi32, #tpu.memory_space<vmem>>
        %dma_start3A_389 = arith.constant 0 : i32
        %dma_start3A_390 = arith.constant 0 : i32
        %dma_start3A_391 = tpu.memref_slice %arg9[%dma_start3A_389, %dma_start3A_390] : memref<10240x128xf32, #tpu.memory_space<vmem_shared>> -> memref<10240x128xf32, #tpu.memory_space<vmem_shared>>
        tpu.enqueue_indirect_dma source(%arg8 : memref<128x128xf32, #tpu.memory_space<vmem>>) target(%dma_start3A_391 : memref<10240x128xf32, #tpu.memory_space<vmem_shared>>) offsets(%dma_start3A_388 : memref<128xi32, #tpu.memory_space<vmem>>) semaphore(%run_scoped3A_385 : memref<!tpu.dma_semaphore, #tpu.memory_space<semaphore_mem>>) {add = true}
        %dma_wait3A_392 = arith.constant 0 : i32
        %dma_wait3A_393 = tpu.memref_slice %arg6[%run_scoped3A_384, %dma_wait3A_392] : memref<16x128xi32, #tpu.memory_space<vmem>> -> memref<1x128xi32, #tpu.memory_space<vmem>>
        %dma_wait3A_394 = tpu.memref_squeeze %dma_wait3A_393 : memref<1x128xi32, #tpu.memory_space<vmem>> -> memref<128xi32, #tpu.memory_space<vmem>>
        %dma_wait3A_395 = arith.constant 0 : i32
        %dma_wait3A_396 = arith.constant 0 : i32
        %dma_wait3A_397 = tpu.memref_slice %arg9[%dma_wait3A_395, %dma_wait3A_396] : memref<10240x128xf32, #tpu.memory_space<vmem_shared>> -> memref<10240x128xf32, #tpu.memory_space<vmem_shared>>
        tpu.wait_indirect_dma semaphore(%run_scoped3A_385 : memref<!tpu.dma_semaphore, #tpu.memory_space<semaphore_mem>>) src(%arg8 : memref<128x128xf32, #tpu.memory_space<vmem>>) dst(%dma_wait3A_397 : memref<10240x128xf32, #tpu.memory_space<vmem_shared>>)
        tpu.yield
      }) : () -> ()
    }
    %scan3A_7 = arith.constant 10 : i32
    %barrier3A_8 = arith.constant 0 : index
    tpu.barrier barrier_id(%barrier3A_8)
    %mul3A_9 = arith.constant 640 : i32
    %mul3A_10 = arith.muli %arg1, %mul3A_9 : i32
    %mul3A_11 = arith.constant 640 : i32
    %mul3A_12 = arith.muli %arg1, %mul3A_11 : i32
    "tpu.region"() ({
      %run_scoped3A = tpu.sem_alloc : memref<!tpu.dma_semaphore, #tpu.memory_space<semaphore_mem>>
      %dma_start3A = arith.constant 0 : i32
      %dma_start3A_13 = tpu.memref_slice %arg4[%arg0, %mul3A_12, %dma_start3A] : memref<2x10240x128xf32, #tpu.memory_space<hbm>> -> memref<1x640x128xf32, #tpu.memory_space<hbm>>
      %dma_start3A_14 = tpu.memref_squeeze %dma_start3A_13 : memref<1x640x128xf32, #tpu.memory_space<hbm>> -> memref<640x128xf32, #tpu.memory_space<hbm>>
      %dma_start3A_15 = arith.constant 0 : i32
      %dma_start3A_16 = tpu.memref_slice %arg9[%mul3A_10, %dma_start3A_15] : memref<10240x128xf32, #tpu.memory_space<vmem_shared>> -> memref<640x128xf32, #tpu.memory_space<vmem_shared>>
      tpu.enqueue_dma source(%dma_start3A_16 : memref<640x128xf32, #tpu.memory_space<vmem_shared>>) target(%dma_start3A_14 : memref<640x128xf32, #tpu.memory_space<hbm>>) target_semaphore(%run_scoped3A : memref<!tpu.dma_semaphore, #tpu.memory_space<semaphore_mem>>)
      %dma_wait3A = arith.constant 0 : i32
      %dma_wait3A_17 = tpu.memref_slice %arg4[%arg0, %mul3A_12, %dma_wait3A] : memref<2x10240x128xf32, #tpu.memory_space<hbm>> -> memref<1x640x128xf32, #tpu.memory_space<hbm>>
      %dma_wait3A_18 = tpu.memref_squeeze %dma_wait3A_17 : memref<1x640x128xf32, #tpu.memory_space<hbm>> -> memref<640x128xf32, #tpu.memory_space<hbm>>
      %dma_wait3A_19 = arith.constant 0 : i32
      %dma_wait3A_20 = tpu.memref_slice %arg9[%mul3A_10, %dma_wait3A_19] : memref<10240x128xf32, #tpu.memory_space<vmem_shared>> -> memref<640x128xf32, #tpu.memory_space<vmem_shared>>
      tpu.wait_dma2 semaphore(%run_scoped3A : memref<!tpu.dma_semaphore, #tpu.memory_space<semaphore_mem>>) src(%dma_wait3A_20 : memref<640x128xf32, #tpu.memory_space<vmem_shared>>) dst(%dma_wait3A_18 : memref<640x128xf32, #tpu.memory_space<hbm>>)
      tpu.yield
    }) : () -> ()
    return
  }
}

module attributes {stable_mosaic.version = 14 : i64} {
  func.func @_scale_body(%arg0: i32, %arg1: memref<1000x128xf32, #tpu.memory_space<vmem>>, %arg2: memref<1000x512xf32, #tpu.memory_space<vmem>>, %arg3: memref<512x128xf32, #tpu.memory_space<vmem>>, %arg4: memref<1000x1xf32, #tpu.memory_space<vmem>>, %arg5: memref<2x1000x128xf32, #tpu.memory_space<vmem>>) attributes {dimension_semantics = [#tpu.dimension_semantics<arbitrary>], iteration_bounds = array<i64: 10>, scalar_prefetch = 0 : i64, scratch_operands = 0 : i64, tpu.core_type = #tpu.core_type<tc>, window_params = [{transform_indices = @transform_0, window_bounds = array<i64: 1000, 128>}, {transform_indices = @transform_1, window_bounds = array<i64: 1000, 512>}, {pipeline_mode = #tpu.pipeline_mode<synchronous>, transform_indices = @transform_2, window_bounds = array<i64: 512, 128>}, {transform_indices = @transform_3, window_bounds = array<i64: 1000, 1>}, {transform_indices = @transform_4, window_bounds = array<i64: 2, 1000, 128>}]} {
    %get3A = arith.constant 0 : index
    %get3A_0 = arith.constant 0 : index
    %get3A_1 = vector.load %arg4[%get3A, %get3A_0] : memref<1000x1xf32, #tpu.memory_space<vmem>>, vector<1000x1xf32>
    %add3A = arith.constant 1.000000e+00 : f32
    %add3A_2 = vector.broadcast %add3A : f32 to vector<1000x1xf32>
    %add3A_3 = arith.addf %get3A_1, %add3A_2 : vector<1000x1xf32>
    %rsqrt3A = math.rsqrt %add3A_3 : vector<1000x1xf32>
    %get3A_4 = arith.constant 0 : index
    %get3A_5 = arith.constant 0 : index
    %get3A_6 = vector.load %arg1[%get3A_4, %get3A_5] : memref<1000x128xf32, #tpu.memory_space<vmem>>, vector<1000x128xf32>
    %mul3A = vector.broadcast %rsqrt3A : vector<1000x1xf32> to vector<1000x128xf32>
    %mul3A_7 = arith.mulf %get3A_6, %mul3A : vector<1000x128xf32>
    %swap3A = arith.constant 0 : index
    %swap3A_8 = arith.constant 0 : index
    %swap3A_9 = arith.constant 0 : index
    %swap3A_10 = vector.load %arg5[%swap3A, %swap3A_8, %swap3A_9] : memref<2x1000x128xf32, #tpu.memory_space<vmem>>, vector<1x1000x128xf32>
    %swap3A_11 = vector.shape_cast %swap3A_10 : vector<1x1000x128xf32> to vector<1000x128xf32>
    %swap3A_12 = vector.shape_cast %mul3A_7 : vector<1000x128xf32> to vector<1x1000x128xf32>
    tpu.vector_store %arg5[%swap3A, %swap3A_8, %swap3A_9], %swap3A_12 {strides = array<i32>} : memref<2x1000x128xf32, #tpu.memory_space<vmem>>, vector<1x1000x128xf32>,
    %get3A_13 = arith.constant 0 : index
    %get3A_14 = arith.constant 0 : index
    %get3A_15 = vector.load %arg2[%get3A_13, %get3A_14] : memref<1000x512xf32, #tpu.memory_space<vmem>>, vector<1000x512xf32>
    %get3A_16 = arith.constant 0 : index
    %get3A_17 = arith.constant 0 : index
    %get3A_18 = vector.load %arg3[%get3A_16, %get3A_17] : memref<512x128xf32, #tpu.memory_space<vmem>>, vector<512x128xf32>
    %dot_general3A = arith.constant dense<0.000000e+00> : vector<1000x128xf32>
    %dot_general3A_19 = tpu.matmul %get3A_15, %get3A_18, %dot_general3A {dimension_numbers = #tpu.dot_dimension_numbers<[1], [0], [0], [1], [0, 0, 1, 1], [], []>, precision = #tpu.contract_precision<fp32>, transpose_lhs_hint = false} : vector<1000x512xf32>, vector<512x128xf32>, vector<1000x128xf32> -> vector<1000x128xf32>
    %mul3A_20 = vector.broadcast %rsqrt3A : vector<1000x1xf32> to vector<1000x128xf32>
    %mul3A_21 = arith.mulf %dot_general3A_19, %mul3A_20 : vector<1000x128xf32>
    %swap3A_22 = arith.constant 1 : index
    %swap3A_23 = arith.constant 0 : index
    %swap3A_24 = arith.constant 0 : index
    %swap3A_25 = vector.load %arg5[%swap3A_22, %swap3A_23, %swap3A_24] : memref<2x1000x128xf32, #tpu.memory_space<vmem>>, vector<1x1000x128xf32>
    %swap3A_26 = vector.shape_cast %swap3A_25 : vector<1x1000x128xf32> to vector<1000x128xf32>
    %swap3A_27 = vector.shape_cast %mul3A_21 : vector<1000x128xf32> to vector<1x1000x128xf32>
    tpu.vector_store %arg5[%swap3A_22, %swap3A_23, %swap3A_24], %swap3A_27 {strides = array<i32>} : memref<2x1000x128xf32, #tpu.memory_space<vmem>>, vector<1x1000x128xf32>,
    return
  }
  func.func @transform_0(%arg0: i32) -> (i32, i32) {
    %c0_i32 = arith.constant 0 : i32
    %c0_i32_0 = arith.constant 0 : i32
    return %arg0, %c0_i32 : i32, i32
  }
  func.func @transform_1(%arg0: i32) -> (i32, i32) {
    %c0_i32 = arith.constant 0 : i32
    %c0_i32_0 = arith.constant 0 : i32
    return %arg0, %c0_i32 : i32, i32
  }
  func.func @transform_2(%arg0: i32) -> (i32, i32) {
    %c0_i32 = arith.constant 0 : i32
    %c0_i32_0 = arith.constant 0 : i32
    %c0_i32_1 = arith.constant 0 : i32
    return %c0_i32, %c0_i32_0 : i32, i32
  }
  func.func @transform_3(%arg0: i32) -> (i32, i32) {
    %c0_i32 = arith.constant 0 : i32
    %c0_i32_0 = arith.constant 0 : i32
    return %arg0, %c0_i32 : i32, i32
  }
  func.func @transform_4(%arg0: i32) -> (i32, i32, i32) {
    %c0_i32 = arith.constant 0 : i32
    %c0_i32_0 = arith.constant 0 : i32
    %c0_i32_1 = arith.constant 0 : i32
    return %c0_i32, %arg0, %c0_i32_0 : i32, i32, i32
  }
}

module attributes {stable_mosaic.version = 14 : i64} {
  func.func @_final_body(%arg0: i32, %arg1: memref<2x400x128xf32, #tpu.memory_space<vmem>>, %arg2: memref<400x1xf32, #tpu.memory_space<vmem>>, %arg3: memref<128x128xf32, #tpu.memory_space<vmem>>, %arg4: memref<128x128xf32, #tpu.memory_space<vmem>>, %arg5: memref<1x128xf32, #tpu.memory_space<vmem>>, %arg6: memref<1x128xf32, #tpu.memory_space<vmem>>, %arg7: memref<1x128xf32, #tpu.memory_space<vmem>>, %arg8: memref<1x128xf32, #tpu.memory_space<vmem>>, %arg9: memref<1x128xf32, #tpu.memory_space<vmem>>, %arg10: memref<1x128xf32, #tpu.memory_space<vmem>>, %arg11: memref<400x128xf32, #tpu.memory_space<vmem>>) attributes {dimension_semantics = [#tpu.dimension_semantics<arbitrary>], iteration_bounds = array<i64: 25>, scalar_prefetch = 0 : i64, scratch_operands = 0 : i64, tpu.core_type = #tpu.core_type<tc>, window_params = [{transform_indices = @transform_0, window_bounds = array<i64: 2, 400, 128>}, {transform_indices = @transform_1, window_bounds = array<i64: 400, 1>}, {pipeline_mode = #tpu.pipeline_mode<synchronous>, transform_indices = @transform_2, window_bounds = array<i64: 128, 128>}, {pipeline_mode = #tpu.pipeline_mode<synchronous>, transform_indices = @transform_3, window_bounds = array<i64: 128, 128>}, {pipeline_mode = #tpu.pipeline_mode<synchronous>, transform_indices = @transform_4, window_bounds = array<i64: 1, 128>}, {pipeline_mode = #tpu.pipeline_mode<synchronous>, transform_indices = @transform_5, window_bounds = array<i64: 1, 128>}, {pipeline_mode = #tpu.pipeline_mode<synchronous>, transform_indices = @transform_6, window_bounds = array<i64: 1, 128>}, {pipeline_mode = #tpu.pipeline_mode<synchronous>, transform_indices = @transform_7, window_bounds = array<i64: 1, 128>}, {pipeline_mode = #tpu.pipeline_mode<synchronous>, transform_indices = @transform_8, window_bounds = array<i64: 1, 128>}, {pipeline_mode = #tpu.pipeline_mode<synchronous>, transform_indices = @transform_9, window_bounds = array<i64: 1, 128>}, {transform_indices = @transform_10, window_bounds = array<i64: 400, 128>}]} {
    %get3A = arith.constant 0 : index
    %get3A_0 = arith.constant 0 : index
    %get3A_1 = vector.load %arg2[%get3A, %get3A_0] : memref<400x1xf32, #tpu.memory_space<vmem>>, vector<400x1xf32>
    %add3A = arith.constant 1.000000e+00 : f32
    %add3A_2 = vector.broadcast %add3A : f32 to vector<400x1xf32>
    %add3A_3 = arith.addf %get3A_1, %add3A_2 : vector<400x1xf32>
    %rsqrt3A = math.rsqrt %add3A_3 : vector<400x1xf32>
    %get3A_4 = arith.constant 0 : index
    %get3A_5 = arith.constant 0 : index
    %get3A_6 = arith.constant 0 : index
    %get3A_7 = vector.load %arg1[%get3A_4, %get3A_5, %get3A_6] : memref<2x400x128xf32, #tpu.memory_space<vmem>>, vector<1x400x128xf32>
    %get3A_8 = vector.shape_cast %get3A_7 : vector<1x400x128xf32> to vector<400x128xf32>
    %mul3A = vector.broadcast %rsqrt3A : vector<400x1xf32> to vector<400x128xf32>
    %mul3A_9 = arith.mulf %get3A_8, %mul3A : vector<400x128xf32>
    %get3A_10 = arith.constant 1 : index
    %get3A_11 = arith.constant 0 : index
    %get3A_12 = arith.constant 0 : index
    %get3A_13 = vector.load %arg1[%get3A_10, %get3A_11, %get3A_12] : memref<2x400x128xf32, #tpu.memory_space<vmem>>, vector<1x400x128xf32>
    %get3A_14 = vector.shape_cast %get3A_13 : vector<1x400x128xf32> to vector<400x128xf32>
    %mul3A_15 = vector.broadcast %rsqrt3A : vector<400x1xf32> to vector<400x128xf32>
    %mul3A_16 = arith.mulf %get3A_14, %mul3A_15 : vector<400x128xf32>
    %get3A_17 = arith.constant 0 : index
    %get3A_18 = arith.constant 0 : index
    %get3A_19 = vector.load %arg3[%get3A_17, %get3A_18] : memref<128x128xf32, #tpu.memory_space<vmem>>, vector<128x128xf32>
    %get3A_20 = arith.constant 0 : index
    %get3A_21 = arith.constant 0 : index
    %get3A_22 = vector.load %arg5[%get3A_20, %get3A_21] : memref<1x128xf32, #tpu.memory_space<vmem>>, vector<1x128xf32>
    %mul3A_23 = vector.broadcast %get3A_22 : vector<1x128xf32> to vector<128x128xf32>
    %mul3A_24 = arith.mulf %get3A_19, %mul3A_23 : vector<128x128xf32>
    %get3A_25 = arith.constant 0 : index
    %get3A_26 = arith.constant 0 : index
    %get3A_27 = vector.load %arg4[%get3A_25, %get3A_26] : memref<128x128xf32, #tpu.memory_space<vmem>>, vector<128x128xf32>
    %get3A_28 = arith.constant 0 : index
    %get3A_29 = arith.constant 0 : index
    %get3A_30 = vector.load %arg6[%get3A_28, %get3A_29] : memref<1x128xf32, #tpu.memory_space<vmem>>, vector<1x128xf32>
    %mul3A_31 = vector.broadcast %get3A_30 : vector<1x128xf32> to vector<128x128xf32>
    %mul3A_32 = arith.mulf %get3A_27, %mul3A_31 : vector<128x128xf32>
    %dot_general3A = arith.constant dense<0.000000e+00> : vector<400x128xf32>
    %dot_general3A_33 = tpu.matmul %mul3A_9, %mul3A_24, %dot_general3A {dimension_numbers = #tpu.dot_dimension_numbers<[1], [0], [0], [1], [0, 0, 1, 1], [], []>, precision = #tpu.contract_precision<fp32>, transpose_lhs_hint = false} : vector<400x128xf32>, vector<128x128xf32>, vector<400x128xf32> -> vector<400x128xf32>
    %dot_general3A_34 = arith.constant dense<0.000000e+00> : vector<400x128xf32>
    %dot_general3A_35 = tpu.matmul %mul3A_16, %mul3A_32, %dot_general3A_34 {dimension_numbers = #tpu.dot_dimension_numbers<[1], [0], [0], [1], [0, 0, 1, 1], [], []>, precision = #tpu.contract_precision<fp32>, transpose_lhs_hint = false} : vector<400x128xf32>, vector<128x128xf32>, vector<400x128xf32> -> vector<400x128xf32>
    %add3A_36 = arith.addf %dot_general3A_33, %dot_general3A_35 : vector<400x128xf32>
    %get3A_37 = arith.constant 0 : index
    %get3A_38 = arith.constant 0 : index
    %get3A_39 = vector.load %arg7[%get3A_37, %get3A_38] : memref<1x128xf32, #tpu.memory_space<vmem>>, vector<1x128xf32>
    %get3A_40 = arith.constant 0 : index
    %get3A_41 = arith.constant 0 : index
    %get3A_42 = vector.load %arg5[%get3A_40, %get3A_41] : memref<1x128xf32, #tpu.memory_space<vmem>>, vector<1x128xf32>
    %mul3A_43 = arith.mulf %get3A_39, %get3A_42 : vector<1x128xf32>
    %add3A_44 = vector.broadcast %mul3A_43 : vector<1x128xf32> to vector<400x128xf32>
    %add3A_45 = arith.addf %add3A_36, %add3A_44 : vector<400x128xf32>
    %get3A_46 = arith.constant 0 : index
    %get3A_47 = arith.constant 0 : index
    %get3A_48 = vector.load %arg8[%get3A_46, %get3A_47] : memref<1x128xf32, #tpu.memory_space<vmem>>, vector<1x128xf32>
    %get3A_49 = arith.constant 0 : index
    %get3A_50 = arith.constant 0 : index
    %get3A_51 = vector.load %arg6[%get3A_49, %get3A_50] : memref<1x128xf32, #tpu.memory_space<vmem>>, vector<1x128xf32>
    %mul3A_52 = arith.mulf %get3A_48, %get3A_51 : vector<1x128xf32>
    %add3A_53 = vector.broadcast %mul3A_52 : vector<1x128xf32> to vector<400x128xf32>
    %add3A_54 = arith.addf %add3A_45, %add3A_53 : vector<400x128xf32>
    %reduce_sum3A = arith.constant dense<0.000000e+00> : vector<400xf32>
    %reduce_sum3A_55 = vector.multi_reduction <add>, %add3A_54, %reduce_sum3A [1] : vector<400x128xf32> to vector<400xf32>
    %broadcast_in_dim3A = vector.shape_cast %reduce_sum3A_55 : vector<400xf32> to vector<400x1xf32>
    %div3A = arith.constant 1.280000e+02 : f32
    %div3A_56 = vector.broadcast %div3A : f32 to vector<400x1xf32>
    %div3A_57 = arith.divf %broadcast_in_dim3A, %div3A_56 : vector<400x1xf32>
    %sub3A = vector.broadcast %div3A_57 : vector<400x1xf32> to vector<400x128xf32>
    %sub3A_58 = arith.subf %add3A_54, %sub3A : vector<400x128xf32>
    %mul3A_59 = arith.mulf %sub3A_58, %sub3A_58 : vector<400x128xf32>
    %reduce_sum3A_60 = arith.constant dense<0.000000e+00> : vector<400xf32>
    %reduce_sum3A_61 = vector.multi_reduction <add>, %mul3A_59, %reduce_sum3A_60 [1] : vector<400x128xf32> to vector<400xf32>
    %broadcast_in_dim3A_62 = vector.shape_cast %reduce_sum3A_61 : vector<400xf32> to vector<400x1xf32>
    %div3A_63 = arith.constant 1.280000e+02 : f32
    %div3A_64 = vector.broadcast %div3A_63 : f32 to vector<400x1xf32>
    %div3A_65 = arith.divf %broadcast_in_dim3A_62, %div3A_64 : vector<400x1xf32>
    %add3A_66 = arith.constant 9.99999974E-6 : f32
    %add3A_67 = vector.broadcast %add3A_66 : f32 to vector<400x1xf32>
    %add3A_68 = arith.addf %div3A_65, %add3A_67 : vector<400x1xf32>
    %rsqrt3A_69 = math.rsqrt %add3A_68 : vector<400x1xf32>
    %mul3A_70 = vector.broadcast %rsqrt3A_69 : vector<400x1xf32> to vector<400x128xf32>
    %mul3A_71 = arith.mulf %sub3A_58, %mul3A_70 : vector<400x128xf32>
    %get3A_72 = arith.constant 0 : index
    %get3A_73 = arith.constant 0 : index
    %get3A_74 = vector.load %arg9[%get3A_72, %get3A_73] : memref<1x128xf32, #tpu.memory_space<vmem>>, vector<1x128xf32>
    %mul3A_75 = vector.broadcast %get3A_74 : vector<1x128xf32> to vector<400x128xf32>
    %mul3A_76 = arith.mulf %mul3A_71, %mul3A_75 : vector<400x128xf32>
    %get3A_77 = arith.constant 0 : index
    %get3A_78 = arith.constant 0 : index
    %get3A_79 = vector.load %arg10[%get3A_77, %get3A_78] : memref<1x128xf32, #tpu.memory_space<vmem>>, vector<1x128xf32>
    %add3A_80 = vector.broadcast %get3A_79 : vector<1x128xf32> to vector<400x128xf32>
    %add3A_81 = arith.addf %mul3A_76, %add3A_80 : vector<400x128xf32>
    %max3A = arith.constant 0.000000e+00 : f32
    %max3A_82 = vector.broadcast %max3A : f32 to vector<400x128xf32>
    %max3A_83 = arith.maximumf %add3A_81, %max3A_82 : vector<400x128xf32>
    %swap3A = arith.constant 0 : index
    %swap3A_84 = arith.constant 0 : index
    %swap3A_85 = vector.load %arg11[%swap3A, %swap3A_84] : memref<400x128xf32, #tpu.memory_space<vmem>>, vector<400x128xf32>
    tpu.vector_store %arg11[%swap3A, %swap3A_84], %max3A_83 {strides = array<i32>} : memref<400x128xf32, #tpu.memory_space<vmem>>, vector<400x128xf32>,
    return
  }
  func.func @transform_0(%arg0: i32) -> (i32, i32, i32) {
    %c0_i32 = arith.constant 0 : i32
    %c0_i32_0 = arith.constant 0 : i32
    %c0_i32_1 = arith.constant 0 : i32
    return %c0_i32, %arg0, %c0_i32_0 : i32, i32, i32
  }
  func.func @transform_1(%arg0: i32) -> (i32, i32) {
    %c0_i32 = arith.constant 0 : i32
    %c0_i32_0 = arith.constant 0 : i32
    return %arg0, %c0_i32 : i32, i32
  }
  func.func @transform_2(%arg0: i32) -> (i32, i32) {
    %c0_i32 = arith.constant 0 : i32
    %c0_i32_0 = arith.constant 0 : i32
    %c0_i32_1 = arith.constant 0 : i32
    return %c0_i32, %c0_i32_0 : i32, i32
  }
  func.func @transform_3(%arg0: i32) -> (i32, i32) {
    %c0_i32 = arith.constant 0 : i32
    %c0_i32_0 = arith.constant 0 : i32
    %c0_i32_1 = arith.constant 0 : i32
    return %c0_i32, %c0_i32_0 : i32, i32
  }
  func.func @transform_4(%arg0: i32) -> (i32, i32) {
    %c0_i32 = arith.constant 0 : i32
    %c0_i32_0 = arith.constant 0 : i32
    %c0_i32_1 = arith.constant 0 : i32
    return %c0_i32, %c0_i32_0 : i32, i32
  }
  func.func @transform_5(%arg0: i32) -> (i32, i32) {
    %c0_i32 = arith.constant 0 : i32
    %c0_i32_0 = arith.constant 0 : i32
    %c0_i32_1 = arith.constant 0 : i32
    return %c0_i32, %c0_i32_0 : i32, i32
  }
  func.func @transform_6(%arg0: i32) -> (i32, i32) {
    %c0_i32 = arith.constant 0 : i32
    %c0_i32_0 = arith.constant 0 : i32
    %c0_i32_1 = arith.constant 0 : i32
    return %c0_i32, %c0_i32_0 : i32, i32
  }
  func.func @transform_7(%arg0: i32) -> (i32, i32) {
    %c0_i32 = arith.constant 0 : i32
    %c0_i32_0 = arith.constant 0 : i32
    %c0_i32_1 = arith.constant 0 : i32
    return %c0_i32, %c0_i32_0 : i32, i32
  }
  func.func @transform_8(%arg0: i32) -> (i32, i32) {
    %c0_i32 = arith.constant 0 : i32
    %c0_i32_0 = arith.constant 0 : i32
    %c0_i32_1 = arith.constant 0 : i32
    return %c0_i32, %c0_i32_0 : i32, i32
  }
  func.func @transform_9(%arg0: i32) -> (i32, i32) {
    %c0_i32 = arith.constant 0 : i32
    %c0_i32_0 = arith.constant 0 : i32
    %c0_i32_1 = arith.constant 0 : i32
    return %c0_i32, %c0_i32_0 : i32, i32
  }
  func.func @transform_10(%arg0: i32) -> (i32, i32) {
    %c0_i32 = arith.constant 0 : i32
    %c0_i32_0 = arith.constant 0 : i32
    return %arg0, %c0_i32 : i32, i32
  }
}

</mosaic_0001>

<sc_bundles>
// kernel: kernel.6.cloned.1.call-start
scs
__scs_entry_jumppad:
0x0: {  	(pc) =	sbr.rel $0x88, $3  }
0x1: {  	(tag) =	ssettag $0x0;
	lr =	simm.s32 $0x1  }
0x2: {  	[smem:$0x3F95] =	sst lr;
	_ =	strace $0xD0000000  }
0x3: {  	_ = 	snop  }
0x4: {  	_ = 	snop  }
0x5: {  	_ = 	snop  }
0x6: {  	_ = 	snop  }
0x7: {  	_ = 	snop  }
__scs_overlays_trampoline_lowered:
0x8: {  	[smem:$0x3FA4] =	sst s0  }
0x9: {  	[smem:$0x3FA5] =	sst s1  }
0xa: {  	[smem:$0x3FA6] =	sst s2  }
0xb: {  	[smem:$0x3FA7] =	sst s3  }
0xc: {  	[smem:$0x3FA8] =	sst s4  }
0xd: {  	[smem:$0x3FA9] =	sst s5  }
0xe: {  	[smem:$0x3FAA] =	sst s6  }
0xf: {  	[smem:$0x3FAB] =	sst s7  }
0x10: {  	[smem:$0x3FAC] =	sst s8  }
0x11: {  	[smem:$0x3FAD] =	sst s9;
	s0 =	simm.s32 @!p0 $0x0  }
0x12: {  	s1 =	sld [smem:$0x3F93];
	s0 =	simm.s32 @p0 $0x1  }
0x13: {  	[smem:$0x3FAE] =	sst s0;
	s0 =	simm.s32 @!p1 $0x0  }
0x14: {  	s2 =	sld [smem:$0x3F92];
	s0 =	simm.s32 @p1 $0x1  }
0x15: {  	[smem:$0x3FAF] =	sst s0;
	s0 =	simm.s32 @!p2 $0x0  }
0x16: {  	s3 =	sld [smem:$0x3FDB];
	s0 =	simm.s32 @p2 $0x1  }
0x17: {  	s4 =	simm.s32 $0x1BF5;
	[smem:$0x3FB1] =	sst s0  }
0x18: {  	s0 =	sld [smem:$0x3F94];
	_ =	swait.ge [sflag:s4], $0x0  }
0x19: {  	s7 =	sld [smem:$0x3F95]  }
0x1a: {  	s8 =	sadd.s32 $0xFFFFE003, lr  }
0x1b: {  	s9 =	sadd.s32 $0xFFFFFEF7, lr;
	s5 =	simm.s32 $0xFFFFFFFF;
	p2 =	slt.u32 s8, $0xFFFFF086  }
0x1c: {  	p1 =	slt.u32 s9, $0xF7A;
	s5 =	simm.s32 @!p2 $0x0  }
0x1d: {  	s5 =	simm.s32 @p1 $0x1;
	p0 =	seq.s32 s7, s2  }
0x1e: {  	s7 =	smul.u32 @!p0 $0xF7A, s2;
	p2 =	seq.s32 @!p0 s5, $0x0  }
0x1f: {  	s9 =	smul.u32 $0xF7A, s1;
	s8 =	simm.s32 @!p0 $0x1BF5;
	p2 =	por !p2, p0  }
0x20: {  	[sflag:s8] =	ssyncset.s32 @!p0 $0xFFFFF086;
	s6 =	sadd.s32 @!p0 s3, s7;
	s7 =	simm.s32 @!p0 $0x108  }
0x21: {  	s3 =	sadd.s32 s3, s9;
	s6 =	sadd.s32 @!p0 $0x88, s6;
	s7 =	simm.s32 @p2 $0x1082  }
0x22: {  	[simem:s7], [sflag:s8] =	dma.local @!p0 [hbm:s6], $0xF7A  }
0x23: {  	s9 =	sor.u32 $0xD0000000, s2;
	s6 =	simm.s32 $0x108;
	_ =	swait.ge @!p0 [sflag:s8], $0x0  }
0x24: {  	s3 =	sadd.s32 $0x88, s3;
	s6 =	simm.s32 @!p1 $0x1082;
	[sflag:s4] =	ssyncset.s32 $0xFFFFF086  }
0x25: {  	[simem:s6], [sflag:s4] =	dma.local [hbm:s3], $0xF7A  }
0x26: {  	[smem:$0x3F95] =	sst s1;
	(tag) =	ssettag s2;
	_ =	strace s9  }
0x27: {  	s1 =	sld [smem:$0x3FA5]  }
0x28: {  	s2 =	sld [smem:$0x3FA6]  }
0x29: {  	s4 =	sld [smem:$0x3FA8]  }
0x2a: {  	p0 =	seq.s32 s5, $0x0;
	s5 =	sld [smem:$0x3FA9]  }
0x2b: {  	s6 =	sld [smem:$0x3FAA]  }
0x2c: {  	s7 =	sld [smem:$0x3FAB]  }
0x2d: {  	s3 =	simm.s32 $0x108;
	s8 =	sld [smem:$0x3FAC]  }
0x2e: {  	s3 =	simm.s32 @!p0 $0x1082;
	s9 =	sld [smem:$0x3FAD]  }
0x2f: {  	lr =	sadd.s32 s0, s3;
	s0 =	sld [smem:$0x3FA4]  }
0x30: {  	s3 =	sld [smem:$0x3FA7]  }
0x31: {  	[smem:$0x3FB0] =	sst s10  }
0x32: {  	s10 =	sld [smem:$0x3FAE];
	_ =	sdelay $0x3  }
0x33: {  	p0 =	seq.s32 s10, $0x1;
	s10 =	sld [smem:$0x3FB0];
	_ =	sdelay $0x3  }
0x34: {  	[smem:$0x3FB0] =	sst s10  }
0x35: {  	s10 =	sld [smem:$0x3FAF];
	_ =	sdelay $0x3  }
0x36: {  	p1 =	seq.s32 s10, $0x1;
	s10 =	sld [smem:$0x3FB0];
	_ =	sdelay $0x3  }
0x37: {  	[smem:$0x3FB0] =	sst s10  }
0x38: {  	s10 =	sld [smem:$0x3FB1]  }
0x39: {  	_ = 	snop;
	(pc) =	sbr.ind lr, $3  }
0x3a: {  	_ = 	snop  }
0x3b: {  	_ = 	snop  }
0x3c: {  	p2 =	seq.s32 s10, $0x1;
	s10 =	sld [smem:$0x3FB0]  }
0x3d: {  	_ =	shalt  }
0x3e: {  	_ =	shalt  }
0x3f: {  	_ =	shalt  }
0x40: {  	_ =	shalt  }
0x41: {  	_ =	shalt  }
0x42: {  	_ =	shalt  }
0x43: {  	_ =	shalt  }
0x44: {  	_ =	shalt  }
0x45: {  	_ =	shalt  }
0x46: {  	_ =	shalt  }
0x47: {  	_ =	shalt  }
0x48: {  	_ =	shalt  }
0x49: {  	_ =	shalt  }
0x4a: {  	_ =	shalt  }
0x4b: {  	_ =	shalt  }
0x4c: {  	_ =	shalt  }
0x4d: {  	_ =	shalt  }
0x4e: {  	_ =	shalt  }
0x4f: {  	_ =	shalt  }
0x50: {  	_ =	shalt  }
0x51: {  	_ =	shalt  }
0x52: {  	_ =	shalt  }
0x53: {  	_ =	shalt  }
0x54: {  	_ =	shalt  }
0x55: {  	_ =	shalt  }
0x56: {  	_ =	shalt  }
0x57: {  	_ =	shalt  }
0x58: {  	_ =	shalt  }
0x59: {  	_ =	shalt  }
0x5a: {  	_ =	shalt  }
0x5b: {  	_ =	shalt  }
0x5c: {  	_ =	shalt  }
0x5d: {  	_ =	shalt  }
0x5e: {  	_ =	shalt  }
0x5f: {  	_ =	shalt  }
0x60: {  	_ =	shalt  }
0x61: {  	_ =	shalt  }
0x62: {  	_ =	shalt  }
0x63: {  	_ =	shalt  }
0x64: {  	_ =	shalt  }
0x65: {  	_ =	shalt  }
0x66: {  	_ =	shalt  }
0x67: {  	_ =	shalt  }
0x68: {  	_ =	shalt  }
0x69: {  	_ =	shalt  }
0x6a: {  	_ =	shalt  }
0x6b: {  	_ =	shalt  }
0x6c: {  	_ =	shalt  }
0x6d: {  	_ =	shalt  }
0x6e: {  	_ =	shalt  }
0x6f: {  	_ =	shalt  }
0x70: {  	_ =	shalt  }
0x71: {  	_ =	shalt  }
0x72: {  	_ =	shalt  }
0x73: {  	_ =	shalt  }
0x74: {  	_ =	shalt  }
0x75: {  	_ =	shalt  }
0x76: {  	_ =	shalt  }
0x77: {  	_ =	shalt  }
0x78: {  	_ =	shalt  }
0x79: {  	_ =	shalt  }
0x7a: {  	_ =	shalt  }
0x7b: {  	_ =	shalt  }
0x7c: {  	_ =	shalt  }
0x7d: {  	_ =	shalt  }
0x7e: {  	_ =	shalt  }
0x7f: {  	_ =	shalt  }
0x80: {  	_ =	shalt  }
0x81: {  	_ =	shalt  }
0x82: {  	_ =	shalt  }
0x83: {  	_ =	shalt  }
0x84: {  	_ =	shalt  }
0x85: {  	_ =	shalt  }
0x86: {  	_ =	shalt  }
0x87: {  	_ =	shalt  }
.Lfunc_end0:
.L_simem_size_0:
called_computation_lowered:
.L_overlay_start_0:
0x88: {  	s2 =	sld [smem:$0x3FD9]  }
0x89: {  	s3 =	sld [smem:$0x3FFE];
	_ =	sdelay $0x1  }
0x8a: {  	s1 =	srdreg.scid  }
0x8b: {  	s0 =	sand.u32 $0x1, s1  }
0x8c: {  	s17 =	sshll.u32 s0, $0xA;
	s2 =	sadd.s32 s3, s2  }
0x8d: {  	s2 =	sadd.s32 s2, s17  }
0x8e: {  	[smem:$0x3FBC] =	sst s2  }
0x8f: {  	_ = 	snop  }
0x90: {  	s2 =	sld [smem:$0x3FD0];
	(tm) =	ssettm $0x1  }
0x91: {  	s18 =	sld [smem:$0x3FFB];
	_ =	sdelay $0x3  }
0x92: {  	_ =	strace s18  }
0x93: {  	s3 =	sld [smem:$0x3FFC];
	_ =	sdelay $0x3  }
0x94: {  	_ =	strace s3  }
0x95: {  	s3 =	sld [smem:$0x3FFD];
	_ =	sdelay $0x3  }
0x96: {  	_ =	strace s3  }
0x97: {  	_ =	strace $0x8FFFFFFF  }
0x98: {  	s19 =	sld [smem:$0x3FDB];
	_ =	sdelay $0x1  }
0x99: {  	s4 =	simm.s32 $_scs_section_size  }
0x9a: {  	s5 =	simm.s32 $_size__tile_overlayer_lowered;
	s6 =	simm.s32 $_tile_overlayer_lowered  }
0x9b: {  	s22 =	simm.s32 $0x1BFF;
	s21 =	sshll.u32 s6, $0x1;
	s3 =	sadd.s32 s4, s19  }
0x9c: {  	s7 =	simm.s32 $0x0;
	s20 =	sshll.u32 s5, $0x1;
	s5 =	sadd.s32 s21, s3  }
0x9d: {  	[timem:s7], [sflag:s22] =	dma.local [hbm:s5], s20  }
0x9e: {  	_ =	swait.ge [sflag:s22], s20  }
0x9f: {  	s4 =	ssub.s32 $0x0, s20;
	[sflag:s22] =	ssyncset.done $0x0  }
0xa0: {  	[sflag:s22] =	ssyncadd.s32 s4;
	_ =	sdelay $0x1  }
0xa1: {  	s23 =	simm.s32 $0x1B8B  }
0xa2: {  	_ =	swait.ge [sflag:s23], $0x1  }
0xa3: {  	[sflag:s23] =	ssyncset.done $0x0  }
0xa4: {  	s25 =	simm.s32 $0x1B8E;
	s24 =	sld [smem:$0x3FFE];
	[sflag:s23] =	ssyncadd.s32 $0xFFFFFFFF  }
0xa5: {  	s26 =	simm.s32 $execute0_lowered;
	[smem:$0x3FD2] =	sst s25  }
0xa6: {  	s5 =	sshll.u32 s26, $0x1;
	_ =	strace $0x80000046;
	[dreg:$0x1] =	wrdreg $0xFFFFFFFF  }
0xa7: {  	s28 =	simm.s32 $_size_execute0_lowered;
	s3 =	sadd.s32 s3, s5;
	[dreg:$0x0] =	wrdreg $0x0  }
0xa8: {  	s5 =	sshll.u32 s28, $0x1;
	[dreg:$0x2] =	wrdreg s3  }
0xa9: {  	[dreg:$0x3] =	wrdreg s5  }
0xaa: {  	[dreg:$0x4] =	wrdreg $0xC0  }
0xab: {  	_ =	task [dreg:s7], $0x5FFFF  }
0xac: {  	[dreg:$0x1] =	wrdreg $0xFFFFFFFF  }
0xad: {  	[dreg:$0x0] =	wrdreg $0x60  }
0xae: {  	[dreg:$0x2] =	wrdreg s2  }
0xaf: {  	[dreg:$0x3] =	wrdreg s24  }
0xb0: {  	[dreg:$0x4] =	wrdreg $0x53000  }
0xb1: {  	[dreg:$0x5] =	wrdreg $0x9  }
0xb2: {  	_ =	task.clear_ibuf [dreg:s7], $0x6FFFF;
	_ =	strace $0x90000046  }
0xb3: {  	s29 =	simm.s32 $0x9;
	_ =	strace $0x80000048  }
0xb4: {  	_ =	swait.ge [sflag:s29], $0x1  }
0xb5: {  	[sflag:s29] =	ssyncadd.s32 $0xFFFFFFFF  }
0xb6: {  	_ =	strace $0x90000048  }
0xb7: {  	_ =	sfence  }
0xb8: {  	s30 =	sld [smem:$0x0];
	_ =	sdelay $0x2  }
0xb9: {  	s31 =	sshll.u32 s1, $0xD;
	s1 =	sshrl.u32 s1, $0x2  }
0xba: {  	s3 =	sand.u32 $0x4000, s31;
	s1 =	sadd.s32 s1, s30  }
0xbb: {  	s0 =	sor.u32 s3, s0;
	s1 =	sshll.u32 s1, $0x11  }
0xbc: {  	s0 =	sor.u32 s1, s0  }
0xbd: {  	s0 =	sadd.s32 $0x8F2B, s0  }
0xbe: {  	[sflag:s0] =	ssyncadd.remote.s32 $0x1  }
0xbf: {  	_ =	sfence.sel $0xFFFF  }
0xc0: {  	[dreg:$0x0] =	wrdreg $0xFFFFFFFF;
	(pc) =	sbr.abs _section_cstart, $3  }
0xc1: {  	[dreg:$0x1] =	wrdreg $0xFFFFFFFF  }
0xc2: {  	_ =	task.clear_ibuf [dreg:s7], $0x2FFFF;
	_ =	strace $0x9FFFFFFF  }
0xc3: {  	(tm) =	ssettm $0x7FFFFFFF  }
tec
execute0_lowered:
.L_overlay_start_1:
0x0: {  	(tag) =	ssettag $0x1  }
0x1: {  	s5 =	rddreg [dreg:$0x0]  }
0x2: {  	s1 =	srdreg.scid;
	s4 =	rddreg [dreg:$0x1]  }
0x3: {  	s0 =	stileid.u32;
	s2 =	rddreg [dreg:$0x2]  }
0x4: {  	s3 =	simm.s32 $0x0;
	s11 =	simm.s32 $0x5000;
	s7 =	smul.u32 $0x280, s0  }
0x5: {  	s12 =	simm.s32 $0x1;
	s6 =	sand.u32 $0x1, s1;
	s10 =	smul.u32 $0x5000, s0  }
0x6: {  	s15 =	simm.s32 $0x0;
	s1 =	rddreg [dreg:$0x3];
	s8 =	smul.u32 $0x2800, s6  }
0x7: {  	[smem:$0x7FF] =	sst s3;
	s13 =	sshll.u32 s0, $0x6;
	s9 =	smul.u32 $0x50000, s6  }
0x8: {  	_ =	strace $0x80000047;
	s6 =	ssub.s32 $0x2, s6;
	s13 =	sor.u32 $0x1C02, s13  }
0x9: {  	s29 =	sshrl.u32 s6, $0x1;
	s8 =	sadd.s32 s7, s8;
	s9 =	sadd.s32 s10, s9  }
0xa: {  	s30 =	ssub.s32 s6, s29;
	s10 =	simm.s32 $0x80;
	s8 =	sshrl.u32 s8, $0x3  }
0xb: {  	s31 =	sshrl.u32 s9, $0x3;
	s9 =	simm.s32 $0x2;
	s8 =	sadd.s32 s8, s4  }
0xc: {  	s4 =	sadd.s32 s7, s2;
	s5 =	sadd.s32 s5, s31;
	s7 =	smax.u32 s30, $0x1  }
0xd: {  	v0 =	vimm.f32 $0.0e+00;
	v1 =	vimm.f32 $1.000000000e+00;
	s6 =	sadd.s32 $0x2400, s8;
	s8 =	simm.s32 $0x5080;
	s14 =	sshrl.u32 s4, $0x3  }
.LBB2_1:
0xe: {  	[tilespmem:$0x5080] =	vst v0  }
0xf: {  	[tilespmem:$0x5090] =	vst v0  }
0x10: {  	[tilespmem:$0x50A0] =	vst v0  }
0x11: {  	[tilespmem:$0x50B0] =	vst v0  }
0x12: {  	[tilespmem:$0x50C0] =	vst v0  }
0x13: {  	[tilespmem:$0x50D0] =	vst v0  }
0x14: {  	[tilespmem:$0x50E0] =	vst v0  }
0x15: {  	[tilespmem:$0x50F0] =	vst v0  }
0x16: {  	[tilespmem:$0x5100] =	vst v0  }
0x17: {  	[tilespmem:$0x5110] =	vst v0  }
0x18: {  	[tilespmem:$0x5120] =	vst v0  }
0x19: {  	[tilespmem:$0x5130] =	vst v0  }
0x1a: {  	[tilespmem:$0x5140] =	vst v0  }
0x1b: {  	[tilespmem:$0x5150] =	vst v0  }
0x1c: {  	[tilespmem:$0x5160] =	vst v0  }
0x1d: {  	[tilespmem:$0x5170] =	vst v0  }
0x1e: {  	[tilespmem:$0x5180] =	vst v0  }
0x1f: {  	[tilespmem:$0x5190] =	vst v0  }
0x20: {  	[tilespmem:$0x51A0] =	vst v0  }
0x21: {  	[tilespmem:$0x51B0] =	vst v0  }
0x22: {  	[tilespmem:$0x51C0] =	vst v0  }
0x23: {  	[tilespmem:$0x51D0] =	vst v0  }
0x24: {  	[tilespmem:$0x51E0] =	vst v0  }
0x25: {  	[tilespmem:$0x51F0] =	vst v0  }
0x26: {  	[tilespmem:$0x5200] =	vst v0  }
0x27: {  	[tilespmem:$0x5210] =	vst v0  }
0x28: {  	[tilespmem:$0x5220] =	vst v0  }
0x29: {  	[tilespmem:$0x5230] =	vst v0  }
0x2a: {  	[tilespmem:$0x5240] =	vst v0  }
0x2b: {  	[tilespmem:$0x5250] =	vst v0  }
0x2c: {  	[tilespmem:$0x5260] =	vst v0  }
0x2d: {  	[tilespmem:$0x5270] =	vst v0  }
0x2e: {  	[tilespmem:$0x5280] =	vst v0  }
0x2f: {  	[tilespmem:$0x5290] =	vst v0  }
0x30: {  	[tilespmem:$0x52A0] =	vst v0  }
0x31: {  	[tilespmem:$0x52B0] =	vst v0  }
0x32: {  	[tilespmem:$0x52C0] =	vst v0  }
0x33: {  	[tilespmem:$0x52D0] =	vst v0  }
0x34: {  	[tilespmem:$0x52E0] =	vst v0  }
0x35: {  	[tilespmem:$0x52F0] =	vst v0  }
0x36: {  	[tilespmem:$0x5000] =	vst v1  }
0x37: {  	[tilespmem:$0x5010] =	vst v1  }
0x38: {  	[tilespmem:$0x5020] =	vst v1  }
0x39: {  	[tilespmem:$0x5030] =	vst v1  }
0x3a: {  	[tilespmem:$0x5040] =	vst v1  }
0x3b: {  	[tilespmem:$0x5050] =	vst v1  }
0x3c: {  	[tilespmem:$0x5060] =	vst v1  }
0x3d: {  	[tilespmem:$0x5070] =	vst v1  }
0x3e: {  	[spmem:s4] =	stream.linear.scatter [tilespmem:s8], [sflag:$0x2], $0x280, $0x38;
	[tilespmem:$0x5580] =	vst v63  }
0x3f: {  	_ =	swait.ge [sflag:s9], $0x280  }
0x40: {  	[sflag:s9] =	ssyncset.done $0x0  }
0x41: {  	[sflag:s9] =	ssyncadd.s32 $0xFFFFFD80  }
0x42: {  	[tilespmem:s3], [sflag:$0x2] =	stream.linear.gather [hbm4b:s5+s3], $0x5000, $0x38;
	[tilespmem:$0x5580] =	vst v63  }
0x43: {  	_ =	swait.ge [sflag:s9], $0x5000  }
0x44: {  	[sflag:s9] =	ssyncset.done $0x0  }
0x45: {  	[sflag:s9] =	ssyncadd.s32 $0xFFFFB000  }
0x46: {  	s16 =	simm.s32 $0x0;
	[bflag:$0x0] =	sbarrier.arrive $0xFFFF  }
0x47: {  	[spmem:s2] =	stream.indirect.scatter.add.f32 [tilespmem:s11], [sflag:$0x1], $0x1, s16, s10, $0xb8;
	[tilespmem:$0x5580] =	vst v63  }
0x48: {  	s31 =	simm.s32 $0x80  }
0x49: {  	[spmem:s2] =	stream.indirect.scatter.add.f32 [tilespmem:s11], [sflag:$0x1], $0x1, s31, s10, $0xb8;
	[tilespmem:$0x5580] =	vst v63  }
0x4a: {  	s17 =	simm.s32 $0x100  }
0x4b: {  	[spmem:s2] =	stream.indirect.scatter.add.f32 [tilespmem:s11], [sflag:$0x1], $0x1, s17, s10, $0xb8;
	[tilespmem:$0x5580] =	vst v63  }
0x4c: {  	s18 =	simm.s32 $0x180  }
0x4d: {  	[spmem:s2] =	stream.indirect.scatter.add.f32 [tilespmem:s11], [sflag:$0x1], $0x1, s18, s10, $0xb8;
	[tilespmem:$0x5580] =	vst v63  }
0x4e: {  	s19 =	simm.s32 $0x200  }
0x4f: {  	[spmem:s2] =	stream.indirect.scatter.add.f32 [tilespmem:s11], [sflag:$0x1], $0x1, s19, s10, $0xb8;
	[tilespmem:$0x5580] =	vst v63  }
0x50: {  	s20 =	simm.s32 $0x280  }
0x51: {  	[spmem:s2] =	stream.indirect.scatter.add.f32 [tilespmem:s11], [sflag:$0x1], $0x1, s20, s10, $0xb8;
	[tilespmem:$0x5580] =	vst v63  }
0x52: {  	s21 =	simm.s32 $0x300  }
0x53: {  	[spmem:s2] =	stream.indirect.scatter.add.f32 [tilespmem:s11], [sflag:$0x1], $0x1, s21, s10, $0xb8;
	[tilespmem:$0x5580] =	vst v63  }
0x54: {  	s22 =	simm.s32 $0x380  }
0x55: {  	[spmem:s2] =	stream.indirect.scatter.add.f32 [tilespmem:s11], [sflag:$0x1], $0x1, s22, s10, $0xb8;
	[tilespmem:$0x5580] =	vst v63  }
0x56: {  	s23 =	simm.s32 $0x400  }
0x57: {  	[spmem:s2] =	stream.indirect.scatter.add.f32 [tilespmem:s11], [sflag:$0x1], $0x1, s23, s10, $0xb8;
	[tilespmem:$0x5580] =	vst v63  }
0x58: {  	s24 =	simm.s32 $0x480  }
0x59: {  	[spmem:s2] =	stream.indirect.scatter.add.f32 [tilespmem:s11], [sflag:$0x1], $0x1, s24, s10, $0xb8;
	[tilespmem:$0x5580] =	vst v63  }
0x5a: {  	s25 =	simm.s32 $0x500  }
0x5b: {  	[spmem:s2] =	stream.indirect.scatter.add.f32 [tilespmem:s11], [sflag:$0x1], $0x1, s25, s10, $0xb8;
	[tilespmem:$0x5580] =	vst v63  }
0x5c: {  	s26 =	simm.s32 $0x580  }
0x5d: {  	[spmem:s2] =	stream.indirect.scatter.add.f32 [tilespmem:s11], [sflag:$0x1], $0x1, s26, s10, $0xb8;
	[tilespmem:$0x5580] =	vst v63  }
0x5e: {  	s28 =	simm.s32 $0x600  }
0x5f: {  	[spmem:s2] =	stream.indirect.scatter.add.f32 [tilespmem:s11], [sflag:$0x1], $0x1, s28, s10, $0xb8;
	[tilespmem:$0x5580] =	vst v63  }
0x60: {  	s29 =	simm.s32 $0x680  }
0x61: {  	[spmem:s2] =	stream.indirect.scatter.add.f32 [tilespmem:s11], [sflag:$0x1], $0x1, s29, s10, $0xb8;
	[tilespmem:$0x5580] =	vst v63  }
0x62: {  	s30 =	simm.s32 $0x700  }
0x63: {  	[spmem:s2] =	stream.indirect.scatter.add.f32 [tilespmem:s11], [sflag:$0x1], $0x1, s30, s10, $0xb8;
	[tilespmem:$0x5580] =	vst v63  }
0x64: {  	s31 =	simm.s32 $0x780  }
0x65: {  	[spmem:s2] =	stream.indirect.scatter.add.f32 [tilespmem:s11], [sflag:$0x1], $0x1, s31, s10, $0xb8;
	[tilespmem:$0x5580] =	vst v63  }
0x66: {  	_ =	swait.ge [sflag:s12], $0x80  }
0x67: {  	[sflag:s12] =	ssyncset.done $0x0  }
0x68: {  	[sflag:s12] =	ssyncadd.s32 $0xFFFFFF80  }
0x69: {  	_ =	swait.ge [sflag:s12], $0x80  }
0x6a: {  	[sflag:s12] =	ssyncset.done $0x0  }
0x6b: {  	[sflag:s12] =	ssyncadd.s32 $0xFFFFFF80  }
0x6c: {  	_ =	swait.ge [sflag:s12], $0x80  }
0x6d: {  	[sflag:s12] =	ssyncset.done $0x0  }
0x6e: {  	[sflag:s12] =	ssyncadd.s32 $0xFFFFFF80  }
0x6f: {  	_ =	swait.ge [sflag:s12], $0x80  }
0x70: {  	[sflag:s12] =	ssyncset.done $0x0  }
0x71: {  	[sflag:s12] =	ssyncadd.s32 $0xFFFFFF80  }
0x72: {  	_ =	swait.ge [sflag:s12], $0x80  }
0x73: {  	[sflag:s12] =	ssyncset.done $0x0  }
0x74: {  	[sflag:s12] =	ssyncadd.s32 $0xFFFFFF80  }
0x75: {  	_ =	swait.ge [sflag:s12], $0x80  }
0x76: {  	[sflag:s12] =	ssyncset.done $0x0  }
0x77: {  	[sflag:s12] =	ssyncadd.s32 $0xFFFFFF80  }
0x78: {  	_ =	swait.ge [sflag:s12], $0x80  }
0x79: {  	[sflag:s12] =	ssyncset.done $0x0  }
0x7a: {  	[sflag:s12] =	ssyncadd.s32 $0xFFFFFF80  }
0x7b: {  	_ =	swait.ge [sflag:s12], $0x80  }
0x7c: {  	[sflag:s12] =	ssyncset.done $0x0  }
0x7d: {  	[sflag:s12] =	ssyncadd.s32 $0xFFFFFF80  }
0x7e: {  	_ =	swait.ge [sflag:s12], $0x80  }
0x7f: {  	[sflag:s12] =	ssyncset.done $0x0  }
0x80: {  	[sflag:s12] =	ssyncadd.s32 $0xFFFFFF80  }
0x81: {  	_ =	swait.ge [sflag:s12], $0x80  }
0x82: {  	[sflag:s12] =	ssyncset.done $0x0  }
0x83: {  	[sflag:s12] =	ssyncadd.s32 $0xFFFFFF80  }
0x84: {  	_ =	swait.ge [sflag:s12], $0x80  }
0x85: {  	[sflag:s12] =	ssyncset.done $0x0  }
0x86: {  	[sflag:s12] =	ssyncadd.s32 $0xFFFFFF80  }
0x87: {  	_ =	swait.ge [sflag:s12], $0x80  }
0x88: {  	[sflag:s12] =	ssyncset.done $0x0  }
0x89: {  	[sflag:s12] =	ssyncadd.s32 $0xFFFFFF80  }
0x8a: {  	_ =	swait.ge [sflag:s12], $0x80  }
0x8b: {  	[sflag:s12] =	ssyncset.done $0x0  }
0x8c: {  	[sflag:s12] =	ssyncadd.s32 $0xFFFFFF80  }
0x8d: {  	_ =	swait.ge [sflag:s12], $0x80  }
0x8e: {  	[sflag:s12] =	ssyncset.done $0x0  }
0x8f: {  	[sflag:s12] =	ssyncadd.s32 $0xFFFFFF80  }
0x90: {  	_ =	swait.ge [sflag:s12], $0x80  }
0x91: {  	[sflag:s12] =	ssyncset.done $0x0  }
0x92: {  	[sflag:s12] =	ssyncadd.s32 $0xFFFFFF80  }
0x93: {  	_ =	swait.ge [sflag:s12], $0x80  }
0x94: {  	s16 =	simm.s32 $0x2000;
	s19 =	simm.s32 $0x4000;
	[sflag:s12] =	ssyncset.done $0x0  }
.LBB2_2:
0x95: {  	s18 =	sshra.s32 s16, $0x2  }
0x96: {  	[sflag:s12] =	ssyncadd.s32 $0xFFFFFF80;
	s16 =	smov.u32 s19;
	s17 =	sadd.s32 $0x2000, s19  }
0x97: {  	[spmem:s2] =	stream.indirect.scatter.add.f32 [tilespmem:s11], [sflag:$0x1], $0x1, s18, s10, $0xb8;
	[tilespmem:$0x5580] =	vst v63  }
0x98: {  	p0 =	sne.s32 s19, $0x12000;
	s19 =	sadd.s32 $0x80, s18  }
0x99: {  	[spmem:s2] =	stream.indirect.scatter.add.f32 [tilespmem:s11], [sflag:$0x1], $0x1, s19, s10, $0xb8;
	[tilespmem:$0x5580] =	vst v63  }
0x9a: {  	s19 =	sadd.s32 $0x100, s18  }
0x9b: {  	[spmem:s2] =	stream.indirect.scatter.add.f32 [tilespmem:s11], [sflag:$0x1], $0x1, s19, s10, $0xb8;
	[tilespmem:$0x5580] =	vst v63  }
0x9c: {  	s19 =	sadd.s32 $0x180, s18  }
0x9d: {  	[spmem:s2] =	stream.indirect.scatter.add.f32 [tilespmem:s11], [sflag:$0x1], $0x1, s19, s10, $0xb8;
	[tilespmem:$0x5580] =	vst v63  }
0x9e: {  	s19 =	sadd.s32 $0x200, s18  }
0x9f: {  	[spmem:s2] =	stream.indirect.scatter.add.f32 [tilespmem:s11], [sflag:$0x1], $0x1, s19, s10, $0xb8;
	[tilespmem:$0x5580] =	vst v63  }
0xa0: {  	s19 =	sadd.s32 $0x280, s18  }
0xa1: {  	[spmem:s2] =	stream.indirect.scatter.add.f32 [tilespmem:s11], [sflag:$0x1], $0x1, s19, s10, $0xb8;
	[tilespmem:$0x5580] =	vst v63  }
0xa2: {  	s19 =	sadd.s32 $0x300, s18  }
0xa3: {  	[spmem:s2] =	stream.indirect.scatter.add.f32 [tilespmem:s11], [sflag:$0x1], $0x1, s19, s10, $0xb8;
	[tilespmem:$0x5580] =	vst v63  }
0xa4: {  	s19 =	sadd.s32 $0x380, s18  }
0xa5: {  	[spmem:s2] =	stream.indirect.scatter.add.f32 [tilespmem:s11], [sflag:$0x1], $0x1, s19, s10, $0xb8;
	[tilespmem:$0x5580] =	vst v63  }
0xa6: {  	s19 =	sadd.s32 $0x400, s18  }
0xa7: {  	[spmem:s2] =	stream.indirect.scatter.add.f32 [tilespmem:s11], [sflag:$0x1], $0x1, s19, s10, $0xb8;
	[tilespmem:$0x5580] =	vst v63  }
0xa8: {  	s19 =	sadd.s32 $0x480, s18  }
0xa9: {  	[spmem:s2] =	stream.indirect.scatter.add.f32 [tilespmem:s11], [sflag:$0x1], $0x1, s19, s10, $0xb8;
	[tilespmem:$0x5580] =	vst v63  }
0xaa: {  	s19 =	sadd.s32 $0x500, s18  }
0xab: {  	[spmem:s2] =	stream.indirect.scatter.add.f32 [tilespmem:s11], [sflag:$0x1], $0x1, s19, s10, $0xb8;
	[tilespmem:$0x5580] =	vst v63  }
0xac: {  	s19 =	sadd.s32 $0x580, s18  }
0xad: {  	[spmem:s2] =	stream.indirect.scatter.add.f32 [tilespmem:s11], [sflag:$0x1], $0x1, s19, s10, $0xb8;
	[tilespmem:$0x5580] =	vst v63  }
0xae: {  	s19 =	sadd.s32 $0x600, s18  }
0xaf: {  	[spmem:s2] =	stream.indirect.scatter.add.f32 [tilespmem:s11], [sflag:$0x1], $0x1, s19, s10, $0xb8;
	[tilespmem:$0x5580] =	vst v63  }
0xb0: {  	s19 =	sadd.s32 $0x680, s18  }
0xb1: {  	[spmem:s2] =	stream.indirect.scatter.add.f32 [tilespmem:s11], [sflag:$0x1], $0x1, s19, s10, $0xb8;
	[tilespmem:$0x5580] =	vst v63  }
0xb2: {  	s19 =	sadd.s32 $0x700, s18  }
0xb3: {  	[spmem:s2] =	stream.indirect.scatter.add.f32 [tilespmem:s11], [sflag:$0x1], $0x1, s19, s10, $0xb8;
	[tilespmem:$0x5580] =	vst v63  }
0xb4: {  	s18 =	sadd.s32 $0x780, s18  }
0xb5: {  	[spmem:s2] =	stream.indirect.scatter.add.f32 [tilespmem:s11], [sflag:$0x1], $0x1, s18, s10, $0xb8;
	[tilespmem:$0x5580] =	vst v63  }
0xb6: {  	_ =	swait.ge [sflag:s12], $0x80  }
0xb7: {  	[sflag:s12] =	ssyncset.done $0x0  }
0xb8: {  	[sflag:s12] =	ssyncadd.s32 $0xFFFFFF80  }
0xb9: {  	_ =	swait.ge [sflag:s12], $0x80  }
0xba: {  	[sflag:s12] =	ssyncset.done $0x0  }
0xbb: {  	[sflag:s12] =	ssyncadd.s32 $0xFFFFFF80  }
0xbc: {  	_ =	swait.ge [sflag:s12], $0x80  }
0xbd: {  	[sflag:s12] =	ssyncset.done $0x0  }
0xbe: {  	[sflag:s12] =	ssyncadd.s32 $0xFFFFFF80  }
0xbf: {  	_ =	swait.ge [sflag:s12], $0x80  }
0xc0: {  	[sflag:s12] =	ssyncset.done $0x0  }
0xc1: {  	[sflag:s12] =	ssyncadd.s32 $0xFFFFFF80  }
0xc2: {  	_ =	swait.ge [sflag:s12], $0x80  }
0xc3: {  	[sflag:s12] =	ssyncset.done $0x0  }
0xc4: {  	[sflag:s12] =	ssyncadd.s32 $0xFFFFFF80  }
0xc5: {  	_ =	swait.ge [sflag:s12], $0x80  }
0xc6: {  	[sflag:s12] =	ssyncset.done $0x0  }
0xc7: {  	[sflag:s12] =	ssyncadd.s32 $0xFFFFFF80  }
0xc8: {  	_ =	swait.ge [sflag:s12], $0x80  }
0xc9: {  	[sflag:s12] =	ssyncset.done $0x0  }
0xca: {  	[sflag:s12] =	ssyncadd.s32 $0xFFFFFF80  }
0xcb: {  	_ =	swait.ge [sflag:s12], $0x80  }
0xcc: {  	[sflag:s12] =	ssyncset.done $0x0  }
0xcd: {  	[sflag:s12] =	ssyncadd.s32 $0xFFFFFF80  }
0xce: {  	_ =	swait.ge [sflag:s12], $0x80  }
0xcf: {  	[sflag:s12] =	ssyncset.done $0x0  }
0xd0: {  	[sflag:s12] =	ssyncadd.s32 $0xFFFFFF80  }
0xd1: {  	_ =	swait.ge [sflag:s12], $0x80  }
0xd2: {  	[sflag:s12] =	ssyncset.done $0x0  }
0xd3: {  	[sflag:s12] =	ssyncadd.s32 $0xFFFFFF80  }
0xd4: {  	_ =	swait.ge [sflag:s12], $0x80  }
0xd5: {  	[sflag:s12] =	ssyncset.done $0x0  }
0xd6: {  	[sflag:s12] =	ssyncadd.s32 $0xFFFFFF80  }
0xd7: {  	_ =	swait.ge [sflag:s12], $0x80  }
0xd8: {  	[sflag:s12] =	ssyncset.done $0x0  }
0xd9: {  	[sflag:s12] =	ssyncadd.s32 $0xFFFFFF80  }
0xda: {  	_ =	swait.ge [sflag:s12], $0x80  }
0xdb: {  	[sflag:s12] =	ssyncset.done $0x0  }
0xdc: {  	[sflag:s12] =	ssyncadd.s32 $0xFFFFFF80  }
0xdd: {  	_ =	swait.ge [sflag:s12], $0x80  }
0xde: {  	[sflag:s12] =	ssyncset.done $0x0  }
0xdf: {  	[sflag:s12] =	ssyncadd.s32 $0xFFFFFF80  }
.Ltmp0:
0xe0: {  	_ =	swait.ge [sflag:s12], $0x80;
	(pc) =	sbr.rel @p0 .LBB2_2-.Ltmp0, $4  }
0xe1: {  	[sflag:s12] =	ssyncset.done $0x0  }
0xe2: {  	[sflag:s12] =	ssyncadd.s32 $0xFFFFFF80  }
0xe3: {  	_ =	swait.ge [sflag:s12], $0x80  }
0xe4: {  	s19 =	smov.u32 s17;
	[sflag:s12] =	ssyncset.done $0x0  }
0xe5: {  	s16 =	sshra.s32 s16, $0x2;
	[sflag:s12] =	ssyncadd.s32 $0xFFFFFF80  }
0xe6: {  	[spmem:s2] =	stream.indirect.scatter.add.f32 [tilespmem:s11], [sflag:$0x1], $0x1, s16, s10, $0xb8;
	[tilespmem:$0x5580] =	vst v63  }
0xe7: {  	s17 =	sadd.s32 $0x80, s16  }
0xe8: {  	[spmem:s2] =	stream.indirect.scatter.add.f32 [tilespmem:s11], [sflag:$0x1], $0x1, s17, s10, $0xb8;
	[tilespmem:$0x5580] =	vst v63  }
0xe9: {  	s18 =	sadd.s32 $0x100, s16  }
0xea: {  	[spmem:s2] =	stream.indirect.scatter.add.f32 [tilespmem:s11], [sflag:$0x1], $0x1, s18, s10, $0xb8;
	[tilespmem:$0x5580] =	vst v63  }
0xeb: {  	s19 =	sadd.s32 $0x180, s16  }
0xec: {  	[spmem:s2] =	stream.indirect.scatter.add.f32 [tilespmem:s11], [sflag:$0x1], $0x1, s19, s10, $0xb8;
	[tilespmem:$0x5580] =	vst v63  }
0xed: {  	s20 =	sadd.s32 $0x200, s16  }
0xee: {  	[spmem:s2] =	stream.indirect.scatter.add.f32 [tilespmem:s11], [sflag:$0x1], $0x1, s20, s10, $0xb8;
	[tilespmem:$0x5580] =	vst v63  }
0xef: {  	s21 =	sadd.s32 $0x280, s16  }
0xf0: {  	[spmem:s2] =	stream.indirect.scatter.add.f32 [tilespmem:s11], [sflag:$0x1], $0x1, s21, s10, $0xb8;
	[tilespmem:$0x5580] =	vst v63  }
0xf1: {  	s22 =	sadd.s32 $0x300, s16  }
0xf2: {  	[spmem:s2] =	stream.indirect.scatter.add.f32 [tilespmem:s11], [sflag:$0x1], $0x1, s22, s10, $0xb8;
	[tilespmem:$0x5580] =	vst v63  }
0xf3: {  	s23 =	sadd.s32 $0x380, s16  }
0xf4: {  	[spmem:s2] =	stream.indirect.scatter.add.f32 [tilespmem:s11], [sflag:$0x1], $0x1, s23, s10, $0xb8;
	[tilespmem:$0x5580] =	vst v63  }
0xf5: {  	s24 =	sadd.s32 $0x400, s16  }
0xf6: {  	[spmem:s2] =	stream.indirect.scatter.add.f32 [tilespmem:s11], [sflag:$0x1], $0x1, s24, s10, $0xb8;
	[tilespmem:$0x5580] =	vst v63  }
0xf7: {  	s25 =	sadd.s32 $0x480, s16  }
0xf8: {  	[spmem:s2] =	stream.indirect.scatter.add.f32 [tilespmem:s11], [sflag:$0x1], $0x1, s25, s10, $0xb8;
	[tilespmem:$0x5580] =	vst v63  }
0xf9: {  	s26 =	sadd.s32 $0x500, s16  }
0xfa: {  	[spmem:s2] =	stream.indirect.scatter.add.f32 [tilespmem:s11], [sflag:$0x1], $0x1, s26, s10, $0xb8;
	[tilespmem:$0x5580] =	vst v63  }
0xfb: {  	s28 =	sadd.s32 $0x580, s16  }
0xfc: {  	[spmem:s2] =	stream.indirect.scatter.add.f32 [tilespmem:s11], [sflag:$0x1], $0x1, s28, s10, $0xb8;
	[tilespmem:$0x5580] =	vst v63  }
0xfd: {  	s29 =	sadd.s32 $0x600, s16  }
0xfe: {  	[spmem:s2] =	stream.indirect.scatter.add.f32 [tilespmem:s11], [sflag:$0x1], $0x1, s29, s10, $0xb8;
	[tilespmem:$0x5580] =	vst v63  }
0xff: {  	s30 =	sadd.s32 $0x680, s16  }
0x100: {  	[spmem:s2] =	stream.indirect.scatter.add.f32 [tilespmem:s11], [sflag:$0x1], $0x1, s30, s10, $0xb8;
	[tilespmem:$0x5580] =	vst v63  }
0x101: {  	s31 =	sadd.s32 $0x700, s16  }
0x102: {  	[spmem:s2] =	stream.indirect.scatter.add.f32 [tilespmem:s11], [sflag:$0x1], $0x1, s31, s10, $0xb8;
	[tilespmem:$0x5580] =	vst v63  }
0x103: {  	s16 =	sadd.s32 $0x780, s16  }
0x104: {  	[spmem:s2] =	stream.indirect.scatter.add.f32 [tilespmem:s11], [sflag:$0x1], $0x1, s16, s10, $0xb8;
	[tilespmem:$0x5580] =	vst v63  }
0x105: {  	_ =	swait.ge [sflag:s12], $0x80  }
0x106: {  	[sflag:s12] =	ssyncset.done $0x0  }
0x107: {  	[sflag:s12] =	ssyncadd.s32 $0xFFFFFF80  }
0x108: {  	_ =	swait.ge [sflag:s12], $0x80  }
0x109: {  	[sflag:s12] =	ssyncset.done $0x0  }
0x10a: {  	[sflag:s12] =	ssyncadd.s32 $0xFFFFFF80  }
0x10b: {  	_ =	swait.ge [sflag:s12], $0x80  }
0x10c: {  	[sflag:s12] =	ssyncset.done $0x0  }
0x10d: {  	[sflag:s12] =	ssyncadd.s32 $0xFFFFFF80  }
0x10e: {  	_ =	swait.ge [sflag:s12], $0x80  }
0x10f: {  	[sflag:s12] =	ssyncset.done $0x0  }
0x110: {  	[sflag:s12] =	ssyncadd.s32 $0xFFFFFF80  }
0x111: {  	_ =	swait.ge [sflag:s12], $0x80  }
0x112: {  	[sflag:s12] =	ssyncset.done $0x0  }
0x113: {  	[sflag:s12] =	ssyncadd.s32 $0xFFFFFF80  }
0x114: {  	_ =	swait.ge [sflag:s12], $0x80  }
0x115: {  	[sflag:s12] =	ssyncset.done $0x0  }
0x116: {  	[sflag:s12] =	ssyncadd.s32 $0xFFFFFF80  }
0x117: {  	_ =	swait.ge [sflag:s12], $0x80  }
0x118: {  	[sflag:s12] =	ssyncset.done $0x0  }
0x119: {  	[sflag:s12] =	ssyncadd.s32 $0xFFFFFF80  }
0x11a: {  	_ =	swait.ge [sflag:s12], $0x80  }
0x11b: {  	[sflag:s12] =	ssyncset.done $0x0  }
0x11c: {  	[sflag:s12] =	ssyncadd.s32 $0xFFFFFF80  }
0x11d: {  	_ =	swait.ge [sflag:s12], $0x80  }
0x11e: {  	[sflag:s12] =	ssyncset.done $0x0  }
0x11f: {  	[sflag:s12] =	ssyncadd.s32 $0xFFFFFF80  }
0x120: {  	_ =	swait.ge [sflag:s12], $0x80  }
0x121: {  	[sflag:s12] =	ssyncset.done $0x0  }
0x122: {  	[sflag:s12] =	ssyncadd.s32 $0xFFFFFF80  }
0x123: {  	_ =	swait.ge [sflag:s12], $0x80  }
0x124: {  	[sflag:s12] =	ssyncset.done $0x0  }
0x125: {  	[sflag:s12] =	ssyncadd.s32 $0xFFFFFF80  }
0x126: {  	_ =	swait.ge [sflag:s12], $0x80  }
0x127: {  	[sflag:s12] =	ssyncset.done $0x0  }
0x128: {  	[sflag:s12] =	ssyncadd.s32 $0xFFFFFF80  }
0x129: {  	_ =	swait.ge [sflag:s12], $0x80  }
0x12a: {  	[sflag:s12] =	ssyncset.done $0x0  }
0x12b: {  	[sflag:s12] =	ssyncadd.s32 $0xFFFFFF80  }
0x12c: {  	_ =	swait.ge [sflag:s12], $0x80  }
0x12d: {  	[sflag:s12] =	ssyncset.done $0x0  }
0x12e: {  	[sflag:s12] =	ssyncadd.s32 $0xFFFFFF80  }
0x12f: {  	_ =	swait.ge [sflag:s12], $0x80  }
0x130: {  	[sflag:s12] =	ssyncset.done $0x0  }
0x131: {  	[sflag:s12] =	ssyncadd.s32 $0xFFFFFF80  }
0x132: {  	_ =	swait.ge [sflag:s12], $0x80  }
0x133: {  	s15 =	sadd.s32 $0x1, s15;
	[sflag:s12] =	ssyncset.done $0x0  }
0x134: {  	p0 =	sne.s32 s15, s7;
	[sflag:s12] =	ssyncadd.s32 $0xFFFFFF80  }
.Ltmp1:
0x135: {  	[bflag:$0x0] =	sbarrier.arrive $0xFFFF;
	(pc) =	sbr.rel @p0 .LBB2_1-.Ltmp1, $4  }
0x136: {  	[hbm:s6], [sflag:s13] =	dma.local [spmem:s14], $0x50  }
0x137: {  	_ =	swait.ge [sflag:s9], $0x50  }
0x138: {  	[sflag:s9] =	ssyncset.done $0x0  }
0x139: {  	[sflag:s9] =	ssyncadd.s32 $0xFFFFFFB0  }
0x13a: {  	_ =	sfence.sel $0x180000  }
0x13b: {  	[bflag:$0x0] =	sbarrier.arrive $0xFFFF  }
0x13c: {  	p0 =	sne.s32 s0, $0x0;
	_ =	strace $0x90000047  }
0x13d: {  	s0 =	sadd.s32 @!p0 $0x100000, s1;
	[bflag:$0x2] =	sbarrier.arrive $0xFFFF  }
0x13e: {  	[sflag:s0] =	ssyncadd.tile.s32 @!p0 $0x1;
	_ =	shalt  }
.Lfunc_end2:
_tile_overlayer_lowered:
.L_overlay_start_2:
0x13f: {  	(tag) =	ssettag $0x2  }
0x140: {  	s0 =	rddreg [dreg:$0x0];
	s2 =	stileid.u32  }
0x141: {  	s1 =	rddreg [dreg:$0x1];
	p0 =	sne.s32 s2, $0x0  }
0x142: {  	s3 =	rddreg [dreg:$0x2];
	[bflag:$0x3] =	sbarrier.arrive $0xFFFF;
	s2 =	simm.s32 @!p0 $0x1C02  }
0x143: {  	[timem:s3], [sflag:s2] =	dma.local @!p0 [hbm:s0], s1  }
0x144: {  	s0 =	simm.s32 @!p0 $0x2  }
0x145: {  	_ =	swait.ge @!p0 [sflag:s0], s1  }
0x146: {  	s1 =	ssub.s32 @!p0 $0x0, s1;
	[sflag:s0] =	ssyncset.done @!p0 $0x0  }
0x147: {  	[sflag:s0] =	ssyncadd.s32 @!p0 s1  }
0x148: {  	[bflag:$0x3] =	sbarrier.arrive $0xFFFF  }
0x149: {  	_ =	shalt  }

// kernel: kernel.9.cloned.1.call-start
scs
__scs_entry_jumppad:
0x0: {  	(pc) =	sbr.rel $0x88, $3  }
0x1: {  	(tag) =	ssettag $0x0;
	lr =	simm.s32 $0x1  }
0x2: {  	[smem:$0x3F95] =	sst lr;
	_ =	strace $0xD0000000  }
0x3: {  	_ = 	snop  }
0x4: {  	_ = 	snop  }
0x5: {  	_ = 	snop  }
0x6: {  	_ = 	snop  }
0x7: {  	_ = 	snop  }
__scs_overlays_trampoline_lowered:
0x8: {  	[smem:$0x3FA4] =	sst s0  }
0x9: {  	[smem:$0x3FA5] =	sst s1  }
0xa: {  	[smem:$0x3FA6] =	sst s2  }
0xb: {  	[smem:$0x3FA7] =	sst s3  }
0xc: {  	[smem:$0x3FA8] =	sst s4  }
0xd: {  	[smem:$0x3FA9] =	sst s5  }
0xe: {  	[smem:$0x3FAA] =	sst s6  }
0xf: {  	[smem:$0x3FAB] =	sst s7  }
0x10: {  	[smem:$0x3FAC] =	sst s8  }
0x11: {  	[smem:$0x3FAD] =	sst s9;
	s0 =	simm.s32 @!p0 $0x0  }
0x12: {  	s1 =	sld [smem:$0x3F93];
	s0 =	simm.s32 @p0 $0x1  }
0x13: {  	[smem:$0x3FAE] =	sst s0;
	s0 =	simm.s32 @!p1 $0x0  }
0x14: {  	s2 =	sld [smem:$0x3F92];
	s0 =	simm.s32 @p1 $0x1  }
0x15: {  	[smem:$0x3FAF] =	sst s0;
	s0 =	simm.s32 @!p2 $0x0  }
0x16: {  	s3 =	sld [smem:$0x3FDB];
	s0 =	simm.s32 @p2 $0x1  }
0x17: {  	s4 =	simm.s32 $0x1BF5;
	[smem:$0x3FB1] =	sst s0  }
0x18: {  	s0 =	sld [smem:$0x3F94];
	_ =	swait.ge [sflag:s4], $0x0  }
0x19: {  	s7 =	sld [smem:$0x3F95]  }
0x1a: {  	s8 =	sadd.s32 $0xFFFFE003, lr  }
0x1b: {  	s9 =	sadd.s32 $0xFFFFFEF7, lr;
	s5 =	simm.s32 $0xFFFFFFFF;
	p2 =	slt.u32 s8, $0xFFFFF086  }
0x1c: {  	p1 =	slt.u32 s9, $0xF7A;
	s5 =	simm.s32 @!p2 $0x0  }
0x1d: {  	s5 =	simm.s32 @p1 $0x1;
	p0 =	seq.s32 s7, s2  }
0x1e: {  	s7 =	smul.u32 @!p0 $0xF7A, s2;
	p2 =	seq.s32 @!p0 s5, $0x0  }
0x1f: {  	s9 =	smul.u32 $0xF7A, s1;
	s8 =	simm.s32 @!p0 $0x1BF5;
	p2 =	por !p2, p0  }
0x20: {  	[sflag:s8] =	ssyncset.s32 @!p0 $0xFFFFF086;
	s6 =	sadd.s32 @!p0 s3, s7;
	s7 =	simm.s32 @!p0 $0x108  }
0x21: {  	s3 =	sadd.s32 s3, s9;
	s6 =	sadd.s32 @!p0 $0x88, s6;
	s7 =	simm.s32 @p2 $0x1082  }
0x22: {  	[simem:s7], [sflag:s8] =	dma.local @!p0 [hbm:s6], $0xF7A  }
0x23: {  	s9 =	sor.u32 $0xD0000000, s2;
	s6 =	simm.s32 $0x108;
	_ =	swait.ge @!p0 [sflag:s8], $0x0  }
0x24: {  	s3 =	sadd.s32 $0x88, s3;
	s6 =	simm.s32 @!p1 $0x1082;
	[sflag:s4] =	ssyncset.s32 $0xFFFFF086  }
0x25: {  	[simem:s6], [sflag:s4] =	dma.local [hbm:s3], $0xF7A  }
0x26: {  	[smem:$0x3F95] =	sst s1;
	(tag) =	ssettag s2;
	_ =	strace s9  }
0x27: {  	s1 =	sld [smem:$0x3FA5]  }
0x28: {  	s2 =	sld [smem:$0x3FA6]  }
0x29: {  	s4 =	sld [smem:$0x3FA8]  }
0x2a: {  	p0 =	seq.s32 s5, $0x0;
	s5 =	sld [smem:$0x3FA9]  }
0x2b: {  	s6 =	sld [smem:$0x3FAA]  }
0x2c: {  	s7 =	sld [smem:$0x3FAB]  }
0x2d: {  	s3 =	simm.s32 $0x108;
	s8 =	sld [smem:$0x3FAC]  }
0x2e: {  	s3 =	simm.s32 @!p0 $0x1082;
	s9 =	sld [smem:$0x3FAD]  }
0x2f: {  	lr =	sadd.s32 s0, s3;
	s0 =	sld [smem:$0x3FA4]  }
0x30: {  	s3 =	sld [smem:$0x3FA7]  }
0x31: {  	[smem:$0x3FB0] =	sst s10  }
0x32: {  	s10 =	sld [smem:$0x3FAE];
	_ =	sdelay $0x3  }
0x33: {  	p0 =	seq.s32 s10, $0x1;
	s10 =	sld [smem:$0x3FB0];
	_ =	sdelay $0x3  }
0x34: {  	[smem:$0x3FB0] =	sst s10  }
0x35: {  	s10 =	sld [smem:$0x3FAF];
	_ =	sdelay $0x3  }
0x36: {  	p1 =	seq.s32 s10, $0x1;
	s10 =	sld [smem:$0x3FB0];
	_ =	sdelay $0x3  }
0x37: {  	[smem:$0x3FB0] =	sst s10  }
0x38: {  	s10 =	sld [smem:$0x3FB1]  }
0x39: {  	_ = 	snop;
	(pc) =	sbr.ind lr, $3  }
0x3a: {  	_ = 	snop  }
0x3b: {  	_ = 	snop  }
0x3c: {  	p2 =	seq.s32 s10, $0x1;
	s10 =	sld [smem:$0x3FB0]  }
0x3d: {  	_ =	shalt  }
0x3e: {  	_ =	shalt  }
0x3f: {  	_ =	shalt  }
0x40: {  	_ =	shalt  }
0x41: {  	_ =	shalt  }
0x42: {  	_ =	shalt  }
0x43: {  	_ =	shalt  }
0x44: {  	_ =	shalt  }
0x45: {  	_ =	shalt  }
0x46: {  	_ =	shalt  }
0x47: {  	_ =	shalt  }
0x48: {  	_ =	shalt  }
0x49: {  	_ =	shalt  }
0x4a: {  	_ =	shalt  }
0x4b: {  	_ =	shalt  }
0x4c: {  	_ =	shalt  }
0x4d: {  	_ =	shalt  }
0x4e: {  	_ =	shalt  }
0x4f: {  	_ =	shalt  }
0x50: {  	_ =	shalt  }
0x51: {  	_ =	shalt  }
0x52: {  	_ =	shalt  }
0x53: {  	_ =	shalt  }
0x54: {  	_ =	shalt  }
0x55: {  	_ =	shalt  }
0x56: {  	_ =	shalt  }
0x57: {  	_ =	shalt  }
0x58: {  	_ =	shalt  }
0x59: {  	_ =	shalt  }
0x5a: {  	_ =	shalt  }
0x5b: {  	_ =	shalt  }
0x5c: {  	_ =	shalt  }
0x5d: {  	_ =	shalt  }
0x5e: {  	_ =	shalt  }
0x5f: {  	_ =	shalt  }
0x60: {  	_ =	shalt  }
0x61: {  	_ =	shalt  }
0x62: {  	_ =	shalt  }
0x63: {  	_ =	shalt  }
0x64: {  	_ =	shalt  }
0x65: {  	_ =	shalt  }
0x66: {  	_ =	shalt  }
0x67: {  	_ =	shalt  }
0x68: {  	_ =	shalt  }
0x69: {  	_ =	shalt  }
0x6a: {  	_ =	shalt  }
0x6b: {  	_ =	shalt  }
0x6c: {  	_ =	shalt  }
0x6d: {  	_ =	shalt  }
0x6e: {  	_ =	shalt  }
0x6f: {  	_ =	shalt  }
0x70: {  	_ =	shalt  }
0x71: {  	_ =	shalt  }
0x72: {  	_ =	shalt  }
0x73: {  	_ =	shalt  }
0x74: {  	_ =	shalt  }
0x75: {  	_ =	shalt  }
0x76: {  	_ =	shalt  }
0x77: {  	_ =	shalt  }
0x78: {  	_ =	shalt  }
0x79: {  	_ =	shalt  }
0x7a: {  	_ =	shalt  }
0x7b: {  	_ =	shalt  }
0x7c: {  	_ =	shalt  }
0x7d: {  	_ =	shalt  }
0x7e: {  	_ =	shalt  }
0x7f: {  	_ =	shalt  }
0x80: {  	_ =	shalt  }
0x81: {  	_ =	shalt  }
0x82: {  	_ =	shalt  }
0x83: {  	_ =	shalt  }
0x84: {  	_ =	shalt  }
0x85: {  	_ =	shalt  }
0x86: {  	_ =	shalt  }
0x87: {  	_ =	shalt  }
.Lfunc_end0:
.L_simem_size_0:
called_computation.1_lowered:
.L_overlay_start_0:
0x88: {  	s2 =	sld [smem:$0x3FD9]  }
0x89: {  	s3 =	sld [smem:$0x3FFE];
	_ =	sdelay $0x1  }
0x8a: {  	s1 =	srdreg.scid  }
0x8b: {  	s0 =	sand.u32 $0x1, s1  }
0x8c: {  	s17 =	sshll.u32 s0, $0xA;
	s2 =	sadd.s32 s3, s2  }
0x8d: {  	s2 =	sadd.s32 s2, s17  }
0x8e: {  	[smem:$0x3FBC] =	sst s2  }
0x8f: {  	_ = 	snop  }
0x90: {  	s2 =	sld [smem:$0x3FD0];
	(tm) =	ssettm $0x1  }
0x91: {  	s18 =	sld [smem:$0x3FFB];
	_ =	sdelay $0x3  }
0x92: {  	_ =	strace s18  }
0x93: {  	s3 =	sld [smem:$0x3FFC];
	_ =	sdelay $0x3  }
0x94: {  	_ =	strace s3  }
0x95: {  	s3 =	sld [smem:$0x3FFD];
	_ =	sdelay $0x3  }
0x96: {  	_ =	strace s3  }
0x97: {  	_ =	strace $0x8FFFFFFF  }
0x98: {  	s19 =	sld [smem:$0x3FDB];
	_ =	sdelay $0x1  }
0x99: {  	s4 =	simm.s32 $_scs_section_size  }
0x9a: {  	s5 =	simm.s32 $_size__tile_overlayer_lowered;
	s6 =	simm.s32 $_tile_overlayer_lowered  }
0x9b: {  	s22 =	simm.s32 $0x1BFF;
	s21 =	sshll.u32 s6, $0x1;
	s3 =	sadd.s32 s4, s19  }
0x9c: {  	s7 =	simm.s32 $0x0;
	s20 =	sshll.u32 s5, $0x1;
	s5 =	sadd.s32 s21, s3  }
0x9d: {  	[timem:s7], [sflag:s22] =	dma.local [hbm:s5], s20  }
0x9e: {  	_ =	swait.ge [sflag:s22], s20  }
0x9f: {  	s4 =	ssub.s32 $0x0, s20;
	[sflag:s22] =	ssyncset.done $0x0  }
0xa0: {  	[sflag:s22] =	ssyncadd.s32 s4;
	_ =	sdelay $0x1  }
0xa1: {  	s23 =	simm.s32 $0x1B8B  }
0xa2: {  	_ =	swait.ge [sflag:s23], $0x1  }
0xa3: {  	[sflag:s23] =	ssyncset.done $0x0  }
0xa4: {  	s25 =	simm.s32 $0x1B8E;
	s24 =	sld [smem:$0x3FFE];
	[sflag:s23] =	ssyncadd.s32 $0xFFFFFFFF  }
0xa5: {  	s26 =	simm.s32 $execute0_lowered;
	[smem:$0x3FD2] =	sst s25  }
0xa6: {  	s5 =	sshll.u32 s26, $0x1;
	_ =	strace $0x80000049;
	[dreg:$0x1] =	wrdreg $0xFFFFFFFF  }
0xa7: {  	s28 =	simm.s32 $_size_execute0_lowered;
	s3 =	sadd.s32 s3, s5;
	[dreg:$0x0] =	wrdreg $0x0  }
0xa8: {  	s5 =	sshll.u32 s28, $0x1;
	[dreg:$0x2] =	wrdreg s3  }
0xa9: {  	[dreg:$0x3] =	wrdreg s5  }
0xaa: {  	[dreg:$0x4] =	wrdreg $0xC0  }
0xab: {  	_ =	task [dreg:s7], $0x5FFFF  }
0xac: {  	[dreg:$0x1] =	wrdreg $0xFFFFFFFF  }
0xad: {  	[dreg:$0x0] =	wrdreg $0x60  }
0xae: {  	[dreg:$0x2] =	wrdreg s24  }
0xaf: {  	[dreg:$0x3] =	wrdreg s2  }
0xb0: {  	[dreg:$0x4] =	wrdreg $0x90000  }
0xb1: {  	[dreg:$0x5] =	wrdreg $0x9  }
0xb2: {  	_ =	task.clear_ibuf [dreg:s7], $0x6FFFF;
	_ =	strace $0x90000049  }
0xb3: {  	s29 =	simm.s32 $0x9;
	_ =	strace $0x8000004B  }
0xb4: {  	_ =	swait.ge [sflag:s29], $0x1  }
0xb5: {  	[sflag:s29] =	ssyncadd.s32 $0xFFFFFFFF  }
0xb6: {  	_ =	strace $0x9000004B  }
0xb7: {  	_ =	sfence  }
0xb8: {  	s30 =	sld [smem:$0x0];
	_ =	sdelay $0x2  }
0xb9: {  	s31 =	sshll.u32 s1, $0xD;
	s1 =	sshrl.u32 s1, $0x2  }
0xba: {  	s3 =	sand.u32 $0x4000, s31;
	s1 =	sadd.s32 s1, s30  }
0xbb: {  	s0 =	sor.u32 s3, s0;
	s1 =	sshll.u32 s1, $0x11  }
0xbc: {  	s0 =	sor.u32 s1, s0  }
0xbd: {  	s0 =	sadd.s32 $0x8F2B, s0  }
0xbe: {  	[sflag:s0] =	ssyncadd.remote.s32 $0x1  }
0xbf: {  	_ =	sfence.sel $0xFFFF  }
0xc0: {  	[dreg:$0x0] =	wrdreg $0xFFFFFFFF;
	(pc) =	sbr.abs _section_cstart, $3  }
0xc1: {  	[dreg:$0x1] =	wrdreg $0xFFFFFFFF  }
0xc2: {  	_ =	task.clear_ibuf [dreg:s7], $0x2FFFF;
	_ =	strace $0x9FFFFFFF  }
0xc3: {  	(tm) =	ssettm $0x7FFFFFFF  }
tec
execute0_lowered:
.L_overlay_start_1:
0x0: {  	(tag) =	ssettag $0x1  }
0x1: {  	s0 =	rddreg [dreg:$0x0]  }
0x2: {  	s1 =	srdreg.scid;
	s5 =	rddreg [dreg:$0x1]  }
0x3: {  	s2 =	rddreg [dreg:$0x2];
	s3 =	simm.s32 $0x0;
	s11 =	stileid.u32  }
0x4: {  	s14 =	simm.s32 $0x100;
	s15 =	simm.s32 $0x880;
	s17 =	simm.s32 $0x180  }
0x5: {  	s18 =	simm.s32 $0x900;
	s19 =	simm.s32 $0x200;
	[smem:$0x7FF] =	sst s3  }
0x6: {  	s20 =	simm.s32 $0x980;
	_ =	strace $0x8000004A;
	[dreg:$0x5] =	wrdreg s14  }
0x7: {  	s21 =	simm.s32 $0x280;
	s22 =	simm.s32 $0xA00;
	[dreg:$0x6] =	wrdreg s15  }
0x8: {  	s23 =	simm.s32 $0x300;
	s24 =	simm.s32 $0xA80;
	[dreg:$0x7] =	wrdreg s17  }
0x9: {  	s25 =	simm.s32 $0x380;
	s26 =	simm.s32 $0xB00;
	[dreg:$0x8] =	wrdreg s18  }
0xa: {  	s28 =	simm.s32 $0x680;
	s29 =	simm.s32 $0xE00;
	[dreg:$0x9] =	wrdreg s19  }
0xb: {  	s30 =	simm.s32 $0x700;
	s7 =	smul.u32 $0x14000, s11;
	[dreg:$0xa] =	wrdreg s20  }
0xc: {  	s31 =	simm.s32 $0xE80;
	s8 =	smul.u32 $0x50000, s11;
	[dreg:$0xb] =	wrdreg s21  }
0xd: {  	s1 =	sand.u32 $0x1, s1;
	s10 =	smul.u32 $0xA00, s11;
	[dreg:$0xc] =	wrdreg s22  }
0xe: {  	s16 =	sshll.u32 s11, $0x6;
	s11 =	simm.s32 $0x800;
	[dreg:$0xd] =	wrdreg s23  }
0xf: {  	s4 =	smul.u32 $0x140000, s1;
	s1 =	ssub.s32 $0x2, s1;
	[dreg:$0xe] =	wrdreg s24  }
0x10: {  	s14 =	simm.s32 $0x5000;
	[dreg:$0xf] =	wrdreg s25;
	s15 =	simm.s32 $0x1  }
0x11: {  	[dreg:$0x10] =	wrdreg s26;
	s17 =	simm.s32 $0x400;
	s18 =	simm.s32 $0xB80  }
0x12: {  	s19 =	simm.s32 $0x480;
	s20 =	simm.s32 $0xC00;
	s21 =	simm.s32 $0x500  }
0x13: {  	s22 =	simm.s32 $0xC80;
	s23 =	simm.s32 $0x580;
	s24 =	simm.s32 $0xD00  }
0x14: {  	s25 =	simm.s32 $0x600;
	s26 =	simm.s32 $0xD80;
	s9 =	sshrl.u32 s1, $0x1  }
0x15: {  	s12 =	sshrl.u32 s8, $0x2;
	s5 =	sadd.s32 s10, s5;
	s13 =	sshrl.u32 s7, $0x3  }
0x16: {  	s10 =	simm.s32 $0x3;
	s6 =	sshrl.u32 s4, $0x3;
	s4 =	sadd.s32 s7, s4  }
0x17: {  	s1 =	ssub.s32 s1, s9;
	s8 =	sadd.s32 s12, s2;
	[dreg:$0x4] =	wrdreg s5  }
0x18: {  	s9 =	sor.u32 $0x1C03, s16;
	s12 =	simm.s32 $0x80;
	s16 =	simm.s32 $0x2  }
0x19: {  	s5 =	simm.s32 $0xF80;
	s6 =	sadd.s32 s6, s0;
	s4 =	sshrl.u32 s4, $0x3  }
0x1a: {  	s1 =	smax.u32 s1, $0x1;
	s8 =	sshrl.u32 s8, $0x3;
	[dreg:$0x12] =	wrdreg s9  }
0x1b: {  	s0 =	sadd.s32 s4, s0;
	s4 =	sadd.s32 $0x2E00, s6;
	[dreg:$0x14] =	wrdreg s1  }
0x1c: {  	s7 =	simm.s32 $0x0;
	[dreg:$0x15] =	wrdreg s8;
	s6 =	sadd.s32 s13, s4  }
0x1d: {  	s1 =	simm.s32 $0xF00;
	s0 =	sadd.s32 $0x52E00, s0;
	[dreg:$0x11] =	wrdreg s6  }
0x1e: {  	s13 =	simm.s32 $0x1000;
	[dreg:$0x13] =	wrdreg s0;
	s0 =	simm.s32 $0x780  }
.LBB2_1:
0x1f: {  	s6 =	rddreg [dreg:$0x11]  }
0x20: {  	[spmem:s8], [sflag:s9] =	dma.local [hbm:s6], $0x2800  }
0x21: {  	_ =	swait.ge [sflag:s10], $0x2800  }
0x22: {  	[sflag:s10] =	ssyncset.done $0x0  }
0x23: {  	[sflag:s10] =	ssyncadd.s32 $0xFFFFD800  }
0x24: {  	[bflag:$0x0] =	sbarrier.arrive $0xFFFF  }
0x25: {  	s9 =	rddreg [dreg:$0x4]  }
0x26: {  	s8 =	sadd.s32 $0x0, s9  }
0x27: {  	[tilespmem:s3], [sflag:$0x3] =	stream.linear.gather [hbm4b:s8+s3], $0x800, $0x38;
	[tilespmem:$0x1D000] =	vst v63  }
0x28: {  	_ =	swait.ge [sflag:s10], $0x800  }
0x29: {  	[sflag:s10] =	ssyncset.done $0x0  }
0x2a: {  	s8 =	sadd.s32 $0xA000, s8;
	[sflag:s10] =	ssyncadd.s32 $0xFFFFF800  }
0x2b: {  	[tilespmem:s11], [sflag:$0x3] =	stream.linear.gather [hbm4b:s8+s3], $0x800, $0x38;
	[tilespmem:$0x1D000] =	vst v63  }
0x2c: {  	_ =	swait.ge [sflag:s10], $0x800  }
0x2d: {  	[sflag:s10] =	ssyncset.done $0x0  }
0x2e: {  	[sflag:s10] =	ssyncadd.s32 $0xFFFFF800  }
0x2f: {  	[tilespmem:s13], [sflag:$0x1] =	stream.indirect.gather [hbm4b:s4+s12], $0x80, s3, s12, $0xb8;
	[tilespmem:$0x1D000] =	vst v63  }
0x30: {  	_ = 	snop  }
0x31: {  	[tilespmem:s14], [sflag:$0x2] =	stream.indirect.gather [hbm4b:s4+s12], $0x80, s12, s12, $0xb8;
	[tilespmem:$0x1D000] =	vst v63  }
0x32: {  	_ =	swait.ge [sflag:s15], $0x4000  }
0x33: {  	[sflag:s15] =	ssyncset.done $0x0  }
0x34: {  	[sflag:s15] =	ssyncadd.s32 $0xFFFFC000  }
0x35: {  	[spmem:s2] =	stream.indirect.scatter.add.f32 [tilespmem:s13], [sflag:$0x3], $0x80, s11, s12, $0xb8;
	[tilespmem:$0x1D000] =	vst v63  }
0x36: {  	_ =	swait.ge [sflag:s10], $0x4000  }
0x37: {  	[sflag:s10] =	ssyncset.done $0x0  }
0x38: {  	s6 =	rddreg [dreg:$0x5];
	[sflag:s10] =	ssyncadd.s32 $0xFFFFC000  }
0x39: {  	[tilespmem:s13], [sflag:$0x1] =	stream.indirect.gather [hbm4b:s4+s12], $0x80, s6, s12, $0xb8;
	[tilespmem:$0x1D000] =	vst v63  }
0x3a: {  	_ =	swait.ge [sflag:s16], $0x4000  }
0x3b: {  	[sflag:s16] =	ssyncset.done $0x0  }
0x3c: {  	s9 =	rddreg [dreg:$0x6];
	[sflag:s16] =	ssyncadd.s32 $0xFFFFC000  }
0x3d: {  	[spmem:s2] =	stream.indirect.scatter.add.f32 [tilespmem:s14], [sflag:$0x3], $0x80, s9, s12, $0xb8;
	[tilespmem:$0x1D000] =	vst v63  }
0x3e: {  	_ =	swait.ge [sflag:s10], $0x4000  }
0x3f: {  	[sflag:s10] =	ssyncset.done $0x0  }
0x40: {  	s6 =	rddreg [dreg:$0x7];
	[sflag:s10] =	ssyncadd.s32 $0xFFFFC000  }
0x41: {  	[tilespmem:s14], [sflag:$0x2] =	stream.indirect.gather [hbm4b:s4+s12], $0x80, s6, s12, $0xb8;
	[tilespmem:$0x1D000] =	vst v63  }
0x42: {  	_ =	swait.ge [sflag:s15], $0x4000  }
0x43: {  	[sflag:s15] =	ssyncset.done $0x0  }
0x44: {  	s9 =	rddreg [dreg:$0x8];
	[sflag:s15] =	ssyncadd.s32 $0xFFFFC000  }
0x45: {  	[spmem:s2] =	stream.indirect.scatter.add.f32 [tilespmem:s13], [sflag:$0x3], $0x80, s9, s12, $0xb8;
	[tilespmem:$0x1D000] =	vst v63  }
0x46: {  	_ =	swait.ge [sflag:s10], $0x4000  }
0x47: {  	[sflag:s10] =	ssyncset.done $0x0  }
0x48: {  	s6 =	rddreg [dreg:$0x9];
	[sflag:s10] =	ssyncadd.s32 $0xFFFFC000  }
0x49: {  	[tilespmem:s13], [sflag:$0x1] =	stream.indirect.gather [hbm4b:s4+s12], $0x80, s6, s12, $0xb8;
	[tilespmem:$0x1D000] =	vst v63  }
0x4a: {  	_ =	swait.ge [sflag:s16], $0x4000  }
0x4b: {  	[sflag:s16] =	ssyncset.done $0x0  }
0x4c: {  	s9 =	rddreg [dreg:$0xa];
	[sflag:s16] =	ssyncadd.s32 $0xFFFFC000  }
0x4d: {  	[spmem:s2] =	stream.indirect.scatter.add.f32 [tilespmem:s14], [sflag:$0x3], $0x80, s9, s12, $0xb8;
	[tilespmem:$0x1D000] =	vst v63  }
0x4e: {  	_ =	swait.ge [sflag:s10], $0x4000  }
0x4f: {  	[sflag:s10] =	ssyncset.done $0x0  }
0x50: {  	s6 =	rddreg [dreg:$0xb];
	[sflag:s10] =	ssyncadd.s32 $0xFFFFC000  }
0x51: {  	[tilespmem:s14], [sflag:$0x2] =	stream.indirect.gather [hbm4b:s4+s12], $0x80, s6, s12, $0xb8;
	[tilespmem:$0x1D000] =	vst v63  }
0x52: {  	_ =	swait.ge [sflag:s15], $0x4000  }
0x53: {  	[sflag:s15] =	ssyncset.done $0x0  }
0x54: {  	s9 =	rddreg [dreg:$0xc];
	[sflag:s15] =	ssyncadd.s32 $0xFFFFC000  }
0x55: {  	[spmem:s2] =	stream.indirect.scatter.add.f32 [tilespmem:s13], [sflag:$0x3], $0x80, s9, s12, $0xb8;
	[tilespmem:$0x1D000] =	vst v63  }
0x56: {  	_ =	swait.ge [sflag:s10], $0x4000  }
0x57: {  	[sflag:s10] =	ssyncset.done $0x0  }
0x58: {  	s6 =	rddreg [dreg:$0xd];
	[sflag:s10] =	ssyncadd.s32 $0xFFFFC000  }
0x59: {  	[tilespmem:s13], [sflag:$0x1] =	stream.indirect.gather [hbm4b:s4+s12], $0x80, s6, s12, $0xb8;
	[tilespmem:$0x1D000] =	vst v63  }
0x5a: {  	_ =	swait.ge [sflag:s16], $0x4000  }
0x5b: {  	[sflag:s16] =	ssyncset.done $0x0  }
0x5c: {  	s9 =	rddreg [dreg:$0xe];
	[sflag:s16] =	ssyncadd.s32 $0xFFFFC000  }
0x5d: {  	[spmem:s2] =	stream.indirect.scatter.add.f32 [tilespmem:s14], [sflag:$0x3], $0x80, s9, s12, $0xb8;
	[tilespmem:$0x1D000] =	vst v63  }
0x5e: {  	_ =	swait.ge [sflag:s10], $0x4000  }
0x5f: {  	[sflag:s10] =	ssyncset.done $0x0  }
0x60: {  	s6 =	rddreg [dreg:$0xf];
	[sflag:s10] =	ssyncadd.s32 $0xFFFFC000  }
0x61: {  	[tilespmem:s14], [sflag:$0x2] =	stream.indirect.gather [hbm4b:s4+s12], $0x80, s6, s12, $0xb8;
	[tilespmem:$0x1D000] =	vst v63  }
0x62: {  	_ =	swait.ge [sflag:s15], $0x4000  }
0x63: {  	[sflag:s15] =	ssyncset.done $0x0  }
0x64: {  	s9 =	rddreg [dreg:$0x10];
	[sflag:s15] =	ssyncadd.s32 $0xFFFFC000  }
0x65: {  	[spmem:s2] =	stream.indirect.scatter.add.f32 [tilespmem:s13], [sflag:$0x3], $0x80, s9, s12, $0xb8;
	[tilespmem:$0x1D000] =	vst v63  }
0x66: {  	_ =	swait.ge [sflag:s10], $0x4000  }
0x67: {  	[sflag:s10] =	ssyncset.done $0x0  }
0x68: {  	[sflag:s10] =	ssyncadd.s32 $0xFFFFC000  }
0x69: {  	[tilespmem:s13], [sflag:$0x1] =	stream.indirect.gather [hbm4b:s4+s12], $0x80, s17, s12, $0xb8;
	[tilespmem:$0x1D000] =	vst v63  }
0x6a: {  	_ =	swait.ge [sflag:s16], $0x4000  }
0x6b: {  	[sflag:s16] =	ssyncset.done $0x0  }
0x6c: {  	[sflag:s16] =	ssyncadd.s32 $0xFFFFC000  }
0x6d: {  	[spmem:s2] =	stream.indirect.scatter.add.f32 [tilespmem:s14], [sflag:$0x3], $0x80, s18, s12, $0xb8;
	[tilespmem:$0x1D000] =	vst v63  }
0x6e: {  	_ =	swait.ge [sflag:s10], $0x4000  }
0x6f: {  	[sflag:s10] =	ssyncset.done $0x0  }
0x70: {  	[sflag:s10] =	ssyncadd.s32 $0xFFFFC000  }
0x71: {  	[tilespmem:s14], [sflag:$0x2] =	stream.indirect.gather [hbm4b:s4+s12], $0x80, s19, s12, $0xb8;
	[tilespmem:$0x1D000] =	vst v63  }
0x72: {  	_ =	swait.ge [sflag:s15], $0x4000  }
0x73: {  	[sflag:s15] =	ssyncset.done $0x0  }
0x74: {  	[sflag:s15] =	ssyncadd.s32 $0xFFFFC000  }
0x75: {  	[spmem:s2] =	stream.indirect.scatter.add.f32 [tilespmem:s13], [sflag:$0x3], $0x80, s20, s12, $0xb8;
	[tilespmem:$0x1D000] =	vst v63  }
0x76: {  	_ =	swait.ge [sflag:s10], $0x4000  }
0x77: {  	[sflag:s10] =	ssyncset.done $0x0  }
0x78: {  	[sflag:s10] =	ssyncadd.s32 $0xFFFFC000  }
0x79: {  	[tilespmem:s13], [sflag:$0x1] =	stream.indirect.gather [hbm4b:s4+s12], $0x80, s21, s12, $0xb8;
	[tilespmem:$0x1D000] =	vst v63  }
0x7a: {  	_ =	swait.ge [sflag:s16], $0x4000  }
0x7b: {  	[sflag:s16] =	ssyncset.done $0x0  }
0x7c: {  	[sflag:s16] =	ssyncadd.s32 $0xFFFFC000  }
0x7d: {  	[spmem:s2] =	stream.indirect.scatter.add.f32 [tilespmem:s14], [sflag:$0x3], $0x80, s22, s12, $0xb8;
	[tilespmem:$0x1D000] =	vst v63  }
0x7e: {  	_ =	swait.ge [sflag:s10], $0x4000  }
0x7f: {  	[sflag:s10] =	ssyncset.done $0x0  }
0x80: {  	[sflag:s10] =	ssyncadd.s32 $0xFFFFC000  }
0x81: {  	[tilespmem:s14], [sflag:$0x2] =	stream.indirect.gather [hbm4b:s4+s12], $0x80, s23, s12, $0xb8;
	[tilespmem:$0x1D000] =	vst v63  }
0x82: {  	_ =	swait.ge [sflag:s15], $0x4000  }
0x83: {  	[sflag:s15] =	ssyncset.done $0x0  }
0x84: {  	[sflag:s15] =	ssyncadd.s32 $0xFFFFC000  }
0x85: {  	[spmem:s2] =	stream.indirect.scatter.add.f32 [tilespmem:s13], [sflag:$0x3], $0x80, s24, s12, $0xb8;
	[tilespmem:$0x1D000] =	vst v63  }
0x86: {  	_ =	swait.ge [sflag:s10], $0x4000  }
0x87: {  	[sflag:s10] =	ssyncset.done $0x0  }
0x88: {  	[sflag:s10] =	ssyncadd.s32 $0xFFFFC000  }
0x89: {  	[tilespmem:s13], [sflag:$0x1] =	stream.indirect.gather [hbm4b:s4+s12], $0x80, s25, s12, $0xb8;
	[tilespmem:$0x1D000] =	vst v63  }
0x8a: {  	_ =	swait.ge [sflag:s16], $0x4000  }
0x8b: {  	[sflag:s16] =	ssyncset.done $0x0  }
0x8c: {  	[sflag:s16] =	ssyncadd.s32 $0xFFFFC000  }
0x8d: {  	[spmem:s2] =	stream.indirect.scatter.add.f32 [tilespmem:s14], [sflag:$0x3], $0x80, s26, s12, $0xb8;
	[tilespmem:$0x1D000] =	vst v63  }
0x8e: {  	_ =	swait.ge [sflag:s10], $0x4000  }
0x8f: {  	[sflag:s10] =	ssyncset.done $0x0  }
0x90: {  	[sflag:s10] =	ssyncadd.s32 $0xFFFFC000  }
0x91: {  	[tilespmem:s14], [sflag:$0x2] =	stream.indirect.gather [hbm4b:s4+s12], $0x80, s28, s12, $0xb8;
	[tilespmem:$0x1D000] =	vst v63  }
0x92: {  	_ =	swait.ge [sflag:s15], $0x4000  }
0x93: {  	[sflag:s15] =	ssyncset.done $0x0  }
0x94: {  	[sflag:s15] =	ssyncadd.s32 $0xFFFFC000  }
0x95: {  	[spmem:s2] =	stream.indirect.scatter.add.f32 [tilespmem:s13], [sflag:$0x3], $0x80, s29, s12, $0xb8;
	[tilespmem:$0x1D000] =	vst v63  }
0x96: {  	_ =	swait.ge [sflag:s10], $0x4000  }
0x97: {  	[sflag:s10] =	ssyncset.done $0x0  }
0x98: {  	[sflag:s10] =	ssyncadd.s32 $0xFFFFC000  }
0x99: {  	[tilespmem:s13], [sflag:$0x1] =	stream.indirect.gather [hbm4b:s4+s12], $0x80, s30, s12, $0xb8;
	[tilespmem:$0x1D000] =	vst v63  }
0x9a: {  	_ =	swait.ge [sflag:s16], $0x4000  }
0x9b: {  	[sflag:s16] =	ssyncset.done $0x0  }
0x9c: {  	[sflag:s16] =	ssyncadd.s32 $0xFFFFC000  }
0x9d: {  	[spmem:s2] =	stream.indirect.scatter.add.f32 [tilespmem:s14], [sflag:$0x3], $0x80, s31, s12, $0xb8;
	[tilespmem:$0x1D000] =	vst v63  }
0x9e: {  	_ =	swait.ge [sflag:s10], $0x4000  }
0x9f: {  	[sflag:s10] =	ssyncset.done $0x0  }
0xa0: {  	[sflag:s10] =	ssyncadd.s32 $0xFFFFC000  }
0xa1: {  	[tilespmem:s14], [sflag:$0x2] =	stream.indirect.gather [hbm4b:s4+s12], $0x80, s0, s12, $0xb8;
	[tilespmem:$0x1D000] =	vst v63  }
0xa2: {  	_ =	swait.ge [sflag:s15], $0x4000  }
0xa3: {  	[sflag:s15] =	ssyncset.done $0x0  }
0xa4: {  	[sflag:s15] =	ssyncadd.s32 $0xFFFFC000  }
0xa5: {  	[spmem:s2] =	stream.indirect.scatter.add.f32 [tilespmem:s13], [sflag:$0x3], $0x80, s1, s12, $0xb8;
	[tilespmem:$0x1D000] =	vst v63  }
0xa6: {  	_ =	swait.ge [sflag:s10], $0x4000  }
0xa7: {  	[sflag:s10] =	ssyncset.done $0x0  }
0xa8: {  	[sflag:s10] =	ssyncadd.s32 $0xFFFFC000  }
0xa9: {  	_ =	swait.ge [sflag:s16], $0x4000  }
0xaa: {  	[sflag:s16] =	ssyncset.done $0x0  }
0xab: {  	[sflag:s16] =	ssyncadd.s32 $0xFFFFC000  }
0xac: {  	[spmem:s2] =	stream.indirect.scatter.add.f32 [tilespmem:s14], [sflag:$0x3], $0x80, s5, s12, $0xb8;
	[tilespmem:$0x1D000] =	vst v63  }
0xad: {  	s8 =	simm.s32 $0x100;
	_ =	swait.ge [sflag:s10], $0x4000  }
.LBB2_2:
0xae: {  	s6 =	rddreg [dreg:$0x4];
	s9 =	smov.u32 s8;
	[sflag:s10] =	ssyncset.done $0x0  }
0xaf: {  	s6 =	sadd.s32 s9, s6;
	[sflag:s10] =	ssyncadd.s32 $0xFFFFC000  }
0xb0: {  	[tilespmem:s3], [sflag:$0x3] =	stream.linear.gather [hbm4b:s6+s3], $0x800, $0x38;
	[tilespmem:$0x1D000] =	vst v63  }
0xb1: {  	_ =	swait.ge [sflag:s10], $0x800  }
0xb2: {  	[sflag:s10] =	ssyncset.done $0x0  }
0xb3: {  	s6 =	sadd.s32 $0xA000, s6;
	[sflag:s10] =	ssyncadd.s32 $0xFFFFF800  }
0xb4: {  	[tilespmem:s11], [sflag:$0x3] =	stream.linear.gather [hbm4b:s6+s3], $0x800, $0x38;
	[tilespmem:$0x1D000] =	vst v63  }
0xb5: {  	_ =	swait.ge [sflag:s10], $0x800  }
0xb6: {  	[sflag:s10] =	ssyncset.done $0x0  }
0xb7: {  	[sflag:s10] =	ssyncadd.s32 $0xFFFFF800  }
0xb8: {  	[tilespmem:s13], [sflag:$0x1] =	stream.indirect.gather [hbm4b:s4+s12], $0x80, s3, s12, $0xb8;
	[tilespmem:$0x1D000] =	vst v63  }
0xb9: {  	_ = 	snop  }
0xba: {  	[tilespmem:s14], [sflag:$0x2] =	stream.indirect.gather [hbm4b:s4+s12], $0x80, s12, s12, $0xb8;
	[tilespmem:$0x1D000] =	vst v63  }
0xbb: {  	_ =	swait.ge [sflag:s15], $0x4000  }
0xbc: {  	[sflag:s15] =	ssyncset.done $0x0  }
0xbd: {  	[sflag:s15] =	ssyncadd.s32 $0xFFFFC000  }
0xbe: {  	[spmem:s2] =	stream.indirect.scatter.add.f32 [tilespmem:s13], [sflag:$0x3], $0x80, s11, s12, $0xb8;
	[tilespmem:$0x1D000] =	vst v63  }
0xbf: {  	_ =	swait.ge [sflag:s10], $0x4000  }
0xc0: {  	[sflag:s10] =	ssyncset.done $0x0  }
0xc1: {  	s9 =	rddreg [dreg:$0x5];
	[sflag:s10] =	ssyncadd.s32 $0xFFFFC000  }
0xc2: {  	[tilespmem:s13], [sflag:$0x1] =	stream.indirect.gather [hbm4b:s4+s12], $0x80, s9, s12, $0xb8;
	[tilespmem:$0x1D000] =	vst v63  }
0xc3: {  	_ =	swait.ge [sflag:s16], $0x4000  }
0xc4: {  	[sflag:s16] =	ssyncset.done $0x0  }
0xc5: {  	s9 =	rddreg [dreg:$0x6];
	[sflag:s16] =	ssyncadd.s32 $0xFFFFC000  }
0xc6: {  	[spmem:s2] =	stream.indirect.scatter.add.f32 [tilespmem:s14], [sflag:$0x3], $0x80, s9, s12, $0xb8;
	[tilespmem:$0x1D000] =	vst v63  }
0xc7: {  	_ =	swait.ge [sflag:s10], $0x4000  }
0xc8: {  	[sflag:s10] =	ssyncset.done $0x0  }
0xc9: {  	s9 =	rddreg [dreg:$0x7];
	[sflag:s10] =	ssyncadd.s32 $0xFFFFC000  }
0xca: {  	[tilespmem:s14], [sflag:$0x2] =	stream.indirect.gather [hbm4b:s4+s12], $0x80, s9, s12, $0xb8;
	[tilespmem:$0x1D000] =	vst v63  }
0xcb: {  	_ =	swait.ge [sflag:s15], $0x4000  }
0xcc: {  	[sflag:s15] =	ssyncset.done $0x0  }
0xcd: {  	s9 =	rddreg [dreg:$0x8];
	[sflag:s15] =	ssyncadd.s32 $0xFFFFC000  }
0xce: {  	[spmem:s2] =	stream.indirect.scatter.add.f32 [tilespmem:s13], [sflag:$0x3], $0x80, s9, s12, $0xb8;
	[tilespmem:$0x1D000] =	vst v63  }
0xcf: {  	_ =	swait.ge [sflag:s10], $0x4000  }
0xd0: {  	[sflag:s10] =	ssyncset.done $0x0  }
0xd1: {  	s9 =	rddreg [dreg:$0x9];
	[sflag:s10] =	ssyncadd.s32 $0xFFFFC000  }
0xd2: {  	[tilespmem:s13], [sflag:$0x1] =	stream.indirect.gather [hbm4b:s4+s12], $0x80, s9, s12, $0xb8;
	[tilespmem:$0x1D000] =	vst v63  }
0xd3: {  	_ =	swait.ge [sflag:s16], $0x4000  }
0xd4: {  	[sflag:s16] =	ssyncset.done $0x0  }
0xd5: {  	s9 =	rddreg [dreg:$0xa];
	[sflag:s16] =	ssyncadd.s32 $0xFFFFC000  }
0xd6: {  	[spmem:s2] =	stream.indirect.scatter.add.f32 [tilespmem:s14], [sflag:$0x3], $0x80, s9, s12, $0xb8;
	[tilespmem:$0x1D000] =	vst v63  }
0xd7: {  	_ =	swait.ge [sflag:s10], $0x4000  }
0xd8: {  	[sflag:s10] =	ssyncset.done $0x0  }
0xd9: {  	s9 =	rddreg [dreg:$0xb];
	[sflag:s10] =	ssyncadd.s32 $0xFFFFC000  }
0xda: {  	[tilespmem:s14], [sflag:$0x2] =	stream.indirect.gather [hbm4b:s4+s12], $0x80, s9, s12, $0xb8;
	[tilespmem:$0x1D000] =	vst v63  }
0xdb: {  	_ =	swait.ge [sflag:s15], $0x4000  }
0xdc: {  	[sflag:s15] =	ssyncset.done $0x0  }
0xdd: {  	s9 =	rddreg [dreg:$0xc];
	[sflag:s15] =	ssyncadd.s32 $0xFFFFC000  }
0xde: {  	[spmem:s2] =	stream.indirect.scatter.add.f32 [tilespmem:s13], [sflag:$0x3], $0x80, s9, s12, $0xb8;
	[tilespmem:$0x1D000] =	vst v63  }
0xdf: {  	_ =	swait.ge [sflag:s10], $0x4000  }
0xe0: {  	[sflag:s10] =	ssyncset.done $0x0  }
0xe1: {  	s9 =	rddreg [dreg:$0xd];
	[sflag:s10] =	ssyncadd.s32 $0xFFFFC000  }
0xe2: {  	[tilespmem:s13], [sflag:$0x1] =	stream.indirect.gather [hbm4b:s4+s12], $0x80, s9, s12, $0xb8;
	[tilespmem:$0x1D000] =	vst v63  }
0xe3: {  	_ =	swait.ge [sflag:s16], $0x4000  }
0xe4: {  	[sflag:s16] =	ssyncset.done $0x0  }
0xe5: {  	s9 =	rddreg [dreg:$0xe];
	[sflag:s16] =	ssyncadd.s32 $0xFFFFC000  }
0xe6: {  	[spmem:s2] =	stream.indirect.scatter.add.f32 [tilespmem:s14], [sflag:$0x3], $0x80, s9, s12, $0xb8;
	[tilespmem:$0x1D000] =	vst v63  }
0xe7: {  	_ =	swait.ge [sflag:s10], $0x4000  }
0xe8: {  	[sflag:s10] =	ssyncset.done $0x0  }
0xe9: {  	s9 =	rddreg [dreg:$0xf];
	[sflag:s10] =	ssyncadd.s32 $0xFFFFC000  }
0xea: {  	[tilespmem:s14], [sflag:$0x2] =	stream.indirect.gather [hbm4b:s4+s12], $0x80, s9, s12, $0xb8;
	[tilespmem:$0x1D000] =	vst v63  }
0xeb: {  	_ =	swait.ge [sflag:s15], $0x4000  }
0xec: {  	[sflag:s15] =	ssyncset.done $0x0  }
0xed: {  	s9 =	rddreg [dreg:$0x10];
	[sflag:s15] =	ssyncadd.s32 $0xFFFFC000  }
0xee: {  	[spmem:s2] =	stream.indirect.scatter.add.f32 [tilespmem:s13], [sflag:$0x3], $0x80, s9, s12, $0xb8;
	[tilespmem:$0x1D000] =	vst v63  }
0xef: {  	_ =	swait.ge [sflag:s10], $0x4000  }
0xf0: {  	[sflag:s10] =	ssyncset.done $0x0  }
0xf1: {  	[sflag:s10] =	ssyncadd.s32 $0xFFFFC000  }
0xf2: {  	[tilespmem:s13], [sflag:$0x1] =	stream.indirect.gather [hbm4b:s4+s12], $0x80, s17, s12, $0xb8;
	[tilespmem:$0x1D000] =	vst v63  }
0xf3: {  	_ =	swait.ge [sflag:s16], $0x4000  }
0xf4: {  	[sflag:s16] =	ssyncset.done $0x0  }
0xf5: {  	[sflag:s16] =	ssyncadd.s32 $0xFFFFC000  }
0xf6: {  	[spmem:s2] =	stream.indirect.scatter.add.f32 [tilespmem:s14], [sflag:$0x3], $0x80, s18, s12, $0xb8;
	[tilespmem:$0x1D000] =	vst v63  }
0xf7: {  	_ =	swait.ge [sflag:s10], $0x4000  }
0xf8: {  	[sflag:s10] =	ssyncset.done $0x0  }
0xf9: {  	[sflag:s10] =	ssyncadd.s32 $0xFFFFC000  }
0xfa: {  	[tilespmem:s14], [sflag:$0x2] =	stream.indirect.gather [hbm4b:s4+s12], $0x80, s19, s12, $0xb8;
	[tilespmem:$0x1D000] =	vst v63  }
0xfb: {  	_ =	swait.ge [sflag:s15], $0x4000  }
0xfc: {  	[sflag:s15] =	ssyncset.done $0x0  }
0xfd: {  	[sflag:s15] =	ssyncadd.s32 $0xFFFFC000  }
0xfe: {  	[spmem:s2] =	stream.indirect.scatter.add.f32 [tilespmem:s13], [sflag:$0x3], $0x80, s20, s12, $0xb8;
	[tilespmem:$0x1D000] =	vst v63  }
0xff: {  	_ =	swait.ge [sflag:s10], $0x4000  }
0x100: {  	[sflag:s10] =	ssyncset.done $0x0  }
0x101: {  	[sflag:s10] =	ssyncadd.s32 $0xFFFFC000  }
0x102: {  	[tilespmem:s13], [sflag:$0x1] =	stream.indirect.gather [hbm4b:s4+s12], $0x80, s21, s12, $0xb8;
	[tilespmem:$0x1D000] =	vst v63  }
0x103: {  	_ =	swait.ge [sflag:s16], $0x4000  }
0x104: {  	[sflag:s16] =	ssyncset.done $0x0  }
0x105: {  	[sflag:s16] =	ssyncadd.s32 $0xFFFFC000  }
0x106: {  	[spmem:s2] =	stream.indirect.scatter.add.f32 [tilespmem:s14], [sflag:$0x3], $0x80, s22, s12, $0xb8;
	[tilespmem:$0x1D000] =	vst v63  }
0x107: {  	_ =	swait.ge [sflag:s10], $0x4000  }
0x108: {  	[sflag:s10] =	ssyncset.done $0x0  }
0x109: {  	[sflag:s10] =	ssyncadd.s32 $0xFFFFC000  }
0x10a: {  	[tilespmem:s14], [sflag:$0x2] =	stream.indirect.gather [hbm4b:s4+s12], $0x80, s23, s12, $0xb8;
	[tilespmem:$0x1D000] =	vst v63  }
0x10b: {  	_ =	swait.ge [sflag:s15], $0x4000  }
0x10c: {  	[sflag:s15] =	ssyncset.done $0x0  }
0x10d: {  	[sflag:s15] =	ssyncadd.s32 $0xFFFFC000  }
0x10e: {  	[spmem:s2] =	stream.indirect.scatter.add.f32 [tilespmem:s13], [sflag:$0x3], $0x80, s24, s12, $0xb8;
	[tilespmem:$0x1D000] =	vst v63  }
0x10f: {  	_ =	swait.ge [sflag:s10], $0x4000  }
0x110: {  	[sflag:s10] =	ssyncset.done $0x0  }
0x111: {  	[sflag:s10] =	ssyncadd.s32 $0xFFFFC000  }
0x112: {  	[tilespmem:s13], [sflag:$0x1] =	stream.indirect.gather [hbm4b:s4+s12], $0x80, s25, s12, $0xb8;
	[tilespmem:$0x1D000] =	vst v63  }
0x113: {  	_ =	swait.ge [sflag:s16], $0x4000  }
0x114: {  	[sflag:s16] =	ssyncset.done $0x0  }
0x115: {  	[sflag:s16] =	ssyncadd.s32 $0xFFFFC000  }
0x116: {  	[spmem:s2] =	stream.indirect.scatter.add.f32 [tilespmem:s14], [sflag:$0x3], $0x80, s26, s12, $0xb8;
	[tilespmem:$0x1D000] =	vst v63  }
0x117: {  	_ =	swait.ge [sflag:s10], $0x4000  }
0x118: {  	[sflag:s10] =	ssyncset.done $0x0  }
0x119: {  	[sflag:s10] =	ssyncadd.s32 $0xFFFFC000  }
0x11a: {  	[tilespmem:s14], [sflag:$0x2] =	stream.indirect.gather [hbm4b:s4+s12], $0x80, s28, s12, $0xb8;
	[tilespmem:$0x1D000] =	vst v63  }
0x11b: {  	_ =	swait.ge [sflag:s15], $0x4000  }
0x11c: {  	[sflag:s15] =	ssyncset.done $0x0  }
0x11d: {  	[sflag:s15] =	ssyncadd.s32 $0xFFFFC000  }
0x11e: {  	[spmem:s2] =	stream.indirect.scatter.add.f32 [tilespmem:s13], [sflag:$0x3], $0x80, s29, s12, $0xb8;
	[tilespmem:$0x1D000] =	vst v63  }
0x11f: {  	_ =	swait.ge [sflag:s10], $0x4000  }
0x120: {  	[sflag:s10] =	ssyncset.done $0x0  }
0x121: {  	[sflag:s10] =	ssyncadd.s32 $0xFFFFC000  }
0x122: {  	[tilespmem:s13], [sflag:$0x1] =	stream.indirect.gather [hbm4b:s4+s12], $0x80, s30, s12, $0xb8;
	[tilespmem:$0x1D000] =	vst v63  }
0x123: {  	_ =	swait.ge [sflag:s16], $0x4000  }
0x124: {  	[sflag:s16] =	ssyncset.done $0x0  }
0x125: {  	[sflag:s16] =	ssyncadd.s32 $0xFFFFC000  }
0x126: {  	[spmem:s2] =	stream.indirect.scatter.add.f32 [tilespmem:s14], [sflag:$0x3], $0x80, s31, s12, $0xb8;
	[tilespmem:$0x1D000] =	vst v63  }
0x127: {  	_ =	swait.ge [sflag:s10], $0x4000  }
0x128: {  	[sflag:s10] =	ssyncset.done $0x0  }
0x129: {  	[sflag:s10] =	ssyncadd.s32 $0xFFFFC000  }
0x12a: {  	[tilespmem:s14], [sflag:$0x2] =	stream.indirect.gather [hbm4b:s4+s12], $0x80, s0, s12, $0xb8;
	[tilespmem:$0x1D000] =	vst v63  }
0x12b: {  	_ =	swait.ge [sflag:s15], $0x4000  }
0x12c: {  	[sflag:s15] =	ssyncset.done $0x0  }
0x12d: {  	[sflag:s15] =	ssyncadd.s32 $0xFFFFC000  }
0x12e: {  	[spmem:s2] =	stream.indirect.scatter.add.f32 [tilespmem:s13], [sflag:$0x3], $0x80, s1, s12, $0xb8;
	[tilespmem:$0x1D000] =	vst v63  }
0x12f: {  	_ =	swait.ge [sflag:s10], $0x4000  }
0x130: {  	[sflag:s10] =	ssyncset.done $0x0  }
0x131: {  	p0 =	sne.s32 s8, $0x900;
	[sflag:s10] =	ssyncadd.s32 $0xFFFFC000  }
.Ltmp0:
0x132: {  	_ =	swait.ge [sflag:s16], $0x4000;
	(pc) =	sbr.rel @p0 .LBB2_2-.Ltmp0, $4  }
0x133: {  	[sflag:s16] =	ssyncset.done $0x0  }
0x134: {  	[sflag:s16] =	ssyncadd.s32 $0xFFFFC000  }
0x135: {  	[spmem:s2] =	stream.indirect.scatter.add.f32 [tilespmem:s14], [sflag:$0x3], $0x80, s5, s12, $0xb8;
	[tilespmem:$0x1D000] =	vst v63  }
0x136: {  	s8 =	sadd.s32 $0x100, s8;
	_ =	swait.ge [sflag:s10], $0x4000  }
0x137: {  	[sflag:s10] =	ssyncset.done $0x0  }
0x138: {  	[sflag:s10] =	ssyncadd.s32 $0xFFFFC000  }
0x139: {  	[bflag:$0x0] =	sbarrier.arrive $0xFFFF  }
0x13a: {  	s9 =	rddreg [dreg:$0x12]  }
0x13b: {  	s6 =	rddreg [dreg:$0x13]  }
0x13c: {  	s8 =	rddreg [dreg:$0x15]  }
0x13d: {  	[hbm:s6], [sflag:s9] =	dma.local [spmem:s8], $0x2800  }
0x13e: {  	_ =	swait.ge [sflag:s10], $0x2800  }
0x13f: {  	s7 =	sadd.s32 $0x1, s7;
	s6 =	rddreg [dreg:$0x14]  }
0x140: {  	p0 =	sne.s32 s7, s6  }
.Ltmp1:
0x141: {  	_ = 	snop;
	(pc) =	sbr.rel @p0 .LBB2_1-.Ltmp1, $3  }
0x142: {  	_ =	sdelay $0x1  }
0x143: {  	[sflag:s10] =	ssyncset.done $0x0  }
0x144: {  	[sflag:s10] =	ssyncadd.s32 $0xFFFFD800  }
0x145: {  	_ =	sfence.sel $0x180000  }
0x146: {  	[bflag:$0x0] =	sbarrier.arrive $0xFFFF  }
0x147: {  	_ =	strace $0x9000004A  }
0x148: {  	s0 =	stileid.u32;
	[bflag:$0x2] =	sbarrier.arrive $0xFFFF  }
0x149: {  	p0 =	sne.s32 s0, $0x0;
	s0 =	rddreg [dreg:$0x3]  }
0x14a: {  	s0 =	sadd.s32 @!p0 $0x100000, s0  }
0x14b: {  	[sflag:s0] =	ssyncadd.tile.s32 @!p0 $0x1;
	_ =	shalt  }
.Lfunc_end2:
_tile_overlayer_lowered:
.L_overlay_start_2:
0x14c: {  	(tag) =	ssettag $0x2  }
0x14d: {  	s0 =	rddreg [dreg:$0x0];
	s2 =	stileid.u32  }
0x14e: {  	s1 =	rddreg [dreg:$0x1];
	p0 =	sne.s32 s2, $0x0  }
0x14f: {  	s3 =	rddreg [dreg:$0x2];
	[bflag:$0x3] =	sbarrier.arrive $0xFFFF;
	s2 =	simm.s32 @!p0 $0x1C03  }
0x150: {  	[timem:s3], [sflag:s2] =	dma.local @!p0 [hbm:s0], s1  }
0x151: {  	s0 =	simm.s32 @!p0 $0x3  }
0x152: {  	_ =	swait.ge @!p0 [sflag:s0], s1  }
0x153: {  	s1 =	ssub.s32 @!p0 $0x0, s1;
	[sflag:s0] =	ssyncset.done @!p0 $0x0  }
0x154: {  	[sflag:s0] =	ssyncadd.s32 @!p0 s1  }
0x155: {  	[bflag:$0x3] =	sbarrier.arrive $0xFFFF  }
0x156: {  	_ =	shalt  }

</sc_bundles>
